<compile_context>
chip_gen: v7x
topology: tpu7x:2x2x1
jax: 0.10.2.dev20260603
libtpu: 0.0.44.dev20260713+nightly
codegen_flags: <defaults>
</compile_context>

<pallas_src>
import functools

import jax
import jax.numpy as jnp
import numpy as np
from jax import lax
from jax.experimental import pallas as pl
from jax.experimental.pallas import tpu as pltpu
from jax.experimental.pallas import tpu_sc as plsc

N = 10000
D = 128
E = 320000
B = 64
EPS = 1e-5

NP = 10240
EP = 327680
NC = 2
NS = 16
NW = NC * NS
ET = EP // NW
EC = 128
CH = ET // EC
NG = 2
GRP = CH // NG
RPT = NP // NS

RB = 5120
NB = NP // RB


@functools.cache
def _build_sc_degree():
    mesh = plsc.VectorSubcoreMesh(core_axis_name="c", subcore_axis_name="s")
    return functools.partial(
        pl.kernel,
        mesh=mesh,
        out_type=jax.ShapeDtypeStruct((NC * NP,), jnp.float32),
        scratch_types=[
            pltpu.VMEM((CH, EC), jnp.int32),
            pltpu.VMEM((EC,), jnp.float32),
            pltpu.VMEM_SHARED((NP,), jnp.float32),
            pltpu.SemaphoreType.DMA,
        ],
    )(_sc_degree_body)


def _sc_degree_body(dst_hbm, ones_hbm, z1_hbm, out_hbm, idx_v, ones_v, deg_sh,
                    sem):
    c = lax.axis_index("c")
    s = lax.axis_index("s")
    wid = c * NS + s
    pltpu.sync_copy(dst_hbm.at[wid], idx_v)
    pltpu.sync_copy(ones_hbm, ones_v)
    pltpu.sync_copy(z1_hbm, deg_sh.at[pl.ds(s * RPT, RPT)])
    plsc.subcore_barrier()

    def fire(j, _):
        pltpu.async_copy(ones_v, deg_sh.at[idx_v.at[j]], sem, add=True)
        return _

    def drain(j, _):
        pltpu.make_async_copy(ones_v, deg_sh.at[idx_v.at[j]], sem).wait()
        return _

    lax.fori_loop(0, CH, fire, None)
    lax.fori_loop(0, CH, drain, None)
    plsc.subcore_barrier()
    pltpu.sync_copy(deg_sh.at[pl.ds(s * RPT, RPT)],
                    out_hbm.at[pl.ds(c * NP + s * RPT, RPT)])


def _sc_degree(dstp, ones128, z1):
    return _build_sc_degree()(dstp, ones128, z1)


@functools.cache
def _build_sc_scatter():
    mesh = plsc.VectorSubcoreMesh(core_axis_name="c", subcore_axis_name="s")
    return functools.partial(
        pl.kernel,
        mesh=mesh,
        out_type=jax.ShapeDtypeStruct((NC * NP, D), jnp.float32),
        scratch_types=[
            pltpu.VMEM((GRP, EC), jnp.int32),
            pltpu.VMEM((GRP, EC), jnp.int32),
            pltpu.VMEM((EC, D), jnp.float32),
            pltpu.VMEM((EC, D), jnp.float32),
            pltpu.VMEM_SHARED((NP, D), jnp.float32),
            pltpu.SemaphoreType.DMA,
            pltpu.SemaphoreType.DMA,
            pltpu.SemaphoreType.DMA,
            pltpu.SemaphoreType.DMA,
        ],
    )(_sc_scatter_body)


def _sc_scatter_body(u_hbm, src_hbm, dst_hbm, zrows_hbm, out_hbm,
                     src_v, dst_v, rows0, rows1, acc_sh,
                     gsem0, gsem1, ssem0, ssem1):
    c = lax.axis_index("c")
    s = lax.axis_index("s")
    wid = c * NS + s
    cz = pltpu.async_copy(zrows_hbm, acc_sh.at[pl.ds(s * RPT, RPT)], ssem0)
    c0 = pltpu.async_copy(src_hbm.at[wid * NG], src_v, gsem0)
    c1 = pltpu.async_copy(dst_hbm.at[wid * NG], dst_v, gsem1)
    c0.wait()
    c1.wait()
    cz.wait()
    plsc.subcore_barrier()

    rows = (rows0, rows1)
    gsem = (gsem0, gsem1)
    ssem = (ssem0, ssem1)

    def body(j, _):
        for b in (0, 1):
            @pl.when(j % 2 == b)
            def _branch():
                nb = 1 - b
                @pl.when(j >= 1)
                def _drain_prev():
                    pltpu.make_async_copy(
                        rows[nb], acc_sh.at[dst_v.at[j - 1]], ssem[nb]).wait()

                @pl.when(j + 1 < GRP)
                def _prefetch():
                    pltpu.async_copy(u_hbm.at[src_v.at[j + 1]], rows[nb],
                                     gsem[nb])

                pltpu.make_async_copy(u_hbm.at[src_v.at[j]], rows[b],
                                      gsem[b]).wait()
                pltpu.async_copy(rows[b], acc_sh.at[dst_v.at[j]], ssem[b],
                                 add=True)
        return _

    for g in range(NG):
        if g > 0:
            cg0 = pltpu.async_copy(src_hbm.at[wid * NG + g], src_v, gsem0)
            cg1 = pltpu.async_copy(dst_hbm.at[wid * NG + g], dst_v, gsem1)
            cg0.wait()
            cg1.wait()
        pltpu.async_copy(u_hbm.at[src_v.at[0]], rows0, gsem0)
        lax.fori_loop(0, GRP, body, None)
        pltpu.make_async_copy(rows[(GRP - 1) % 2], acc_sh.at[dst_v.at[GRP - 1]],
                              ssem[(GRP - 1) % 2]).wait()
    plsc.subcore_barrier()
    pltpu.sync_copy(acc_sh.at[pl.ds(s * RPT, RPT)],
                    out_hbm.at[pl.ds(c * NP + s * RPT, RPT)])


def _sc_scatter(u, srcp, dstp, zrows):
    return _build_sc_scatter()(u, srcp, dstp, zrows)



def _dinv_block(d0_ref, d1_ref):
    return lax.rsqrt(d0_ref[0, 0, :] + d1_ref[0, 0, :] + 1.0)


def _ka_body(x_ref, w_ref, d0_ref, d1_ref, u_ref):
    dinv = _dinv_block(d0_ref, d1_ref)
    hw = jnp.dot(x_ref[...], w_ref[...], preferred_element_type=jnp.float32)
    u_ref[...] = hw * dinv[:, None]


def _tc_layer0(xp, W1, deg0, deg1):
    return pl.pallas_call(
        _ka_body,
        grid=(NB,),
        in_specs=[
            pl.BlockSpec((RB, D), lambda i: (i, 0)),
            pl.BlockSpec((D, D), lambda i: (0, 0)),
            pl.BlockSpec((1, 1, RB), lambda i: (i, 0, 0)),
            pl.BlockSpec((1, 1, RB), lambda i: (i, 0, 0)),
        ],
        out_specs=pl.BlockSpec((RB, D), lambda i: (i, 0)),
        out_shape=jax.ShapeDtypeStruct((NP, D), jnp.float32),
    )(xp, W1, deg0, deg1)


def _layer_post(acc_a, acc_b, u, dinv, b, g, be, res):
    a = (acc_a + acc_b + u) * dinv[:, None] + b[0]
    m = jnp.mean(a, axis=1, keepdims=True)
    v = jnp.mean((a - m) ** 2, axis=1, keepdims=True)
    ln = (a - m) * lax.rsqrt(v + EPS) * g[0] + be[0]
    return jnp.maximum(ln, 0.0) + res


def _kb_body(aa_ref, ab_ref, u1_ref, d0_ref, d1_ref, b1_ref, g1_ref, be1_ref,
             x_ref, w2_ref, h_ref, u2_ref):
    dinv = _dinv_block(d0_ref, d1_ref)
    h = _layer_post(aa_ref[...], ab_ref[...], u1_ref[...], dinv,
                    b1_ref[...], g1_ref[...], be1_ref[...], x_ref[...])
    h_ref[...] = h
    hw2 = jnp.dot(h, w2_ref[...], preferred_element_type=jnp.float32)
    u2_ref[...] = hw2 * dinv[:, None]


def _tc_layer1(acc1, u1, deg0, deg1, b1, g1, be1, xp, W2):
    row = pl.BlockSpec((RB, D), lambda i: (i, 0))
    row_hi = pl.BlockSpec((RB, D), lambda i: (i + NB, 0))
    vec = pl.BlockSpec((1, D), lambda i: (0, 0))
    dspec = pl.BlockSpec((1, 1, RB), lambda i: (i, 0, 0))
    return pl.pallas_call(
        _kb_body,
        grid=(NB,),
        in_specs=[row, row_hi, row, dspec, dspec, vec, vec, vec, row,
                  pl.BlockSpec((D, D), lambda i: (0, 0))],
        out_specs=[row, row],
        out_shape=[jax.ShapeDtypeStruct((NP, D), jnp.float32),
                   jax.ShapeDtypeStruct((NP, D), jnp.float32)],
    )(acc1, acc1, u1, deg0, deg1, b1, g1, be1, xp, W2)


def _kc_body(aa_ref, ab_ref, u2_ref, d0_ref, d1_ref, b2_ref, g2_ref, be2_ref,
             h_ref, ids_ref, wo_ref, bo_ref, out_ref, sums_ref, cnts_ref):
    dinv = _dinv_block(d0_ref, d1_ref)
    t = _layer_post(aa_ref[...], ab_ref[...], u2_ref[...], dinv,
                    b2_ref[...], g2_ref[...], be2_ref[...], h_ref[...])
    ids = ids_ref[0, 0, :]
    onehot = (ids[:, None] == lax.broadcasted_iota(jnp.int32, (RB, B), 1))
    onehot = onehot.astype(jnp.float32)

    @pl.when(pl.program_id(0) == 0)
    def _init():
        sums_ref[...] = jnp.zeros_like(sums_ref)
        cnts_ref[...] = jnp.zeros_like(cnts_ref)

    sums_ref[...] += lax.dot_general(
        onehot, t, (((0,), (0,)), ((), ())),
        preferred_element_type=jnp.float32)
    cnts_ref[...] += jnp.broadcast_to(
        jnp.sum(onehot, axis=0)[:, None], (B, D))

    @pl.when(pl.program_id(0) == NB - 1)
    def _project():
        hg = sums_ref[...] / jnp.maximum(cnts_ref[...], 1.0)
        out_ref[...] = jnp.dot(hg, wo_ref[...],
                               preferred_element_type=jnp.float32) + bo_ref[...]


def _tc_layer2_pool(acc2, u2, deg0, deg1, b2, g2, be2, h, batch_r, Wo, bo):
    row = pl.BlockSpec((RB, D), lambda i: (i, 0))
    row_hi = pl.BlockSpec((RB, D), lambda i: (i + NB, 0))
    vec = pl.BlockSpec((1, D), lambda i: (0, 0))
    dspec = pl.BlockSpec((1, 1, RB), lambda i: (i, 0, 0))
    pool = pl.BlockSpec((B, D), lambda i: (0, 0))
    return pl.pallas_call(
        _kc_body,
        grid=(NB,),
        in_specs=[row, row_hi, row, dspec, dspec, vec, vec, vec, row, dspec,
                  pl.BlockSpec((D, D), lambda i: (0, 0)), vec],
        out_specs=pool,
        out_shape=jax.ShapeDtypeStruct((B, D), jnp.float32),
        scratch_shapes=[pltpu.VMEM((B, D), jnp.float32),
                        pltpu.VMEM((B, D), jnp.float32)],
    )(acc2, acc2, u2, deg0, deg1, b2, g2, be2, h, batch_r, Wo,
      bo.reshape(1, D))



def kernel(x, edge_index, batch, W1, b1, g1, be1, W2, b2, g2, be2, Wo, bo):
    src, dst = edge_index[0], edge_index[1]
    pad_ids = jnp.asarray(N + np.arange(EP - E, dtype=np.int32) % (NP - N))
    srcp = jnp.concatenate([src, pad_ids]).reshape(NW * NG, GRP, EC)
    dstp = jnp.concatenate([dst, pad_ids]).reshape(NW * NG, GRP, EC)
    dst_deg = dstp.reshape(NW, CH, EC)
    xp = jnp.pad(x, ((0, NP - N), (0, 0)))
    batch_r = jnp.pad(batch, (0, NP - N), constant_values=B).reshape(NB, 1, RB)

    ones_ec = jnp.ones((EC,), jnp.float32)
    z1 = jnp.zeros((RPT,), jnp.float32)
    zrows = jnp.zeros((RPT, D), jnp.float32)

    deg = _sc_degree(dst_deg, ones_ec, z1)
    deg0 = deg[:NP].reshape(NB, 1, RB)
    deg1 = deg[NP:].reshape(NB, 1, RB)

    u1 = _tc_layer0(xp, W1, deg0, deg1)

    acc1 = _sc_scatter(u1, srcp, dstp, zrows)
    h, u2 = _tc_layer1(acc1, u1, deg0, deg1,
                       b1.reshape(1, D), g1.reshape(1, D), be1.reshape(1, D),
                       xp, W2)

    acc2 = _sc_scatter(u2, srcp, dstp, zrows)
    return _tc_layer2_pool(acc2, u2, deg0, deg1,
                           b2.reshape(1, D), g2.reshape(1, D),
                           be2.reshape(1, D), h, batch_r, Wo, bo)

# --- scband reference (transcript-rebuilt; emitter-appended) ---
"""Pipeline reference for scband-syntax-gnnencoder-3264175145013 (READ-ONLY COPY).

The authoritative reference and input builder live on the scoring server;
editing this copy changes nothing except your own understanding.
"""

import jax, jax.numpy as jnp
import numpy as np

N = 10000
E = 320000
D = 128
B = 64
EPS = 1e-5


def setup_inputs(seed: int = 0) -> dict:
    key = jax.random.key(seed)
    ks = jax.random.split(key, 16)
    x = jax.random.normal(ks[0], (N, D), dtype=jnp.float32)
    edge_index = jax.random.randint(ks[1], (2, E), 0, N, dtype=jnp.int32)
    batch = jnp.sort(jax.random.randint(ks[2], (N,), 0, B, dtype=jnp.int32))
    s = 1.0 / np.sqrt(D)
    W1 = jax.random.normal(ks[3], (D, D), dtype=jnp.float32) * s
    b1 = jnp.zeros((D,), dtype=jnp.float32)
    g1 = jnp.ones((D,), dtype=jnp.float32)
    be1 = jnp.zeros((D,), dtype=jnp.float32)
    W2 = jax.random.normal(ks[4], (D, D), dtype=jnp.float32) * s
    b2 = jnp.zeros((D,), dtype=jnp.float32)
    g2 = jnp.ones((D,), dtype=jnp.float32)
    be2 = jnp.zeros((D,), dtype=jnp.float32)
    Wo = jax.random.normal(ks[5], (D, D), dtype=jnp.float32) * s
    bo = jnp.zeros((D,), dtype=jnp.float32)
    return {"x": x, "edge_index": edge_index, "batch": batch,
            "W1": W1, "b1": b1, "g1": g1, "be1": be1,
            "W2": W2, "b2": b2, "g2": g2, "be2": be2,
            "Wo": Wo, "bo": bo}


def _layer_norm(h, g, b):
    m = jnp.mean(h, axis=-1, keepdims=True)
    v = jnp.mean((h - m) ** 2, axis=-1, keepdims=True)
    return (h - m) / jnp.sqrt(v + EPS) * g + b


def _gcn_conv(h, src, dst, W, b):
    # GCNConv with add_self_loops=True, normalize=True (symmetric norm)
    loop = jnp.arange(N, dtype=src.dtype)
    s = jnp.concatenate([src, loop])
    d = jnp.concatenate([dst, loop])
    hw = h @ W
    deg = jnp.zeros((N,), dtype=jnp.float32).at[d].add(1.0)
    dinv = jnp.where(deg > 0, deg ** -0.5, 0.0)
    norm = dinv[s] * dinv[d]
    msg = hw[s] * norm[:, None]
    out = jnp.zeros((N, W.shape[1]), dtype=jnp.float32).at[d].add(msg)
    return out + b


def reference(x, edge_index, batch, W1, b1, g1, be1, W2, b2, g2, be2, Wo, bo):
    src, dst = edge_index[0], edge_index[1]
    # layer 1 (in_dim == hidden_dim -> residual active); dropout is eval no-op
    h = _gcn_conv(x, src, dst, W1, b1)
    h = _layer_norm(h, g1, be1)
    h = jax.nn.relu(h)
    h = h + x
    # layer 2
    h2 = _gcn_conv(h, src, dst, W2, b2)
    h2 = _layer_norm(h2, g2, be2)
    h2 = jax.nn.relu(h2)
    h2 = h2 + h
    # global mean pool
    sums = jax.ops.segment_sum(h2, batch, num_segments=B)
    cnts = jax.ops.segment_sum(jnp.ones((N,), dtype=jnp.float32), batch, num_segments=B)
    hG = sums / jnp.maximum(cnts, 1.0)[:, None]
    return hG @ Wo + bo

if __name__ == "__main__":
    import jax
    _d = setup_inputs()
    print(jax.jit(kernel)(*tuple(_d.values())))

</pallas_src>

<mosaic_0001>
#map = affine_map<(d0, d1) -> (0, 0, 0)>
#map1 = affine_map<(d0, d1) -> (0)>
module attributes {stable_mosaic.version = 14 : i64} {
  func.func @_sc_degree_body(%arg0: i32, %arg1: i32, %arg2: memref<32x80x128xi32, #tpu.memory_space<hbm>>, %arg3: memref<128xf32, #tpu.memory_space<hbm>>, %arg4: memref<640xf32, #tpu.memory_space<hbm>>, %arg5: memref<20480xf32, #tpu.memory_space<hbm>>, %arg6: memref<80x128xi32, #tpu.memory_space<vmem>>, %arg7: memref<128xf32, #tpu.memory_space<vmem>>, %arg8: memref<10240xf32, #tpu.memory_space<vmem_shared>>, %arg9: memref<!tpu.dma_semaphore, #tpu.memory_space<semaphore_mem>>) attributes {dimension_semantics = [#tpu.dimension_semantics<core_parallel>, #tpu.dimension_semantics<subcore_parallel>], iteration_bounds = array<i64: 2, 16>, scalar_prefetch = 0 : i64, scratch_operands = 4 : i64, tpu.core_type = #tpu.core_type<sc_vector_subcore>, window_params = [{transform_indices = #map}, {transform_indices = #map1}, {transform_indices = #map1}, {transform_indices = #map1}]} {
    %mul3A = arith.constant 16 : i32
    %mul3A_0 = arith.muli %arg0, %mul3A : i32
    %add3A = arith.addi %mul3A_0, %arg1 : i32
    "tpu.region"() ({
      %run_scoped3A = tpu.sem_alloc : memref<!tpu.dma_semaphore, #tpu.memory_space<semaphore_mem>>
      %dma_start3A = arith.constant 0 : i32
      %dma_start3A_20 = arith.constant 0 : i32
      %dma_start3A_21 = tpu.memref_slice %arg2[%add3A, %dma_start3A, %dma_start3A_20] : memref<32x80x128xi32, #tpu.memory_space<hbm>> -> memref<1x80x128xi32, #tpu.memory_space<hbm>>
      %dma_start3A_22 = tpu.memref_squeeze %dma_start3A_21 : memref<1x80x128xi32, #tpu.memory_space<hbm>> -> memref<80x128xi32, #tpu.memory_space<hbm>>
      %dma_start3A_23 = arith.constant 0 : i32
      %dma_start3A_24 = arith.constant 0 : i32
      %dma_start3A_25 = tpu.memref_slice %arg2[%add3A, %dma_start3A_23, %dma_start3A_24] : memref<32x80x128xi32, #tpu.memory_space<hbm>> -> memref<1x80x128xi32, #tpu.memory_space<hbm>>
      %dma_start3A_26 = tpu.memref_squeeze %dma_start3A_25 : memref<1x80x128xi32, #tpu.memory_space<hbm>> -> memref<80x128xi32, #tpu.memory_space<hbm>>
      tpu.enqueue_dma source(%dma_start3A_26 : memref<80x128xi32, #tpu.memory_space<hbm>>) target(%arg6 : memref<80x128xi32, #tpu.memory_space<vmem>>) target_semaphore(%run_scoped3A : memref<!tpu.dma_semaphore, #tpu.memory_space<semaphore_mem>>)
      %dma_wait3A = arith.constant 0 : i32
      %dma_wait3A_27 = arith.constant 0 : i32
      %dma_wait3A_28 = tpu.memref_slice %arg2[%add3A, %dma_wait3A, %dma_wait3A_27] : memref<32x80x128xi32, #tpu.memory_space<hbm>> -> memref<1x80x128xi32, #tpu.memory_space<hbm>>
      %dma_wait3A_29 = tpu.memref_squeeze %dma_wait3A_28 : memref<1x80x128xi32, #tpu.memory_space<hbm>> -> memref<80x128xi32, #tpu.memory_space<hbm>>
      %dma_wait3A_30 = arith.constant 0 : i32
      %dma_wait3A_31 = arith.constant 0 : i32
      %dma_wait3A_32 = tpu.memref_slice %arg2[%add3A, %dma_wait3A_30, %dma_wait3A_31] : memref<32x80x128xi32, #tpu.memory_space<hbm>> -> memref<1x80x128xi32, #tpu.memory_space<hbm>>
      %dma_wait3A_33 = tpu.memref_squeeze %dma_wait3A_32 : memref<1x80x128xi32, #tpu.memory_space<hbm>> -> memref<80x128xi32, #tpu.memory_space<hbm>>
      tpu.wait_dma2 semaphore(%run_scoped3A : memref<!tpu.dma_semaphore, #tpu.memory_space<semaphore_mem>>) src(%dma_wait3A_33 : memref<80x128xi32, #tpu.memory_space<hbm>>) dst(%arg6 : memref<80x128xi32, #tpu.memory_space<vmem>>)
      tpu.yield
    }) : () -> ()
    "tpu.region"() ({
      %run_scoped3A = tpu.sem_alloc : memref<!tpu.dma_semaphore, #tpu.memory_space<semaphore_mem>>
      tpu.enqueue_dma source(%arg3 : memref<128xf32, #tpu.memory_space<hbm>>) target(%arg7 : memref<128xf32, #tpu.memory_space<vmem>>) target_semaphore(%run_scoped3A : memref<!tpu.dma_semaphore, #tpu.memory_space<semaphore_mem>>)
      tpu.wait_dma2 semaphore(%run_scoped3A : memref<!tpu.dma_semaphore, #tpu.memory_space<semaphore_mem>>) src(%arg3 : memref<128xf32, #tpu.memory_space<hbm>>) dst(%arg7 : memref<128xf32, #tpu.memory_space<vmem>>)
      tpu.yield
    }) : () -> ()
    %mul3A_1 = arith.constant 640 : i32
    %mul3A_2 = arith.muli %arg1, %mul3A_1 : i32
    "tpu.region"() ({
      %run_scoped3A = tpu.sem_alloc : memref<!tpu.dma_semaphore, #tpu.memory_space<semaphore_mem>>
      %dma_start3A = tpu.memref_slice %arg8[%mul3A_2] : memref<10240xf32, #tpu.memory_space<vmem_shared>> -> memref<640xf32, #tpu.memory_space<vmem_shared>>
      tpu.enqueue_dma source(%arg4 : memref<640xf32, #tpu.memory_space<hbm>>) target(%dma_start3A : memref<640xf32, #tpu.memory_space<vmem_shared>>) target_semaphore(%run_scoped3A : memref<!tpu.dma_semaphore, #tpu.memory_space<semaphore_mem>>)
      %dma_wait3A = tpu.memref_slice %arg8[%mul3A_2] : memref<10240xf32, #tpu.memory_space<vmem_shared>> -> memref<640xf32, #tpu.memory_space<vmem_shared>>
      tpu.wait_dma2 semaphore(%run_scoped3A : memref<!tpu.dma_semaphore, #tpu.memory_space<semaphore_mem>>) src(%arg4 : memref<640xf32, #tpu.memory_space<hbm>>) dst(%dma_wait3A : memref<640xf32, #tpu.memory_space<vmem_shared>>)
      tpu.yield
    }) : () -> ()
    %barrier3A = arith.constant 0 : index
    tpu.barrier barrier_id(%barrier3A)
    %scan3A = arith.constant 0 : i32
    %scan3A_3 = arith.constant 80 : i32
    %scan3A_4 = arith.addi %scan3A, %scan3A_3 : i32
    %scan3A_5 = arith.constant 1 : i32
    scf.for %scan3A_20 = %scan3A to %scan3A_4 step %scan3A_5  : i32 {
      %dma_start3A = arith.constant 0 : i32
      %dma_start3A_21 = tpu.memref_slice %arg6[%scan3A_20, %dma_start3A] : memref<80x128xi32, #tpu.memory_space<vmem>> -> memref<1x128xi32, #tpu.memory_space<vmem>>
      %dma_start3A_22 = tpu.memref_squeeze %dma_start3A_21 : memref<1x128xi32, #tpu.memory_space<vmem>> -> memref<128xi32, #tpu.memory_space<vmem>>
      %dma_start3A_23 = arith.constant 0 : i32
      %dma_start3A_24 = tpu.memref_slice %arg8[%dma_start3A_23] : memref<10240xf32, #tpu.memory_space<vmem_shared>> -> memref<10240xf32, #tpu.memory_space<vmem_shared>>
      tpu.enqueue_indirect_dma source(%arg7 : memref<128xf32, #tpu.memory_space<vmem>>) target(%dma_start3A_24 : memref<10240xf32, #tpu.memory_space<vmem_shared>>) offsets(%dma_start3A_22 : memref<128xi32, #tpu.memory_space<vmem>>) semaphore(%arg9 : memref<!tpu.dma_semaphore, #tpu.memory_space<semaphore_mem>>) {add = true}
    }
    %scan3A_6 = arith.constant 80 : i32
    %scan3A_7 = arith.constant 0 : i32
    %scan3A_8 = arith.constant 80 : i32
    %scan3A_9 = arith.addi %scan3A_7, %scan3A_8 : i32
    %scan3A_10 = arith.constant 1 : i32
    scf.for %scan3A_20 = %scan3A_7 to %scan3A_9 step %scan3A_10  : i32 {
      %dma_wait3A = arith.constant 0 : i32
      %dma_wait3A_21 = tpu.memref_slice %arg6[%scan3A_20, %dma_wait3A] : memref<80x128xi32, #tpu.memory_space<vmem>> -> memref<1x128xi32, #tpu.memory_space<vmem>>
      %dma_wait3A_22 = tpu.memref_squeeze %dma_wait3A_21 : memref<1x128xi32, #tpu.memory_space<vmem>> -> memref<128xi32, #tpu.memory_space<vmem>>
      %dma_wait3A_23 = arith.constant 0 : i32
      %dma_wait3A_24 = tpu.memref_slice %arg8[%dma_wait3A_23] : memref<10240xf32, #tpu.memory_space<vmem_shared>> -> memref<10240xf32, #tpu.memory_space<vmem_shared>>
      tpu.wait_indirect_dma semaphore(%arg9 : memref<!tpu.dma_semaphore, #tpu.memory_space<semaphore_mem>>) src(%arg7 : memref<128xf32, #tpu.memory_space<vmem>>) dst(%dma_wait3A_24 : memref<10240xf32, #tpu.memory_space<vmem_shared>>)
    }
    %scan3A_11 = arith.constant 80 : i32
    %barrier3A_12 = arith.constant 0 : index
    tpu.barrier barrier_id(%barrier3A_12)
    %mul3A_13 = arith.constant 640 : i32
    %mul3A_14 = arith.muli %arg1, %mul3A_13 : i32
    %mul3A_15 = arith.constant 10240 : i32
    %mul3A_16 = arith.muli %arg0, %mul3A_15 : i32
    %mul3A_17 = arith.constant 640 : i32
    %mul3A_18 = arith.muli %arg1, %mul3A_17 : i32
    %add3A_19 = arith.addi %mul3A_16, %mul3A_18 : i32
    "tpu.region"() ({
      %run_scoped3A = tpu.sem_alloc : memref<!tpu.dma_semaphore, #tpu.memory_space<semaphore_mem>>
      %dma_start3A = tpu.memref_slice %arg5[%add3A_19] : memref<20480xf32, #tpu.memory_space<hbm>> -> memref<640xf32, #tpu.memory_space<hbm>>
      %dma_start3A_20 = tpu.memref_slice %arg8[%mul3A_14] : memref<10240xf32, #tpu.memory_space<vmem_shared>> -> memref<640xf32, #tpu.memory_space<vmem_shared>>
      tpu.enqueue_dma source(%dma_start3A_20 : memref<640xf32, #tpu.memory_space<vmem_shared>>) target(%dma_start3A : memref<640xf32, #tpu.memory_space<hbm>>) target_semaphore(%run_scoped3A : memref<!tpu.dma_semaphore, #tpu.memory_space<semaphore_mem>>)
      %dma_wait3A = tpu.memref_slice %arg5[%add3A_19] : memref<20480xf32, #tpu.memory_space<hbm>> -> memref<640xf32, #tpu.memory_space<hbm>>
      %dma_wait3A_21 = tpu.memref_slice %arg8[%mul3A_14] : memref<10240xf32, #tpu.memory_space<vmem_shared>> -> memref<640xf32, #tpu.memory_space<vmem_shared>>
      tpu.wait_dma2 semaphore(%run_scoped3A : memref<!tpu.dma_semaphore, #tpu.memory_space<semaphore_mem>>) src(%dma_wait3A_21 : memref<640xf32, #tpu.memory_space<vmem_shared>>) dst(%dma_wait3A : memref<640xf32, #tpu.memory_space<hbm>>)
      tpu.yield
    }) : () -> ()
    return
  }
}

#map = affine_map<(d0, d1) -> (0, 0)>
#map1 = affine_map<(d0, d1) -> (0, 0, 0)>
module attributes {stable_mosaic.version = 14 : i64} {
  func.func @_sc_scatter_body(%arg0: i32, %arg1: i32, %arg2: memref<10240x128xf32, #tpu.memory_space<hbm>>, %arg3: memref<64x40x128xi32, #tpu.memory_space<hbm>>, %arg4: memref<64x40x128xi32, #tpu.memory_space<hbm>>, %arg5: memref<640x128xf32, #tpu.memory_space<hbm>>, %arg6: memref<20480x128xf32, #tpu.memory_space<hbm>>, %arg7: memref<40x128xi32, #tpu.memory_space<vmem>>, %arg8: memref<40x128xi32, #tpu.memory_space<vmem>>, %arg9: memref<128x128xf32, #tpu.memory_space<vmem>>, %arg10: memref<128x128xf32, #tpu.memory_space<vmem>>, %arg11: memref<10240x128xf32, #tpu.memory_space<vmem_shared>>, %arg12: memref<!tpu.dma_semaphore, #tpu.memory_space<semaphore_mem>>, %arg13: memref<!tpu.dma_semaphore, #tpu.memory_space<semaphore_mem>>, %arg14: memref<!tpu.dma_semaphore, #tpu.memory_space<semaphore_mem>>, %arg15: memref<!tpu.dma_semaphore, #tpu.memory_space<semaphore_mem>>) attributes {dimension_semantics = [#tpu.dimension_semantics<core_parallel>, #tpu.dimension_semantics<subcore_parallel>], iteration_bounds = array<i64: 2, 16>, scalar_prefetch = 0 : i64, scratch_operands = 9 : i64, tpu.core_type = #tpu.core_type<sc_vector_subcore>, window_params = [{transform_indices = #map}, {transform_indices = #map1}, {transform_indices = #map1}, {transform_indices = #map}, {transform_indices = #map}]} {
    %mul3A = arith.constant 16 : i32
    %mul3A_0 = arith.muli %arg0, %mul3A : i32
    %add3A = arith.addi %mul3A_0, %arg1 : i32
    %mul3A_1 = arith.constant 640 : i32
    %mul3A_2 = arith.muli %arg1, %mul3A_1 : i32
    %dma_start3A = arith.constant 0 : i32
    %dma_start3A_3 = tpu.memref_slice %arg11[%mul3A_2, %dma_start3A] : memref<10240x128xf32, #tpu.memory_space<vmem_shared>> -> memref<640x128xf32, #tpu.memory_space<vmem_shared>>
    tpu.enqueue_dma source(%arg5 : memref<640x128xf32, #tpu.memory_space<hbm>>) target(%dma_start3A_3 : memref<640x128xf32, #tpu.memory_space<vmem_shared>>) target_semaphore(%arg14 : memref<!tpu.dma_semaphore, #tpu.memory_space<semaphore_mem>>)
    %mul3A_4 = arith.constant 2 : i32
    %mul3A_5 = arith.muli %add3A, %mul3A_4 : i32
    %dma_start3A_6 = arith.constant 0 : i32
    %dma_start3A_7 = arith.constant 0 : i32
    %dma_start3A_8 = tpu.memref_slice %arg3[%mul3A_5, %dma_start3A_6, %dma_start3A_7] : memref<64x40x128xi32, #tpu.memory_space<hbm>> -> memref<1x40x128xi32, #tpu.memory_space<hbm>>
    %dma_start3A_9 = tpu.memref_squeeze %dma_start3A_8 : memref<1x40x128xi32, #tpu.memory_space<hbm>> -> memref<40x128xi32, #tpu.memory_space<hbm>>
    %dma_start3A_10 = arith.constant 0 : i32
    %dma_start3A_11 = arith.constant 0 : i32
    %dma_start3A_12 = tpu.memref_slice %arg3[%mul3A_5, %dma_start3A_10, %dma_start3A_11] : memref<64x40x128xi32, #tpu.memory_space<hbm>> -> memref<1x40x128xi32, #tpu.memory_space<hbm>>
    %dma_start3A_13 = tpu.memref_squeeze %dma_start3A_12 : memref<1x40x128xi32, #tpu.memory_space<hbm>> -> memref<40x128xi32, #tpu.memory_space<hbm>>
    tpu.enqueue_dma source(%dma_start3A_13 : memref<40x128xi32, #tpu.memory_space<hbm>>) target(%arg7 : memref<40x128xi32, #tpu.memory_space<vmem>>) target_semaphore(%arg12 : memref<!tpu.dma_semaphore, #tpu.memory_space<semaphore_mem>>)
    %mul3A_14 = arith.constant 2 : i32
    %mul3A_15 = arith.muli %add3A, %mul3A_14 : i32
    %dma_start3A_16 = arith.constant 0 : i32
    %dma_start3A_17 = arith.constant 0 : i32
    %dma_start3A_18 = tpu.memref_slice %arg4[%mul3A_15, %dma_start3A_16, %dma_start3A_17] : memref<64x40x128xi32, #tpu.memory_space<hbm>> -> memref<1x40x128xi32, #tpu.memory_space<hbm>>
    %dma_start3A_19 = tpu.memref_squeeze %dma_start3A_18 : memref<1x40x128xi32, #tpu.memory_space<hbm>> -> memref<40x128xi32, #tpu.memory_space<hbm>>
    %dma_start3A_20 = arith.constant 0 : i32
    %dma_start3A_21 = arith.constant 0 : i32
    %dma_start3A_22 = tpu.memref_slice %arg4[%mul3A_15, %dma_start3A_20, %dma_start3A_21] : memref<64x40x128xi32, #tpu.memory_space<hbm>> -> memref<1x40x128xi32, #tpu.memory_space<hbm>>
    %dma_start3A_23 = tpu.memref_squeeze %dma_start3A_22 : memref<1x40x128xi32, #tpu.memory_space<hbm>> -> memref<40x128xi32, #tpu.memory_space<hbm>>
    tpu.enqueue_dma source(%dma_start3A_23 : memref<40x128xi32, #tpu.memory_space<hbm>>) target(%arg8 : memref<40x128xi32, #tpu.memory_space<vmem>>) target_semaphore(%arg13 : memref<!tpu.dma_semaphore, #tpu.memory_space<semaphore_mem>>)
    %dma_wait3A = arith.constant 0 : i32
    %dma_wait3A_24 = arith.constant 0 : i32
    %dma_wait3A_25 = tpu.memref_slice %arg3[%mul3A_5, %dma_wait3A, %dma_wait3A_24] : memref<64x40x128xi32, #tpu.memory_space<hbm>> -> memref<1x40x128xi32, #tpu.memory_space<hbm>>
    %dma_wait3A_26 = tpu.memref_squeeze %dma_wait3A_25 : memref<1x40x128xi32, #tpu.memory_space<hbm>> -> memref<40x128xi32, #tpu.memory_space<hbm>>
    %dma_wait3A_27 = arith.constant 0 : i32
    %dma_wait3A_28 = arith.constant 0 : i32
    %dma_wait3A_29 = tpu.memref_slice %arg3[%mul3A_5, %dma_wait3A_27, %dma_wait3A_28] : memref<64x40x128xi32, #tpu.memory_space<hbm>> -> memref<1x40x128xi32, #tpu.memory_space<hbm>>
    %dma_wait3A_30 = tpu.memref_squeeze %dma_wait3A_29 : memref<1x40x128xi32, #tpu.memory_space<hbm>> -> memref<40x128xi32, #tpu.memory_space<hbm>>
    tpu.wait_dma2 semaphore(%arg12 : memref<!tpu.dma_semaphore, #tpu.memory_space<semaphore_mem>>) src(%dma_wait3A_30 : memref<40x128xi32, #tpu.memory_space<hbm>>) dst(%arg7 : memref<40x128xi32, #tpu.memory_space<vmem>>)
    %dma_wait3A_31 = arith.constant 0 : i32
    %dma_wait3A_32 = arith.constant 0 : i32
    %dma_wait3A_33 = tpu.memref_slice %arg4[%mul3A_15, %dma_wait3A_31, %dma_wait3A_32] : memref<64x40x128xi32, #tpu.memory_space<hbm>> -> memref<1x40x128xi32, #tpu.memory_space<hbm>>
    %dma_wait3A_34 = tpu.memref_squeeze %dma_wait3A_33 : memref<1x40x128xi32, #tpu.memory_space<hbm>> -> memref<40x128xi32, #tpu.memory_space<hbm>>
    %dma_wait3A_35 = arith.constant 0 : i32
    %dma_wait3A_36 = arith.constant 0 : i32
    %dma_wait3A_37 = tpu.memref_slice %arg4[%mul3A_15, %dma_wait3A_35, %dma_wait3A_36] : memref<64x40x128xi32, #tpu.memory_space<hbm>> -> memref<1x40x128xi32, #tpu.memory_space<hbm>>
    %dma_wait3A_38 = tpu.memref_squeeze %dma_wait3A_37 : memref<1x40x128xi32, #tpu.memory_space<hbm>> -> memref<40x128xi32, #tpu.memory_space<hbm>>
    tpu.wait_dma2 semaphore(%arg13 : memref<!tpu.dma_semaphore, #tpu.memory_space<semaphore_mem>>) src(%dma_wait3A_38 : memref<40x128xi32, #tpu.memory_space<hbm>>) dst(%arg8 : memref<40x128xi32, #tpu.memory_space<vmem>>)
    %dma_wait3A_39 = arith.constant 0 : i32
    %dma_wait3A_40 = tpu.memref_slice %arg11[%mul3A_2, %dma_wait3A_39] : memref<10240x128xf32, #tpu.memory_space<vmem_shared>> -> memref<640x128xf32, #tpu.memory_space<vmem_shared>>
    tpu.wait_dma2 semaphore(%arg14 : memref<!tpu.dma_semaphore, #tpu.memory_space<semaphore_mem>>) src(%arg5 : memref<640x128xf32, #tpu.memory_space<hbm>>) dst(%dma_wait3A_40 : memref<640x128xf32, #tpu.memory_space<vmem_shared>>)
    %barrier3A = arith.constant 0 : index
    tpu.barrier barrier_id(%barrier3A)
    %dma_start3A_41 = arith.constant 0 : i32
    %dma_start3A_42 = arith.constant 0 : i32
    %dma_start3A_43 = tpu.memref_slice %arg7[%dma_start3A_41, %dma_start3A_42] : memref<40x128xi32, #tpu.memory_space<vmem>> -> memref<1x128xi32, #tpu.memory_space<vmem>>
    %dma_start3A_44 = tpu.memref_squeeze %dma_start3A_43 : memref<1x128xi32, #tpu.memory_space<vmem>> -> memref<128xi32, #tpu.memory_space<vmem>>
    %dma_start3A_45 = arith.constant 0 : i32
    %dma_start3A_46 = arith.constant 0 : i32
    %dma_start3A_47 = tpu.memref_slice %arg2[%dma_start3A_45, %dma_start3A_46] : memref<10240x128xf32, #tpu.memory_space<hbm>> -> memref<10240x128xf32, #tpu.memory_space<hbm>>
    tpu.enqueue_indirect_dma source(%dma_start3A_47 : memref<10240x128xf32, #tpu.memory_space<hbm>>) target(%arg9 : memref<128x128xf32, #tpu.memory_space<vmem>>) offsets(%dma_start3A_44 : memref<128xi32, #tpu.memory_space<vmem>>) semaphore(%arg12 : memref<!tpu.dma_semaphore, #tpu.memory_space<semaphore_mem>>)
    %scan3A = arith.constant 0 : i32
    %scan3A_48 = arith.constant 40 : i32
    %scan3A_49 = arith.addi %scan3A, %scan3A_48 : i32
    %scan3A_50 = arith.constant 1 : i32
    scf.for %scan3A_126 = %scan3A to %scan3A_49 step %scan3A_50  : i32 {
      %jit3A = arith.constant 2 : i32
      %eq3A = arith.constant 0 : i32
      %eq3A_127 = arith.cmpi eq, %jit3A, %eq3A : i32
      %jit3A_128 = arith.constant 1 : i32
      %select_n3A = arith.select %eq3A_127, %jit3A_128, %jit3A : i32
      %rem3A = arith.remsi %scan3A_126, %select_n3A : i32
      %ne3A = arith.constant 0 : i32
      %ne3A_129 = arith.cmpi ne, %rem3A, %ne3A : i32
      %lt3A = arith.constant 0 : i32
      %lt3A_130 = arith.cmpi slt, %rem3A, %lt3A : i32
      %lt3A_131 = arith.constant 0 : i32
      %lt3A_132 = arith.cmpi slt, %select_n3A, %lt3A_131 : i32
      %ne3A_133 = arith.xori %lt3A_130, %lt3A_132 : i1
      %and3A = arith.andi %ne3A_133, %ne3A_129 : i1
      %add3A_134 = arith.addi %rem3A, %select_n3A : i32
      %select_n3A_135 = arith.select %and3A, %add3A_134, %rem3A : i32
      %eq3A_136 = arith.constant 0 : i32
      %eq3A_137 = arith.cmpi eq, %select_n3A_135, %eq3A_136 : i32
      %convert_element_type3A = arith.extui %eq3A_137 : i1 to i32
      %cond3A = arith.constant 0 : i32
      %cond3A_138 = arith.cmpi ne, %convert_element_type3A, %cond3A : i32
      scf.if %cond3A_138 {
        %ge3A = arith.constant 1 : i32
        %ge3A_160 = arith.cmpi sge, %scan3A_126, %ge3A : i32
        %convert_element_type3A_161 = arith.extui %ge3A_160 : i1 to i32
        %cond3A_162 = arith.constant 0 : i32
        %cond3A_163 = arith.cmpi ne, %convert_element_type3A_161, %cond3A_162 : i32
        scf.if %cond3A_163 {
          %sub3A = arith.constant 1 : i32
          %sub3A_183 = arith.subi %scan3A_126, %sub3A : i32
          %dma_wait3A_184 = arith.constant 0 : i32
          %dma_wait3A_185 = tpu.memref_slice %arg8[%sub3A_183, %dma_wait3A_184] : memref<40x128xi32, #tpu.memory_space<vmem>> -> memref<1x128xi32, #tpu.memory_space<vmem>>
          %dma_wait3A_186 = tpu.memref_squeeze %dma_wait3A_185 : memref<1x128xi32, #tpu.memory_space<vmem>> -> memref<128xi32, #tpu.memory_space<vmem>>
          %dma_wait3A_187 = arith.constant 0 : i32
          %dma_wait3A_188 = arith.constant 0 : i32
          %dma_wait3A_189 = tpu.memref_slice %arg11[%dma_wait3A_187, %dma_wait3A_188] : memref<10240x128xf32, #tpu.memory_space<vmem_shared>> -> memref<10240x128xf32, #tpu.memory_space<vmem_shared>>
          tpu.wait_indirect_dma semaphore(%arg15 : memref<!tpu.dma_semaphore, #tpu.memory_space<semaphore_mem>>) src(%arg10 : memref<128x128xf32, #tpu.memory_space<vmem>>) dst(%dma_wait3A_189 : memref<10240x128xf32, #tpu.memory_space<vmem_shared>>)
        } else {
        }
        %add3A_164 = arith.constant 1 : i32
        %add3A_165 = arith.addi %scan3A_126, %add3A_164 : i32
        %lt3A_166 = arith.constant 40 : i32
        %lt3A_167 = arith.cmpi slt, %add3A_165, %lt3A_166 : i32
        %convert_element_type3A_168 = arith.extui %lt3A_167 : i1 to i32
        %cond3A_169 = arith.constant 0 : i32
        %cond3A_170 = arith.cmpi ne, %convert_element_type3A_168, %cond3A_169 : i32
        scf.if %cond3A_170 {
          %add3A_183 = arith.constant 1 : i32
          %add3A_184 = arith.addi %scan3A_126, %add3A_183 : i32
          %dma_start3A_185 = arith.constant 0 : i32
          %dma_start3A_186 = tpu.memref_slice %arg7[%add3A_184, %dma_start3A_185] : memref<40x128xi32, #tpu.memory_space<vmem>> -> memref<1x128xi32, #tpu.memory_space<vmem>>
          %dma_start3A_187 = tpu.memref_squeeze %dma_start3A_186 : memref<1x128xi32, #tpu.memory_space<vmem>> -> memref<128xi32, #tpu.memory_space<vmem>>
          %dma_start3A_188 = arith.constant 0 : i32
          %dma_start3A_189 = arith.constant 0 : i32
          %dma_start3A_190 = tpu.memref_slice %arg2[%dma_start3A_188, %dma_start3A_189] : memref<10240x128xf32, #tpu.memory_space<hbm>> -> memref<10240x128xf32, #tpu.memory_space<hbm>>
          tpu.enqueue_indirect_dma source(%dma_start3A_190 : memref<10240x128xf32, #tpu.memory_space<hbm>>) target(%arg10 : memref<128x128xf32, #tpu.memory_space<vmem>>) offsets(%dma_start3A_187 : memref<128xi32, #tpu.memory_space<vmem>>) semaphore(%arg13 : memref<!tpu.dma_semaphore, #tpu.memory_space<semaphore_mem>>)
        } else {
        }
        %dma_wait3A_171 = arith.constant 0 : i32
        %dma_wait3A_172 = tpu.memref_slice %arg7[%scan3A_126, %dma_wait3A_171] : memref<40x128xi32, #tpu.memory_space<vmem>> -> memref<1x128xi32, #tpu.memory_space<vmem>>
        %dma_wait3A_173 = tpu.memref_squeeze %dma_wait3A_172 : memref<1x128xi32, #tpu.memory_space<vmem>> -> memref<128xi32, #tpu.memory_space<vmem>>
        %dma_wait3A_174 = arith.constant 0 : i32
        %dma_wait3A_175 = arith.constant 0 : i32
        %dma_wait3A_176 = tpu.memref_slice %arg2[%dma_wait3A_174, %dma_wait3A_175] : memref<10240x128xf32, #tpu.memory_space<hbm>> -> memref<10240x128xf32, #tpu.memory_space<hbm>>
        tpu.wait_indirect_dma semaphore(%arg12 : memref<!tpu.dma_semaphore, #tpu.memory_space<semaphore_mem>>) src(%dma_wait3A_176 : memref<10240x128xf32, #tpu.memory_space<hbm>>) dst(%arg9 : memref<128x128xf32, #tpu.memory_space<vmem>>)
        %dma_start3A_177 = arith.constant 0 : i32
        %dma_start3A_178 = tpu.memref_slice %arg8[%scan3A_126, %dma_start3A_177] : memref<40x128xi32, #tpu.memory_space<vmem>> -> memref<1x128xi32, #tpu.memory_space<vmem>>
        %dma_start3A_179 = tpu.memref_squeeze %dma_start3A_178 : memref<1x128xi32, #tpu.memory_space<vmem>> -> memref<128xi32, #tpu.memory_space<vmem>>
        %dma_start3A_180 = arith.constant 0 : i32
        %dma_start3A_181 = arith.constant 0 : i32
        %dma_start3A_182 = tpu.memref_slice %arg11[%dma_start3A_180, %dma_start3A_181] : memref<10240x128xf32, #tpu.memory_space<vmem_shared>> -> memref<10240x128xf32, #tpu.memory_space<vmem_shared>>
        tpu.enqueue_indirect_dma source(%arg9 : memref<128x128xf32, #tpu.memory_space<vmem>>) target(%dma_start3A_182 : memref<10240x128xf32, #tpu.memory_space<vmem_shared>>) offsets(%dma_start3A_179 : memref<128xi32, #tpu.memory_space<vmem>>) semaphore(%arg14 : memref<!tpu.dma_semaphore, #tpu.memory_space<semaphore_mem>>) {add = true}
      } else {
      }
      %jit3A_139 = arith.constant 2 : i32
      %eq3A_140 = arith.constant 0 : i32
      %eq3A_141 = arith.cmpi eq, %jit3A_139, %eq3A_140 : i32
      %jit3A_142 = arith.constant 1 : i32
      %select_n3A_143 = arith.select %eq3A_141, %jit3A_142, %jit3A_139 : i32
      %rem3A_144 = arith.remsi %scan3A_126, %select_n3A_143 : i32
      %ne3A_145 = arith.constant 0 : i32
      %ne3A_146 = arith.cmpi ne, %rem3A_144, %ne3A_145 : i32
      %lt3A_147 = arith.constant 0 : i32
      %lt3A_148 = arith.cmpi slt, %rem3A_144, %lt3A_147 : i32
      %lt3A_149 = arith.constant 0 : i32
      %lt3A_150 = arith.cmpi slt, %select_n3A_143, %lt3A_149 : i32
      %ne3A_151 = arith.xori %lt3A_148, %lt3A_150 : i1
      %and3A_152 = arith.andi %ne3A_151, %ne3A_146 : i1
      %add3A_153 = arith.addi %rem3A_144, %select_n3A_143 : i32
      %select_n3A_154 = arith.select %and3A_152, %add3A_153, %rem3A_144 : i32
      %eq3A_155 = arith.constant 1 : i32
      %eq3A_156 = arith.cmpi eq, %select_n3A_154, %eq3A_155 : i32
      %convert_element_type3A_157 = arith.extui %eq3A_156 : i1 to i32
      %cond3A_158 = arith.constant 0 : i32
      %cond3A_159 = arith.cmpi ne, %convert_element_type3A_157, %cond3A_158 : i32
      scf.if %cond3A_159 {
        %ge3A = arith.constant 1 : i32
        %ge3A_160 = arith.cmpi sge, %scan3A_126, %ge3A : i32
        %convert_element_type3A_161 = arith.extui %ge3A_160 : i1 to i32
        %cond3A_162 = arith.constant 0 : i32
        %cond3A_163 = arith.cmpi ne, %convert_element_type3A_161, %cond3A_162 : i32
        scf.if %cond3A_163 {
          %sub3A = arith.constant 1 : i32
          %sub3A_183 = arith.subi %scan3A_126, %sub3A : i32
          %dma_wait3A_184 = arith.constant 0 : i32
          %dma_wait3A_185 = tpu.memref_slice %arg8[%sub3A_183, %dma_wait3A_184] : memref<40x128xi32, #tpu.memory_space<vmem>> -> memref<1x128xi32, #tpu.memory_space<vmem>>
          %dma_wait3A_186 = tpu.memref_squeeze %dma_wait3A_185 : memref<1x128xi32, #tpu.memory_space<vmem>> -> memref<128xi32, #tpu.memory_space<vmem>>
          %dma_wait3A_187 = arith.constant 0 : i32
          %dma_wait3A_188 = arith.constant 0 : i32
          %dma_wait3A_189 = tpu.memref_slice %arg11[%dma_wait3A_187, %dma_wait3A_188] : memref<10240x128xf32, #tpu.memory_space<vmem_shared>> -> memref<10240x128xf32, #tpu.memory_space<vmem_shared>>
          tpu.wait_indirect_dma semaphore(%arg14 : memref<!tpu.dma_semaphore, #tpu.memory_space<semaphore_mem>>) src(%arg9 : memref<128x128xf32, #tpu.memory_space<vmem>>) dst(%dma_wait3A_189 : memref<10240x128xf32, #tpu.memory_space<vmem_shared>>)
        } else {
        }
        %add3A_164 = arith.constant 1 : i32
        %add3A_165 = arith.addi %scan3A_126, %add3A_164 : i32
        %lt3A_166 = arith.constant 40 : i32
        %lt3A_167 = arith.cmpi slt, %add3A_165, %lt3A_166 : i32
        %convert_element_type3A_168 = arith.extui %lt3A_167 : i1 to i32
        %cond3A_169 = arith.constant 0 : i32
        %cond3A_170 = arith.cmpi ne, %convert_element_type3A_168, %cond3A_169 : i32
        scf.if %cond3A_170 {
          %add3A_183 = arith.constant 1 : i32
          %add3A_184 = arith.addi %scan3A_126, %add3A_183 : i32
          %dma_start3A_185 = arith.constant 0 : i32
          %dma_start3A_186 = tpu.memref_slice %arg7[%add3A_184, %dma_start3A_185] : memref<40x128xi32, #tpu.memory_space<vmem>> -> memref<1x128xi32, #tpu.memory_space<vmem>>
          %dma_start3A_187 = tpu.memref_squeeze %dma_start3A_186 : memref<1x128xi32, #tpu.memory_space<vmem>> -> memref<128xi32, #tpu.memory_space<vmem>>
          %dma_start3A_188 = arith.constant 0 : i32
          %dma_start3A_189 = arith.constant 0 : i32
          %dma_start3A_190 = tpu.memref_slice %arg2[%dma_start3A_188, %dma_start3A_189] : memref<10240x128xf32, #tpu.memory_space<hbm>> -> memref<10240x128xf32, #tpu.memory_space<hbm>>
          tpu.enqueue_indirect_dma source(%dma_start3A_190 : memref<10240x128xf32, #tpu.memory_space<hbm>>) target(%arg9 : memref<128x128xf32, #tpu.memory_space<vmem>>) offsets(%dma_start3A_187 : memref<128xi32, #tpu.memory_space<vmem>>) semaphore(%arg12 : memref<!tpu.dma_semaphore, #tpu.memory_space<semaphore_mem>>)
        } else {
        }
        %dma_wait3A_171 = arith.constant 0 : i32
        %dma_wait3A_172 = tpu.memref_slice %arg7[%scan3A_126, %dma_wait3A_171] : memref<40x128xi32, #tpu.memory_space<vmem>> -> memref<1x128xi32, #tpu.memory_space<vmem>>
        %dma_wait3A_173 = tpu.memref_squeeze %dma_wait3A_172 : memref<1x128xi32, #tpu.memory_space<vmem>> -> memref<128xi32, #tpu.memory_space<vmem>>
        %dma_wait3A_174 = arith.constant 0 : i32
        %dma_wait3A_175 = arith.constant 0 : i32
        %dma_wait3A_176 = tpu.memref_slice %arg2[%dma_wait3A_174, %dma_wait3A_175] : memref<10240x128xf32, #tpu.memory_space<hbm>> -> memref<10240x128xf32, #tpu.memory_space<hbm>>
        tpu.wait_indirect_dma semaphore(%arg13 : memref<!tpu.dma_semaphore, #tpu.memory_space<semaphore_mem>>) src(%dma_wait3A_176 : memref<10240x128xf32, #tpu.memory_space<hbm>>) dst(%arg10 : memref<128x128xf32, #tpu.memory_space<vmem>>)
        %dma_start3A_177 = arith.constant 0 : i32
        %dma_start3A_178 = tpu.memref_slice %arg8[%scan3A_126, %dma_start3A_177] : memref<40x128xi32, #tpu.memory_space<vmem>> -> memref<1x128xi32, #tpu.memory_space<vmem>>
        %dma_start3A_179 = tpu.memref_squeeze %dma_start3A_178 : memref<1x128xi32, #tpu.memory_space<vmem>> -> memref<128xi32, #tpu.memory_space<vmem>>
        %dma_start3A_180 = arith.constant 0 : i32
        %dma_start3A_181 = arith.constant 0 : i32
        %dma_start3A_182 = tpu.memref_slice %arg11[%dma_start3A_180, %dma_start3A_181] : memref<10240x128xf32, #tpu.memory_space<vmem_shared>> -> memref<10240x128xf32, #tpu.memory_space<vmem_shared>>
        tpu.enqueue_indirect_dma source(%arg10 : memref<128x128xf32, #tpu.memory_space<vmem>>) target(%dma_start3A_182 : memref<10240x128xf32, #tpu.memory_space<vmem_shared>>) offsets(%dma_start3A_179 : memref<128xi32, #tpu.memory_space<vmem>>) semaphore(%arg15 : memref<!tpu.dma_semaphore, #tpu.memory_space<semaphore_mem>>) {add = true}
      } else {
      }
    }
    %scan3A_51 = arith.constant 40 : i32
    %dma_wait3A_52 = arith.constant 39 : i32
    %dma_wait3A_53 = arith.constant 0 : i32
    %dma_wait3A_54 = tpu.memref_slice %arg8[%dma_wait3A_52, %dma_wait3A_53] : memref<40x128xi32, #tpu.memory_space<vmem>> -> memref<1x128xi32, #tpu.memory_space<vmem>>
    %dma_wait3A_55 = tpu.memref_squeeze %dma_wait3A_54 : memref<1x128xi32, #tpu.memory_space<vmem>> -> memref<128xi32, #tpu.memory_space<vmem>>
    %dma_wait3A_56 = arith.constant 0 : i32
    %dma_wait3A_57 = arith.constant 0 : i32
    %dma_wait3A_58 = tpu.memref_slice %arg11[%dma_wait3A_56, %dma_wait3A_57] : memref<10240x128xf32, #tpu.memory_space<vmem_shared>> -> memref<10240x128xf32, #tpu.memory_space<vmem_shared>>
    tpu.wait_indirect_dma semaphore(%arg15 : memref<!tpu.dma_semaphore, #tpu.memory_space<semaphore_mem>>) src(%arg10 : memref<128x128xf32, #tpu.memory_space<vmem>>) dst(%dma_wait3A_58 : memref<10240x128xf32, #tpu.memory_space<vmem_shared>>)
    %mul3A_59 = arith.constant 2 : i32
    %mul3A_60 = arith.muli %add3A, %mul3A_59 : i32
    %add3A_61 = arith.constant 1 : i32
    %add3A_62 = arith.addi %mul3A_60, %add3A_61 : i32
    %dma_start3A_63 = arith.constant 0 : i32
    %dma_start3A_64 = arith.constant 0 : i32
    %dma_start3A_65 = tpu.memref_slice %arg3[%add3A_62, %dma_start3A_63, %dma_start3A_64] : memref<64x40x128xi32, #tpu.memory_space<hbm>> -> memref<1x40x128xi32, #tpu.memory_space<hbm>>
    %dma_start3A_66 = tpu.memref_squeeze %dma_start3A_65 : memref<1x40x128xi32, #tpu.memory_space<hbm>> -> memref<40x128xi32, #tpu.memory_space<hbm>>
    %dma_start3A_67 = arith.constant 0 : i32
    %dma_start3A_68 = arith.constant 0 : i32
    %dma_start3A_69 = tpu.memref_slice %arg3[%add3A_62, %dma_start3A_67, %dma_start3A_68] : memref<64x40x128xi32, #tpu.memory_space<hbm>> -> memref<1x40x128xi32, #tpu.memory_space<hbm>>
    %dma_start3A_70 = tpu.memref_squeeze %dma_start3A_69 : memref<1x40x128xi32, #tpu.memory_space<hbm>> -> memref<40x128xi32, #tpu.memory_space<hbm>>
    tpu.enqueue_dma source(%dma_start3A_70 : memref<40x128xi32, #tpu.memory_space<hbm>>) target(%arg7 : memref<40x128xi32, #tpu.memory_space<vmem>>) target_semaphore(%arg12 : memref<!tpu.dma_semaphore, #tpu.memory_space<semaphore_mem>>)
    %mul3A_71 = arith.constant 2 : i32
    %mul3A_72 = arith.muli %add3A, %mul3A_71 : i32
    %add3A_73 = arith.constant 1 : i32
    %add3A_74 = arith.addi %mul3A_72, %add3A_73 : i32
    %dma_start3A_75 = arith.constant 0 : i32
    %dma_start3A_76 = arith.constant 0 : i32
    %dma_start3A_77 = tpu.memref_slice %arg4[%add3A_74, %dma_start3A_75, %dma_start3A_76] : memref<64x40x128xi32, #tpu.memory_space<hbm>> -> memref<1x40x128xi32, #tpu.memory_space<hbm>>
    %dma_start3A_78 = tpu.memref_squeeze %dma_start3A_77 : memref<1x40x128xi32, #tpu.memory_space<hbm>> -> memref<40x128xi32, #tpu.memory_space<hbm>>
    %dma_start3A_79 = arith.constant 0 : i32
    %dma_start3A_80 = arith.constant 0 : i32
    %dma_start3A_81 = tpu.memref_slice %arg4[%add3A_74, %dma_start3A_79, %dma_start3A_80] : memref<64x40x128xi32, #tpu.memory_space<hbm>> -> memref<1x40x128xi32, #tpu.memory_space<hbm>>
    %dma_start3A_82 = tpu.memref_squeeze %dma_start3A_81 : memref<1x40x128xi32, #tpu.memory_space<hbm>> -> memref<40x128xi32, #tpu.memory_space<hbm>>
    tpu.enqueue_dma source(%dma_start3A_82 : memref<40x128xi32, #tpu.memory_space<hbm>>) target(%arg8 : memref<40x128xi32, #tpu.memory_space<vmem>>) target_semaphore(%arg13 : memref<!tpu.dma_semaphore, #tpu.memory_space<semaphore_mem>>)
    %dma_wait3A_83 = arith.constant 0 : i32
    %dma_wait3A_84 = arith.constant 0 : i32
    %dma_wait3A_85 = tpu.memref_slice %arg3[%add3A_62, %dma_wait3A_83, %dma_wait3A_84] : memref<64x40x128xi32, #tpu.memory_space<hbm>> -> memref<1x40x128xi32, #tpu.memory_space<hbm>>
    %dma_wait3A_86 = tpu.memref_squeeze %dma_wait3A_85 : memref<1x40x128xi32, #tpu.memory_space<hbm>> -> memref<40x128xi32, #tpu.memory_space<hbm>>
    %dma_wait3A_87 = arith.constant 0 : i32
    %dma_wait3A_88 = arith.constant 0 : i32
    %dma_wait3A_89 = tpu.memref_slice %arg3[%add3A_62, %dma_wait3A_87, %dma_wait3A_88] : memref<64x40x128xi32, #tpu.memory_space<hbm>> -> memref<1x40x128xi32, #tpu.memory_space<hbm>>
    %dma_wait3A_90 = tpu.memref_squeeze %dma_wait3A_89 : memref<1x40x128xi32, #tpu.memory_space<hbm>> -> memref<40x128xi32, #tpu.memory_space<hbm>>
    tpu.wait_dma2 semaphore(%arg12 : memref<!tpu.dma_semaphore, #tpu.memory_space<semaphore_mem>>) src(%dma_wait3A_90 : memref<40x128xi32, #tpu.memory_space<hbm>>) dst(%arg7 : memref<40x128xi32, #tpu.memory_space<vmem>>)
    %dma_wait3A_91 = arith.constant 0 : i32
    %dma_wait3A_92 = arith.constant 0 : i32
    %dma_wait3A_93 = tpu.memref_slice %arg4[%add3A_74, %dma_wait3A_91, %dma_wait3A_92] : memref<64x40x128xi32, #tpu.memory_space<hbm>> -> memref<1x40x128xi32, #tpu.memory_space<hbm>>
    %dma_wait3A_94 = tpu.memref_squeeze %dma_wait3A_93 : memref<1x40x128xi32, #tpu.memory_space<hbm>> -> memref<40x128xi32, #tpu.memory_space<hbm>>
    %dma_wait3A_95 = arith.constant 0 : i32
    %dma_wait3A_96 = arith.constant 0 : i32
    %dma_wait3A_97 = tpu.memref_slice %arg4[%add3A_74, %dma_wait3A_95, %dma_wait3A_96] : memref<64x40x128xi32, #tpu.memory_space<hbm>> -> memref<1x40x128xi32, #tpu.memory_space<hbm>>
    %dma_wait3A_98 = tpu.memref_squeeze %dma_wait3A_97 : memref<1x40x128xi32, #tpu.memory_space<hbm>> -> memref<40x128xi32, #tpu.memory_space<hbm>>
    tpu.wait_dma2 semaphore(%arg13 : memref<!tpu.dma_semaphore, #tpu.memory_space<semaphore_mem>>) src(%dma_wait3A_98 : memref<40x128xi32, #tpu.memory_space<hbm>>) dst(%arg8 : memref<40x128xi32, #tpu.memory_space<vmem>>)
    %dma_start3A_99 = arith.constant 0 : i32
    %dma_start3A_100 = arith.constant 0 : i32
    %dma_start3A_101 = tpu.memref_slice %arg7[%dma_start3A_99, %dma_start3A_100] : memref<40x128xi32, #tpu.memory_space<vmem>> -> memref<1x128xi32, #tpu.memory_space<vmem>>
    %dma_start3A_102 = tpu.memref_squeeze %dma_start3A_101 : memref<1x128xi32, #tpu.memory_space<vmem>> -> memref<128xi32, #tpu.memory_space<vmem>>
    %dma_start3A_103 = arith.constant 0 : i32
    %dma_start3A_104 = arith.constant 0 : i32
    %dma_start3A_105 = tpu.memref_slice %arg2[%dma_start3A_103, %dma_start3A_104] : memref<10240x128xf32, #tpu.memory_space<hbm>> -> memref<10240x128xf32, #tpu.memory_space<hbm>>
    tpu.enqueue_indirect_dma source(%dma_start3A_105 : memref<10240x128xf32, #tpu.memory_space<hbm>>) target(%arg9 : memref<128x128xf32, #tpu.memory_space<vmem>>) offsets(%dma_start3A_102 : memref<128xi32, #tpu.memory_space<vmem>>) semaphore(%arg12 : memref<!tpu.dma_semaphore, #tpu.memory_space<semaphore_mem>>)
    %scan3A_106 = arith.constant 0 : i32
    %scan3A_107 = arith.constant 40 : i32
    %scan3A_108 = arith.addi %scan3A_106, %scan3A_107 : i32
    %scan3A_109 = arith.constant 1 : i32
    scf.for %scan3A_126 = %scan3A_106 to %scan3A_108 step %scan3A_109  : i32 {
      %jit3A = arith.constant 2 : i32
      %eq3A = arith.constant 0 : i32
      %eq3A_127 = arith.cmpi eq, %jit3A, %eq3A : i32
      %jit3A_128 = arith.constant 1 : i32
      %select_n3A = arith.select %eq3A_127, %jit3A_128, %jit3A : i32
      %rem3A = arith.remsi %scan3A_126, %select_n3A : i32
      %ne3A = arith.constant 0 : i32
      %ne3A_129 = arith.cmpi ne, %rem3A, %ne3A : i32
      %lt3A = arith.constant 0 : i32
      %lt3A_130 = arith.cmpi slt, %rem3A, %lt3A : i32
      %lt3A_131 = arith.constant 0 : i32
      %lt3A_132 = arith.cmpi slt, %select_n3A, %lt3A_131 : i32
      %ne3A_133 = arith.xori %lt3A_130, %lt3A_132 : i1
      %and3A = arith.andi %ne3A_133, %ne3A_129 : i1
      %add3A_134 = arith.addi %rem3A, %select_n3A : i32
      %select_n3A_135 = arith.select %and3A, %add3A_134, %rem3A : i32
      %eq3A_136 = arith.constant 0 : i32
      %eq3A_137 = arith.cmpi eq, %select_n3A_135, %eq3A_136 : i32
      %convert_element_type3A = arith.extui %eq3A_137 : i1 to i32
      %cond3A = arith.constant 0 : i32
      %cond3A_138 = arith.cmpi ne, %convert_element_type3A, %cond3A : i32
      scf.if %cond3A_138 {
        %ge3A = arith.constant 1 : i32
        %ge3A_160 = arith.cmpi sge, %scan3A_126, %ge3A : i32
        %convert_element_type3A_161 = arith.extui %ge3A_160 : i1 to i32
        %cond3A_162 = arith.constant 0 : i32
        %cond3A_163 = arith.cmpi ne, %convert_element_type3A_161, %cond3A_162 : i32
        scf.if %cond3A_163 {
          %sub3A = arith.constant 1 : i32
          %sub3A_183 = arith.subi %scan3A_126, %sub3A : i32
          %dma_wait3A_184 = arith.constant 0 : i32
          %dma_wait3A_185 = tpu.memref_slice %arg8[%sub3A_183, %dma_wait3A_184] : memref<40x128xi32, #tpu.memory_space<vmem>> -> memref<1x128xi32, #tpu.memory_space<vmem>>
          %dma_wait3A_186 = tpu.memref_squeeze %dma_wait3A_185 : memref<1x128xi32, #tpu.memory_space<vmem>> -> memref<128xi32, #tpu.memory_space<vmem>>
          %dma_wait3A_187 = arith.constant 0 : i32
          %dma_wait3A_188 = arith.constant 0 : i32
          %dma_wait3A_189 = tpu.memref_slice %arg11[%dma_wait3A_187, %dma_wait3A_188] : memref<10240x128xf32, #tpu.memory_space<vmem_shared>> -> memref<10240x128xf32, #tpu.memory_space<vmem_shared>>
          tpu.wait_indirect_dma semaphore(%arg15 : memref<!tpu.dma_semaphore, #tpu.memory_space<semaphore_mem>>) src(%arg10 : memref<128x128xf32, #tpu.memory_space<vmem>>) dst(%dma_wait3A_189 : memref<10240x128xf32, #tpu.memory_space<vmem_shared>>)
        } else {
        }
        %add3A_164 = arith.constant 1 : i32
        %add3A_165 = arith.addi %scan3A_126, %add3A_164 : i32
        %lt3A_166 = arith.constant 40 : i32
        %lt3A_167 = arith.cmpi slt, %add3A_165, %lt3A_166 : i32
        %convert_element_type3A_168 = arith.extui %lt3A_167 : i1 to i32
        %cond3A_169 = arith.constant 0 : i32
        %cond3A_170 = arith.cmpi ne, %convert_element_type3A_168, %cond3A_169 : i32
        scf.if %cond3A_170 {
          %add3A_183 = arith.constant 1 : i32
          %add3A_184 = arith.addi %scan3A_126, %add3A_183 : i32
          %dma_start3A_185 = arith.constant 0 : i32
          %dma_start3A_186 = tpu.memref_slice %arg7[%add3A_184, %dma_start3A_185] : memref<40x128xi32, #tpu.memory_space<vmem>> -> memref<1x128xi32, #tpu.memory_space<vmem>>
          %dma_start3A_187 = tpu.memref_squeeze %dma_start3A_186 : memref<1x128xi32, #tpu.memory_space<vmem>> -> memref<128xi32, #tpu.memory_space<vmem>>
          %dma_start3A_188 = arith.constant 0 : i32
          %dma_start3A_189 = arith.constant 0 : i32
          %dma_start3A_190 = tpu.memref_slice %arg2[%dma_start3A_188, %dma_start3A_189] : memref<10240x128xf32, #tpu.memory_space<hbm>> -> memref<10240x128xf32, #tpu.memory_space<hbm>>
          tpu.enqueue_indirect_dma source(%dma_start3A_190 : memref<10240x128xf32, #tpu.memory_space<hbm>>) target(%arg10 : memref<128x128xf32, #tpu.memory_space<vmem>>) offsets(%dma_start3A_187 : memref<128xi32, #tpu.memory_space<vmem>>) semaphore(%arg13 : memref<!tpu.dma_semaphore, #tpu.memory_space<semaphore_mem>>)
        } else {
        }
        %dma_wait3A_171 = arith.constant 0 : i32
        %dma_wait3A_172 = tpu.memref_slice %arg7[%scan3A_126, %dma_wait3A_171] : memref<40x128xi32, #tpu.memory_space<vmem>> -> memref<1x128xi32, #tpu.memory_space<vmem>>
        %dma_wait3A_173 = tpu.memref_squeeze %dma_wait3A_172 : memref<1x128xi32, #tpu.memory_space<vmem>> -> memref<128xi32, #tpu.memory_space<vmem>>
        %dma_wait3A_174 = arith.constant 0 : i32
        %dma_wait3A_175 = arith.constant 0 : i32
        %dma_wait3A_176 = tpu.memref_slice %arg2[%dma_wait3A_174, %dma_wait3A_175] : memref<10240x128xf32, #tpu.memory_space<hbm>> -> memref<10240x128xf32, #tpu.memory_space<hbm>>
        tpu.wait_indirect_dma semaphore(%arg12 : memref<!tpu.dma_semaphore, #tpu.memory_space<semaphore_mem>>) src(%dma_wait3A_176 : memref<10240x128xf32, #tpu.memory_space<hbm>>) dst(%arg9 : memref<128x128xf32, #tpu.memory_space<vmem>>)
        %dma_start3A_177 = arith.constant 0 : i32
        %dma_start3A_178 = tpu.memref_slice %arg8[%scan3A_126, %dma_start3A_177] : memref<40x128xi32, #tpu.memory_space<vmem>> -> memref<1x128xi32, #tpu.memory_space<vmem>>
        %dma_start3A_179 = tpu.memref_squeeze %dma_start3A_178 : memref<1x128xi32, #tpu.memory_space<vmem>> -> memref<128xi32, #tpu.memory_space<vmem>>
        %dma_start3A_180 = arith.constant 0 : i32
        %dma_start3A_181 = arith.constant 0 : i32
        %dma_start3A_182 = tpu.memref_slice %arg11[%dma_start3A_180, %dma_start3A_181] : memref<10240x128xf32, #tpu.memory_space<vmem_shared>> -> memref<10240x128xf32, #tpu.memory_space<vmem_shared>>
        tpu.enqueue_indirect_dma source(%arg9 : memref<128x128xf32, #tpu.memory_space<vmem>>) target(%dma_start3A_182 : memref<10240x128xf32, #tpu.memory_space<vmem_shared>>) offsets(%dma_start3A_179 : memref<128xi32, #tpu.memory_space<vmem>>) semaphore(%arg14 : memref<!tpu.dma_semaphore, #tpu.memory_space<semaphore_mem>>) {add = true}
      } else {
      }
      %jit3A_139 = arith.constant 2 : i32
      %eq3A_140 = arith.constant 0 : i32
      %eq3A_141 = arith.cmpi eq, %jit3A_139, %eq3A_140 : i32
      %jit3A_142 = arith.constant 1 : i32
      %select_n3A_143 = arith.select %eq3A_141, %jit3A_142, %jit3A_139 : i32
      %rem3A_144 = arith.remsi %scan3A_126, %select_n3A_143 : i32
      %ne3A_145 = arith.constant 0 : i32
      %ne3A_146 = arith.cmpi ne, %rem3A_144, %ne3A_145 : i32
      %lt3A_147 = arith.constant 0 : i32
      %lt3A_148 = arith.cmpi slt, %rem3A_144, %lt3A_147 : i32
      %lt3A_149 = arith.constant 0 : i32
      %lt3A_150 = arith.cmpi slt, %select_n3A_143, %lt3A_149 : i32
      %ne3A_151 = arith.xori %lt3A_148, %lt3A_150 : i1
      %and3A_152 = arith.andi %ne3A_151, %ne3A_146 : i1
      %add3A_153 = arith.addi %rem3A_144, %select_n3A_143 : i32
      %select_n3A_154 = arith.select %and3A_152, %add3A_153, %rem3A_144 : i32
      %eq3A_155 = arith.constant 1 : i32
      %eq3A_156 = arith.cmpi eq, %select_n3A_154, %eq3A_155 : i32
      %convert_element_type3A_157 = arith.extui %eq3A_156 : i1 to i32
      %cond3A_158 = arith.constant 0 : i32
      %cond3A_159 = arith.cmpi ne, %convert_element_type3A_157, %cond3A_158 : i32
      scf.if %cond3A_159 {
        %ge3A = arith.constant 1 : i32
        %ge3A_160 = arith.cmpi sge, %scan3A_126, %ge3A : i32
        %convert_element_type3A_161 = arith.extui %ge3A_160 : i1 to i32
        %cond3A_162 = arith.constant 0 : i32
        %cond3A_163 = arith.cmpi ne, %convert_element_type3A_161, %cond3A_162 : i32
        scf.if %cond3A_163 {
          %sub3A = arith.constant 1 : i32
          %sub3A_183 = arith.subi %scan3A_126, %sub3A : i32
          %dma_wait3A_184 = arith.constant 0 : i32
          %dma_wait3A_185 = tpu.memref_slice %arg8[%sub3A_183, %dma_wait3A_184] : memref<40x128xi32, #tpu.memory_space<vmem>> -> memref<1x128xi32, #tpu.memory_space<vmem>>
          %dma_wait3A_186 = tpu.memref_squeeze %dma_wait3A_185 : memref<1x128xi32, #tpu.memory_space<vmem>> -> memref<128xi32, #tpu.memory_space<vmem>>
          %dma_wait3A_187 = arith.constant 0 : i32
          %dma_wait3A_188 = arith.constant 0 : i32
          %dma_wait3A_189 = tpu.memref_slice %arg11[%dma_wait3A_187, %dma_wait3A_188] : memref<10240x128xf32, #tpu.memory_space<vmem_shared>> -> memref<10240x128xf32, #tpu.memory_space<vmem_shared>>
          tpu.wait_indirect_dma semaphore(%arg14 : memref<!tpu.dma_semaphore, #tpu.memory_space<semaphore_mem>>) src(%arg9 : memref<128x128xf32, #tpu.memory_space<vmem>>) dst(%dma_wait3A_189 : memref<10240x128xf32, #tpu.memory_space<vmem_shared>>)
        } else {
        }
        %add3A_164 = arith.constant 1 : i32
        %add3A_165 = arith.addi %scan3A_126, %add3A_164 : i32
        %lt3A_166 = arith.constant 40 : i32
        %lt3A_167 = arith.cmpi slt, %add3A_165, %lt3A_166 : i32
        %convert_element_type3A_168 = arith.extui %lt3A_167 : i1 to i32
        %cond3A_169 = arith.constant 0 : i32
        %cond3A_170 = arith.cmpi ne, %convert_element_type3A_168, %cond3A_169 : i32
        scf.if %cond3A_170 {
          %add3A_183 = arith.constant 1 : i32
          %add3A_184 = arith.addi %scan3A_126, %add3A_183 : i32
          %dma_start3A_185 = arith.constant 0 : i32
          %dma_start3A_186 = tpu.memref_slice %arg7[%add3A_184, %dma_start3A_185] : memref<40x128xi32, #tpu.memory_space<vmem>> -> memref<1x128xi32, #tpu.memory_space<vmem>>
          %dma_start3A_187 = tpu.memref_squeeze %dma_start3A_186 : memref<1x128xi32, #tpu.memory_space<vmem>> -> memref<128xi32, #tpu.memory_space<vmem>>
          %dma_start3A_188 = arith.constant 0 : i32
          %dma_start3A_189 = arith.constant 0 : i32
          %dma_start3A_190 = tpu.memref_slice %arg2[%dma_start3A_188, %dma_start3A_189] : memref<10240x128xf32, #tpu.memory_space<hbm>> -> memref<10240x128xf32, #tpu.memory_space<hbm>>
          tpu.enqueue_indirect_dma source(%dma_start3A_190 : memref<10240x128xf32, #tpu.memory_space<hbm>>) target(%arg9 : memref<128x128xf32, #tpu.memory_space<vmem>>) offsets(%dma_start3A_187 : memref<128xi32, #tpu.memory_space<vmem>>) semaphore(%arg12 : memref<!tpu.dma_semaphore, #tpu.memory_space<semaphore_mem>>)
        } else {
        }
        %dma_wait3A_171 = arith.constant 0 : i32
        %dma_wait3A_172 = tpu.memref_slice %arg7[%scan3A_126, %dma_wait3A_171] : memref<40x128xi32, #tpu.memory_space<vmem>> -> memref<1x128xi32, #tpu.memory_space<vmem>>
        %dma_wait3A_173 = tpu.memref_squeeze %dma_wait3A_172 : memref<1x128xi32, #tpu.memory_space<vmem>> -> memref<128xi32, #tpu.memory_space<vmem>>
        %dma_wait3A_174 = arith.constant 0 : i32
        %dma_wait3A_175 = arith.constant 0 : i32
        %dma_wait3A_176 = tpu.memref_slice %arg2[%dma_wait3A_174, %dma_wait3A_175] : memref<10240x128xf32, #tpu.memory_space<hbm>> -> memref<10240x128xf32, #tpu.memory_space<hbm>>
        tpu.wait_indirect_dma semaphore(%arg13 : memref<!tpu.dma_semaphore, #tpu.memory_space<semaphore_mem>>) src(%dma_wait3A_176 : memref<10240x128xf32, #tpu.memory_space<hbm>>) dst(%arg10 : memref<128x128xf32, #tpu.memory_space<vmem>>)
        %dma_start3A_177 = arith.constant 0 : i32
        %dma_start3A_178 = tpu.memref_slice %arg8[%scan3A_126, %dma_start3A_177] : memref<40x128xi32, #tpu.memory_space<vmem>> -> memref<1x128xi32, #tpu.memory_space<vmem>>
        %dma_start3A_179 = tpu.memref_squeeze %dma_start3A_178 : memref<1x128xi32, #tpu.memory_space<vmem>> -> memref<128xi32, #tpu.memory_space<vmem>>
        %dma_start3A_180 = arith.constant 0 : i32
        %dma_start3A_181 = arith.constant 0 : i32
        %dma_start3A_182 = tpu.memref_slice %arg11[%dma_start3A_180, %dma_start3A_181] : memref<10240x128xf32, #tpu.memory_space<vmem_shared>> -> memref<10240x128xf32, #tpu.memory_space<vmem_shared>>
        tpu.enqueue_indirect_dma source(%arg10 : memref<128x128xf32, #tpu.memory_space<vmem>>) target(%dma_start3A_182 : memref<10240x128xf32, #tpu.memory_space<vmem_shared>>) offsets(%dma_start3A_179 : memref<128xi32, #tpu.memory_space<vmem>>) semaphore(%arg15 : memref<!tpu.dma_semaphore, #tpu.memory_space<semaphore_mem>>) {add = true}
      } else {
      }
    }
    %scan3A_110 = arith.constant 40 : i32
    %dma_wait3A_111 = arith.constant 39 : i32
    %dma_wait3A_112 = arith.constant 0 : i32
    %dma_wait3A_113 = tpu.memref_slice %arg8[%dma_wait3A_111, %dma_wait3A_112] : memref<40x128xi32, #tpu.memory_space<vmem>> -> memref<1x128xi32, #tpu.memory_space<vmem>>
    %dma_wait3A_114 = tpu.memref_squeeze %dma_wait3A_113 : memref<1x128xi32, #tpu.memory_space<vmem>> -> memref<128xi32, #tpu.memory_space<vmem>>
    %dma_wait3A_115 = arith.constant 0 : i32
    %dma_wait3A_116 = arith.constant 0 : i32
    %dma_wait3A_117 = tpu.memref_slice %arg11[%dma_wait3A_115, %dma_wait3A_116] : memref<10240x128xf32, #tpu.memory_space<vmem_shared>> -> memref<10240x128xf32, #tpu.memory_space<vmem_shared>>
    tpu.wait_indirect_dma semaphore(%arg15 : memref<!tpu.dma_semaphore, #tpu.memory_space<semaphore_mem>>) src(%arg10 : memref<128x128xf32, #tpu.memory_space<vmem>>) dst(%dma_wait3A_117 : memref<10240x128xf32, #tpu.memory_space<vmem_shared>>)
    %barrier3A_118 = arith.constant 0 : index
    tpu.barrier barrier_id(%barrier3A_118)
    %mul3A_119 = arith.constant 640 : i32
    %mul3A_120 = arith.muli %arg1, %mul3A_119 : i32
    %mul3A_121 = arith.constant 10240 : i32
    %mul3A_122 = arith.muli %arg0, %mul3A_121 : i32
    %mul3A_123 = arith.constant 640 : i32
    %mul3A_124 = arith.muli %arg1, %mul3A_123 : i32
    %add3A_125 = arith.addi %mul3A_122, %mul3A_124 : i32
    "tpu.region"() ({
      %run_scoped3A = tpu.sem_alloc : memref<!tpu.dma_semaphore, #tpu.memory_space<semaphore_mem>>
      %dma_start3A_126 = arith.constant 0 : i32
      %dma_start3A_127 = tpu.memref_slice %arg6[%add3A_125, %dma_start3A_126] : memref<20480x128xf32, #tpu.memory_space<hbm>> -> memref<640x128xf32, #tpu.memory_space<hbm>>
      %dma_start3A_128 = arith.constant 0 : i32
      %dma_start3A_129 = tpu.memref_slice %arg11[%mul3A_120, %dma_start3A_128] : memref<10240x128xf32, #tpu.memory_space<vmem_shared>> -> memref<640x128xf32, #tpu.memory_space<vmem_shared>>
      tpu.enqueue_dma source(%dma_start3A_129 : memref<640x128xf32, #tpu.memory_space<vmem_shared>>) target(%dma_start3A_127 : memref<640x128xf32, #tpu.memory_space<hbm>>) target_semaphore(%run_scoped3A : memref<!tpu.dma_semaphore, #tpu.memory_space<semaphore_mem>>)
      %dma_wait3A_130 = arith.constant 0 : i32
      %dma_wait3A_131 = tpu.memref_slice %arg6[%add3A_125, %dma_wait3A_130] : memref<20480x128xf32, #tpu.memory_space<hbm>> -> memref<640x128xf32, #tpu.memory_space<hbm>>
      %dma_wait3A_132 = arith.constant 0 : i32
      %dma_wait3A_133 = tpu.memref_slice %arg11[%mul3A_120, %dma_wait3A_132] : memref<10240x128xf32, #tpu.memory_space<vmem_shared>> -> memref<640x128xf32, #tpu.memory_space<vmem_shared>>
      tpu.wait_dma2 semaphore(%run_scoped3A : memref<!tpu.dma_semaphore, #tpu.memory_space<semaphore_mem>>) src(%dma_wait3A_133 : memref<640x128xf32, #tpu.memory_space<vmem_shared>>) dst(%dma_wait3A_131 : memref<640x128xf32, #tpu.memory_space<hbm>>)
      tpu.yield
    }) : () -> ()
    return
  }
}

#map = affine_map<(d0, d1) -> (0, 0)>
#map1 = affine_map<(d0, d1) -> (0, 0, 0)>
module attributes {stable_mosaic.version = 14 : i64} {
  func.func @_sc_scatter_body(%arg0: i32, %arg1: i32, %arg2: memref<10240x128xf32, #tpu.memory_space<hbm>>, %arg3: memref<64x40x128xi32, #tpu.memory_space<hbm>>, %arg4: memref<64x40x128xi32, #tpu.memory_space<hbm>>, %arg5: memref<640x128xf32, #tpu.memory_space<hbm>>, %arg6: memref<20480x128xf32, #tpu.memory_space<hbm>>, %arg7: memref<40x128xi32, #tpu.memory_space<vmem>>, %arg8: memref<40x128xi32, #tpu.memory_space<vmem>>, %arg9: memref<128x128xf32, #tpu.memory_space<vmem>>, %arg10: memref<128x128xf32, #tpu.memory_space<vmem>>, %arg11: memref<10240x128xf32, #tpu.memory_space<vmem_shared>>, %arg12: memref<!tpu.dma_semaphore, #tpu.memory_space<semaphore_mem>>, %arg13: memref<!tpu.dma_semaphore, #tpu.memory_space<semaphore_mem>>, %arg14: memref<!tpu.dma_semaphore, #tpu.memory_space<semaphore_mem>>, %arg15: memref<!tpu.dma_semaphore, #tpu.memory_space<semaphore_mem>>) attributes {dimension_semantics = [#tpu.dimension_semantics<core_parallel>, #tpu.dimension_semantics<subcore_parallel>], iteration_bounds = array<i64: 2, 16>, scalar_prefetch = 0 : i64, scratch_operands = 9 : i64, tpu.core_type = #tpu.core_type<sc_vector_subcore>, window_params = [{transform_indices = #map}, {transform_indices = #map1}, {transform_indices = #map1}, {transform_indices = #map}, {transform_indices = #map}]} {
    %mul3A = arith.constant 16 : i32
    %mul3A_0 = arith.muli %arg0, %mul3A : i32
    %add3A = arith.addi %mul3A_0, %arg1 : i32
    %mul3A_1 = arith.constant 640 : i32
    %mul3A_2 = arith.muli %arg1, %mul3A_1 : i32
    %dma_start3A = arith.constant 0 : i32
    %dma_start3A_3 = tpu.memref_slice %arg11[%mul3A_2, %dma_start3A] : memref<10240x128xf32, #tpu.memory_space<vmem_shared>> -> memref<640x128xf32, #tpu.memory_space<vmem_shared>>
    tpu.enqueue_dma source(%arg5 : memref<640x128xf32, #tpu.memory_space<hbm>>) target(%dma_start3A_3 : memref<640x128xf32, #tpu.memory_space<vmem_shared>>) target_semaphore(%arg14 : memref<!tpu.dma_semaphore, #tpu.memory_space<semaphore_mem>>)
    %mul3A_4 = arith.constant 2 : i32
    %mul3A_5 = arith.muli %add3A, %mul3A_4 : i32
    %dma_start3A_6 = arith.constant 0 : i32
    %dma_start3A_7 = arith.constant 0 : i32
    %dma_start3A_8 = tpu.memref_slice %arg3[%mul3A_5, %dma_start3A_6, %dma_start3A_7] : memref<64x40x128xi32, #tpu.memory_space<hbm>> -> memref<1x40x128xi32, #tpu.memory_space<hbm>>
    %dma_start3A_9 = tpu.memref_squeeze %dma_start3A_8 : memref<1x40x128xi32, #tpu.memory_space<hbm>> -> memref<40x128xi32, #tpu.memory_space<hbm>>
    %dma_start3A_10 = arith.constant 0 : i32
    %dma_start3A_11 = arith.constant 0 : i32
    %dma_start3A_12 = tpu.memref_slice %arg3[%mul3A_5, %dma_start3A_10, %dma_start3A_11] : memref<64x40x128xi32, #tpu.memory_space<hbm>> -> memref<1x40x128xi32, #tpu.memory_space<hbm>>
    %dma_start3A_13 = tpu.memref_squeeze %dma_start3A_12 : memref<1x40x128xi32, #tpu.memory_space<hbm>> -> memref<40x128xi32, #tpu.memory_space<hbm>>
    tpu.enqueue_dma source(%dma_start3A_13 : memref<40x128xi32, #tpu.memory_space<hbm>>) target(%arg7 : memref<40x128xi32, #tpu.memory_space<vmem>>) target_semaphore(%arg12 : memref<!tpu.dma_semaphore, #tpu.memory_space<semaphore_mem>>)
    %mul3A_14 = arith.constant 2 : i32
    %mul3A_15 = arith.muli %add3A, %mul3A_14 : i32
    %dma_start3A_16 = arith.constant 0 : i32
    %dma_start3A_17 = arith.constant 0 : i32
    %dma_start3A_18 = tpu.memref_slice %arg4[%mul3A_15, %dma_start3A_16, %dma_start3A_17] : memref<64x40x128xi32, #tpu.memory_space<hbm>> -> memref<1x40x128xi32, #tpu.memory_space<hbm>>
    %dma_start3A_19 = tpu.memref_squeeze %dma_start3A_18 : memref<1x40x128xi32, #tpu.memory_space<hbm>> -> memref<40x128xi32, #tpu.memory_space<hbm>>
    %dma_start3A_20 = arith.constant 0 : i32
    %dma_start3A_21 = arith.constant 0 : i32
    %dma_start3A_22 = tpu.memref_slice %arg4[%mul3A_15, %dma_start3A_20, %dma_start3A_21] : memref<64x40x128xi32, #tpu.memory_space<hbm>> -> memref<1x40x128xi32, #tpu.memory_space<hbm>>
    %dma_start3A_23 = tpu.memref_squeeze %dma_start3A_22 : memref<1x40x128xi32, #tpu.memory_space<hbm>> -> memref<40x128xi32, #tpu.memory_space<hbm>>
    tpu.enqueue_dma source(%dma_start3A_23 : memref<40x128xi32, #tpu.memory_space<hbm>>) target(%arg8 : memref<40x128xi32, #tpu.memory_space<vmem>>) target_semaphore(%arg13 : memref<!tpu.dma_semaphore, #tpu.memory_space<semaphore_mem>>)
    %dma_wait3A = arith.constant 0 : i32
    %dma_wait3A_24 = arith.constant 0 : i32
    %dma_wait3A_25 = tpu.memref_slice %arg3[%mul3A_5, %dma_wait3A, %dma_wait3A_24] : memref<64x40x128xi32, #tpu.memory_space<hbm>> -> memref<1x40x128xi32, #tpu.memory_space<hbm>>
    %dma_wait3A_26 = tpu.memref_squeeze %dma_wait3A_25 : memref<1x40x128xi32, #tpu.memory_space<hbm>> -> memref<40x128xi32, #tpu.memory_space<hbm>>
    %dma_wait3A_27 = arith.constant 0 : i32
    %dma_wait3A_28 = arith.constant 0 : i32
    %dma_wait3A_29 = tpu.memref_slice %arg3[%mul3A_5, %dma_wait3A_27, %dma_wait3A_28] : memref<64x40x128xi32, #tpu.memory_space<hbm>> -> memref<1x40x128xi32, #tpu.memory_space<hbm>>
    %dma_wait3A_30 = tpu.memref_squeeze %dma_wait3A_29 : memref<1x40x128xi32, #tpu.memory_space<hbm>> -> memref<40x128xi32, #tpu.memory_space<hbm>>
    tpu.wait_dma2 semaphore(%arg12 : memref<!tpu.dma_semaphore, #tpu.memory_space<semaphore_mem>>) src(%dma_wait3A_30 : memref<40x128xi32, #tpu.memory_space<hbm>>) dst(%arg7 : memref<40x128xi32, #tpu.memory_space<vmem>>)
    %dma_wait3A_31 = arith.constant 0 : i32
    %dma_wait3A_32 = arith.constant 0 : i32
    %dma_wait3A_33 = tpu.memref_slice %arg4[%mul3A_15, %dma_wait3A_31, %dma_wait3A_32] : memref<64x40x128xi32, #tpu.memory_space<hbm>> -> memref<1x40x128xi32, #tpu.memory_space<hbm>>
    %dma_wait3A_34 = tpu.memref_squeeze %dma_wait3A_33 : memref<1x40x128xi32, #tpu.memory_space<hbm>> -> memref<40x128xi32, #tpu.memory_space<hbm>>
    %dma_wait3A_35 = arith.constant 0 : i32
    %dma_wait3A_36 = arith.constant 0 : i32
    %dma_wait3A_37 = tpu.memref_slice %arg4[%mul3A_15, %dma_wait3A_35, %dma_wait3A_36] : memref<64x40x128xi32, #tpu.memory_space<hbm>> -> memref<1x40x128xi32, #tpu.memory_space<hbm>>
    %dma_wait3A_38 = tpu.memref_squeeze %dma_wait3A_37 : memref<1x40x128xi32, #tpu.memory_space<hbm>> -> memref<40x128xi32, #tpu.memory_space<hbm>>
    tpu.wait_dma2 semaphore(%arg13 : memref<!tpu.dma_semaphore, #tpu.memory_space<semaphore_mem>>) src(%dma_wait3A_38 : memref<40x128xi32, #tpu.memory_space<hbm>>) dst(%arg8 : memref<40x128xi32, #tpu.memory_space<vmem>>)
    %dma_wait3A_39 = arith.constant 0 : i32
    %dma_wait3A_40 = tpu.memref_slice %arg11[%mul3A_2, %dma_wait3A_39] : memref<10240x128xf32, #tpu.memory_space<vmem_shared>> -> memref<640x128xf32, #tpu.memory_space<vmem_shared>>
    tpu.wait_dma2 semaphore(%arg14 : memref<!tpu.dma_semaphore, #tpu.memory_space<semaphore_mem>>) src(%arg5 : memref<640x128xf32, #tpu.memory_space<hbm>>) dst(%dma_wait3A_40 : memref<640x128xf32, #tpu.memory_space<vmem_shared>>)
    %barrier3A = arith.constant 0 : index
    tpu.barrier barrier_id(%barrier3A)
    %dma_start3A_41 = arith.constant 0 : i32
    %dma_start3A_42 = arith.constant 0 : i32
    %dma_start3A_43 = tpu.memref_slice %arg7[%dma_start3A_41, %dma_start3A_42] : memref<40x128xi32, #tpu.memory_space<vmem>> -> memref<1x128xi32, #tpu.memory_space<vmem>>
    %dma_start3A_44 = tpu.memref_squeeze %dma_start3A_43 : memref<1x128xi32, #tpu.memory_space<vmem>> -> memref<128xi32, #tpu.memory_space<vmem>>
    %dma_start3A_45 = arith.constant 0 : i32
    %dma_start3A_46 = arith.constant 0 : i32
    %dma_start3A_47 = tpu.memref_slice %arg2[%dma_start3A_45, %dma_start3A_46] : memref<10240x128xf32, #tpu.memory_space<hbm>> -> memref<10240x128xf32, #tpu.memory_space<hbm>>
    tpu.enqueue_indirect_dma source(%dma_start3A_47 : memref<10240x128xf32, #tpu.memory_space<hbm>>) target(%arg9 : memref<128x128xf32, #tpu.memory_space<vmem>>) offsets(%dma_start3A_44 : memref<128xi32, #tpu.memory_space<vmem>>) semaphore(%arg12 : memref<!tpu.dma_semaphore, #tpu.memory_space<semaphore_mem>>)
    %scan3A = arith.constant 0 : i32
    %scan3A_48 = arith.constant 40 : i32
    %scan3A_49 = arith.addi %scan3A, %scan3A_48 : i32
    %scan3A_50 = arith.constant 1 : i32
    scf.for %scan3A_126 = %scan3A to %scan3A_49 step %scan3A_50  : i32 {
      %jit3A = arith.constant 2 : i32
      %eq3A = arith.constant 0 : i32
      %eq3A_127 = arith.cmpi eq, %jit3A, %eq3A : i32
      %jit3A_128 = arith.constant 1 : i32
      %select_n3A = arith.select %eq3A_127, %jit3A_128, %jit3A : i32
      %rem3A = arith.remsi %scan3A_126, %select_n3A : i32
      %ne3A = arith.constant 0 : i32
      %ne3A_129 = arith.cmpi ne, %rem3A, %ne3A : i32
      %lt3A = arith.constant 0 : i32
      %lt3A_130 = arith.cmpi slt, %rem3A, %lt3A : i32
      %lt3A_131 = arith.constant 0 : i32
      %lt3A_132 = arith.cmpi slt, %select_n3A, %lt3A_131 : i32
      %ne3A_133 = arith.xori %lt3A_130, %lt3A_132 : i1
      %and3A = arith.andi %ne3A_133, %ne3A_129 : i1
      %add3A_134 = arith.addi %rem3A, %select_n3A : i32
      %select_n3A_135 = arith.select %and3A, %add3A_134, %rem3A : i32
      %eq3A_136 = arith.constant 0 : i32
      %eq3A_137 = arith.cmpi eq, %select_n3A_135, %eq3A_136 : i32
      %convert_element_type3A = arith.extui %eq3A_137 : i1 to i32
      %cond3A = arith.constant 0 : i32
      %cond3A_138 = arith.cmpi ne, %convert_element_type3A, %cond3A : i32
      scf.if %cond3A_138 {
        %ge3A = arith.constant 1 : i32
        %ge3A_160 = arith.cmpi sge, %scan3A_126, %ge3A : i32
        %convert_element_type3A_161 = arith.extui %ge3A_160 : i1 to i32
        %cond3A_162 = arith.constant 0 : i32
        %cond3A_163 = arith.cmpi ne, %convert_element_type3A_161, %cond3A_162 : i32
        scf.if %cond3A_163 {
          %sub3A = arith.constant 1 : i32
          %sub3A_183 = arith.subi %scan3A_126, %sub3A : i32
          %dma_wait3A_184 = arith.constant 0 : i32
          %dma_wait3A_185 = tpu.memref_slice %arg8[%sub3A_183, %dma_wait3A_184] : memref<40x128xi32, #tpu.memory_space<vmem>> -> memref<1x128xi32, #tpu.memory_space<vmem>>
          %dma_wait3A_186 = tpu.memref_squeeze %dma_wait3A_185 : memref<1x128xi32, #tpu.memory_space<vmem>> -> memref<128xi32, #tpu.memory_space<vmem>>
          %dma_wait3A_187 = arith.constant 0 : i32
          %dma_wait3A_188 = arith.constant 0 : i32
          %dma_wait3A_189 = tpu.memref_slice %arg11[%dma_wait3A_187, %dma_wait3A_188] : memref<10240x128xf32, #tpu.memory_space<vmem_shared>> -> memref<10240x128xf32, #tpu.memory_space<vmem_shared>>
          tpu.wait_indirect_dma semaphore(%arg15 : memref<!tpu.dma_semaphore, #tpu.memory_space<semaphore_mem>>) src(%arg10 : memref<128x128xf32, #tpu.memory_space<vmem>>) dst(%dma_wait3A_189 : memref<10240x128xf32, #tpu.memory_space<vmem_shared>>)
        } else {
        }
        %add3A_164 = arith.constant 1 : i32
        %add3A_165 = arith.addi %scan3A_126, %add3A_164 : i32
        %lt3A_166 = arith.constant 40 : i32
        %lt3A_167 = arith.cmpi slt, %add3A_165, %lt3A_166 : i32
        %convert_element_type3A_168 = arith.extui %lt3A_167 : i1 to i32
        %cond3A_169 = arith.constant 0 : i32
        %cond3A_170 = arith.cmpi ne, %convert_element_type3A_168, %cond3A_169 : i32
        scf.if %cond3A_170 {
          %add3A_183 = arith.constant 1 : i32
          %add3A_184 = arith.addi %scan3A_126, %add3A_183 : i32
          %dma_start3A_185 = arith.constant 0 : i32
          %dma_start3A_186 = tpu.memref_slice %arg7[%add3A_184, %dma_start3A_185] : memref<40x128xi32, #tpu.memory_space<vmem>> -> memref<1x128xi32, #tpu.memory_space<vmem>>
          %dma_start3A_187 = tpu.memref_squeeze %dma_start3A_186 : memref<1x128xi32, #tpu.memory_space<vmem>> -> memref<128xi32, #tpu.memory_space<vmem>>
          %dma_start3A_188 = arith.constant 0 : i32
          %dma_start3A_189 = arith.constant 0 : i32
          %dma_start3A_190 = tpu.memref_slice %arg2[%dma_start3A_188, %dma_start3A_189] : memref<10240x128xf32, #tpu.memory_space<hbm>> -> memref<10240x128xf32, #tpu.memory_space<hbm>>
          tpu.enqueue_indirect_dma source(%dma_start3A_190 : memref<10240x128xf32, #tpu.memory_space<hbm>>) target(%arg10 : memref<128x128xf32, #tpu.memory_space<vmem>>) offsets(%dma_start3A_187 : memref<128xi32, #tpu.memory_space<vmem>>) semaphore(%arg13 : memref<!tpu.dma_semaphore, #tpu.memory_space<semaphore_mem>>)
        } else {
        }
        %dma_wait3A_171 = arith.constant 0 : i32
        %dma_wait3A_172 = tpu.memref_slice %arg7[%scan3A_126, %dma_wait3A_171] : memref<40x128xi32, #tpu.memory_space<vmem>> -> memref<1x128xi32, #tpu.memory_space<vmem>>
        %dma_wait3A_173 = tpu.memref_squeeze %dma_wait3A_172 : memref<1x128xi32, #tpu.memory_space<vmem>> -> memref<128xi32, #tpu.memory_space<vmem>>
        %dma_wait3A_174 = arith.constant 0 : i32
        %dma_wait3A_175 = arith.constant 0 : i32
        %dma_wait3A_176 = tpu.memref_slice %arg2[%dma_wait3A_174, %dma_wait3A_175] : memref<10240x128xf32, #tpu.memory_space<hbm>> -> memref<10240x128xf32, #tpu.memory_space<hbm>>
        tpu.wait_indirect_dma semaphore(%arg12 : memref<!tpu.dma_semaphore, #tpu.memory_space<semaphore_mem>>) src(%dma_wait3A_176 : memref<10240x128xf32, #tpu.memory_space<hbm>>) dst(%arg9 : memref<128x128xf32, #tpu.memory_space<vmem>>)
        %dma_start3A_177 = arith.constant 0 : i32
        %dma_start3A_178 = tpu.memref_slice %arg8[%scan3A_126, %dma_start3A_177] : memref<40x128xi32, #tpu.memory_space<vmem>> -> memref<1x128xi32, #tpu.memory_space<vmem>>
        %dma_start3A_179 = tpu.memref_squeeze %dma_start3A_178 : memref<1x128xi32, #tpu.memory_space<vmem>> -> memref<128xi32, #tpu.memory_space<vmem>>
        %dma_start3A_180 = arith.constant 0 : i32
        %dma_start3A_181 = arith.constant 0 : i32
        %dma_start3A_182 = tpu.memref_slice %arg11[%dma_start3A_180, %dma_start3A_181] : memref<10240x128xf32, #tpu.memory_space<vmem_shared>> -> memref<10240x128xf32, #tpu.memory_space<vmem_shared>>
        tpu.enqueue_indirect_dma source(%arg9 : memref<128x128xf32, #tpu.memory_space<vmem>>) target(%dma_start3A_182 : memref<10240x128xf32, #tpu.memory_space<vmem_shared>>) offsets(%dma_start3A_179 : memref<128xi32, #tpu.memory_space<vmem>>) semaphore(%arg14 : memref<!tpu.dma_semaphore, #tpu.memory_space<semaphore_mem>>) {add = true}
      } else {
      }
      %jit3A_139 = arith.constant 2 : i32
      %eq3A_140 = arith.constant 0 : i32
      %eq3A_141 = arith.cmpi eq, %jit3A_139, %eq3A_140 : i32
      %jit3A_142 = arith.constant 1 : i32
      %select_n3A_143 = arith.select %eq3A_141, %jit3A_142, %jit3A_139 : i32
      %rem3A_144 = arith.remsi %scan3A_126, %select_n3A_143 : i32
      %ne3A_145 = arith.constant 0 : i32
      %ne3A_146 = arith.cmpi ne, %rem3A_144, %ne3A_145 : i32
      %lt3A_147 = arith.constant 0 : i32
      %lt3A_148 = arith.cmpi slt, %rem3A_144, %lt3A_147 : i32
      %lt3A_149 = arith.constant 0 : i32
      %lt3A_150 = arith.cmpi slt, %select_n3A_143, %lt3A_149 : i32
      %ne3A_151 = arith.xori %lt3A_148, %lt3A_150 : i1
      %and3A_152 = arith.andi %ne3A_151, %ne3A_146 : i1
      %add3A_153 = arith.addi %rem3A_144, %select_n3A_143 : i32
      %select_n3A_154 = arith.select %and3A_152, %add3A_153, %rem3A_144 : i32
      %eq3A_155 = arith.constant 1 : i32
      %eq3A_156 = arith.cmpi eq, %select_n3A_154, %eq3A_155 : i32
      %convert_element_type3A_157 = arith.extui %eq3A_156 : i1 to i32
      %cond3A_158 = arith.constant 0 : i32
      %cond3A_159 = arith.cmpi ne, %convert_element_type3A_157, %cond3A_158 : i32
      scf.if %cond3A_159 {
        %ge3A = arith.constant 1 : i32
        %ge3A_160 = arith.cmpi sge, %scan3A_126, %ge3A : i32
        %convert_element_type3A_161 = arith.extui %ge3A_160 : i1 to i32
        %cond3A_162 = arith.constant 0 : i32
        %cond3A_163 = arith.cmpi ne, %convert_element_type3A_161, %cond3A_162 : i32
        scf.if %cond3A_163 {
          %sub3A = arith.constant 1 : i32
          %sub3A_183 = arith.subi %scan3A_126, %sub3A : i32
          %dma_wait3A_184 = arith.constant 0 : i32
          %dma_wait3A_185 = tpu.memref_slice %arg8[%sub3A_183, %dma_wait3A_184] : memref<40x128xi32, #tpu.memory_space<vmem>> -> memref<1x128xi32, #tpu.memory_space<vmem>>
          %dma_wait3A_186 = tpu.memref_squeeze %dma_wait3A_185 : memref<1x128xi32, #tpu.memory_space<vmem>> -> memref<128xi32, #tpu.memory_space<vmem>>
          %dma_wait3A_187 = arith.constant 0 : i32
          %dma_wait3A_188 = arith.constant 0 : i32
          %dma_wait3A_189 = tpu.memref_slice %arg11[%dma_wait3A_187, %dma_wait3A_188] : memref<10240x128xf32, #tpu.memory_space<vmem_shared>> -> memref<10240x128xf32, #tpu.memory_space<vmem_shared>>
          tpu.wait_indirect_dma semaphore(%arg14 : memref<!tpu.dma_semaphore, #tpu.memory_space<semaphore_mem>>) src(%arg9 : memref<128x128xf32, #tpu.memory_space<vmem>>) dst(%dma_wait3A_189 : memref<10240x128xf32, #tpu.memory_space<vmem_shared>>)
        } else {
        }
        %add3A_164 = arith.constant 1 : i32
        %add3A_165 = arith.addi %scan3A_126, %add3A_164 : i32
        %lt3A_166 = arith.constant 40 : i32
        %lt3A_167 = arith.cmpi slt, %add3A_165, %lt3A_166 : i32
        %convert_element_type3A_168 = arith.extui %lt3A_167 : i1 to i32
        %cond3A_169 = arith.constant 0 : i32
        %cond3A_170 = arith.cmpi ne, %convert_element_type3A_168, %cond3A_169 : i32
        scf.if %cond3A_170 {
          %add3A_183 = arith.constant 1 : i32
          %add3A_184 = arith.addi %scan3A_126, %add3A_183 : i32
          %dma_start3A_185 = arith.constant 0 : i32
          %dma_start3A_186 = tpu.memref_slice %arg7[%add3A_184, %dma_start3A_185] : memref<40x128xi32, #tpu.memory_space<vmem>> -> memref<1x128xi32, #tpu.memory_space<vmem>>
          %dma_start3A_187 = tpu.memref_squeeze %dma_start3A_186 : memref<1x128xi32, #tpu.memory_space<vmem>> -> memref<128xi32, #tpu.memory_space<vmem>>
          %dma_start3A_188 = arith.constant 0 : i32
          %dma_start3A_189 = arith.constant 0 : i32
          %dma_start3A_190 = tpu.memref_slice %arg2[%dma_start3A_188, %dma_start3A_189] : memref<10240x128xf32, #tpu.memory_space<hbm>> -> memref<10240x128xf32, #tpu.memory_space<hbm>>
          tpu.enqueue_indirect_dma source(%dma_start3A_190 : memref<10240x128xf32, #tpu.memory_space<hbm>>) target(%arg9 : memref<128x128xf32, #tpu.memory_space<vmem>>) offsets(%dma_start3A_187 : memref<128xi32, #tpu.memory_space<vmem>>) semaphore(%arg12 : memref<!tpu.dma_semaphore, #tpu.memory_space<semaphore_mem>>)
        } else {
        }
        %dma_wait3A_171 = arith.constant 0 : i32
        %dma_wait3A_172 = tpu.memref_slice %arg7[%scan3A_126, %dma_wait3A_171] : memref<40x128xi32, #tpu.memory_space<vmem>> -> memref<1x128xi32, #tpu.memory_space<vmem>>
        %dma_wait3A_173 = tpu.memref_squeeze %dma_wait3A_172 : memref<1x128xi32, #tpu.memory_space<vmem>> -> memref<128xi32, #tpu.memory_space<vmem>>
        %dma_wait3A_174 = arith.constant 0 : i32
        %dma_wait3A_175 = arith.constant 0 : i32
        %dma_wait3A_176 = tpu.memref_slice %arg2[%dma_wait3A_174, %dma_wait3A_175] : memref<10240x128xf32, #tpu.memory_space<hbm>> -> memref<10240x128xf32, #tpu.memory_space<hbm>>
        tpu.wait_indirect_dma semaphore(%arg13 : memref<!tpu.dma_semaphore, #tpu.memory_space<semaphore_mem>>) src(%dma_wait3A_176 : memref<10240x128xf32, #tpu.memory_space<hbm>>) dst(%arg10 : memref<128x128xf32, #tpu.memory_space<vmem>>)
        %dma_start3A_177 = arith.constant 0 : i32
        %dma_start3A_178 = tpu.memref_slice %arg8[%scan3A_126, %dma_start3A_177] : memref<40x128xi32, #tpu.memory_space<vmem>> -> memref<1x128xi32, #tpu.memory_space<vmem>>
        %dma_start3A_179 = tpu.memref_squeeze %dma_start3A_178 : memref<1x128xi32, #tpu.memory_space<vmem>> -> memref<128xi32, #tpu.memory_space<vmem>>
        %dma_start3A_180 = arith.constant 0 : i32
        %dma_start3A_181 = arith.constant 0 : i32
        %dma_start3A_182 = tpu.memref_slice %arg11[%dma_start3A_180, %dma_start3A_181] : memref<10240x128xf32, #tpu.memory_space<vmem_shared>> -> memref<10240x128xf32, #tpu.memory_space<vmem_shared>>
        tpu.enqueue_indirect_dma source(%arg10 : memref<128x128xf32, #tpu.memory_space<vmem>>) target(%dma_start3A_182 : memref<10240x128xf32, #tpu.memory_space<vmem_shared>>) offsets(%dma_start3A_179 : memref<128xi32, #tpu.memory_space<vmem>>) semaphore(%arg15 : memref<!tpu.dma_semaphore, #tpu.memory_space<semaphore_mem>>) {add = true}
      } else {
      }
    }
    %scan3A_51 = arith.constant 40 : i32
    %dma_wait3A_52 = arith.constant 39 : i32
    %dma_wait3A_53 = arith.constant 0 : i32
    %dma_wait3A_54 = tpu.memref_slice %arg8[%dma_wait3A_52, %dma_wait3A_53] : memref<40x128xi32, #tpu.memory_space<vmem>> -> memref<1x128xi32, #tpu.memory_space<vmem>>
    %dma_wait3A_55 = tpu.memref_squeeze %dma_wait3A_54 : memref<1x128xi32, #tpu.memory_space<vmem>> -> memref<128xi32, #tpu.memory_space<vmem>>
    %dma_wait3A_56 = arith.constant 0 : i32
    %dma_wait3A_57 = arith.constant 0 : i32
    %dma_wait3A_58 = tpu.memref_slice %arg11[%dma_wait3A_56, %dma_wait3A_57] : memref<10240x128xf32, #tpu.memory_space<vmem_shared>> -> memref<10240x128xf32, #tpu.memory_space<vmem_shared>>
    tpu.wait_indirect_dma semaphore(%arg15 : memref<!tpu.dma_semaphore, #tpu.memory_space<semaphore_mem>>) src(%arg10 : memref<128x128xf32, #tpu.memory_space<vmem>>) dst(%dma_wait3A_58 : memref<10240x128xf32, #tpu.memory_space<vmem_shared>>)
    %mul3A_59 = arith.constant 2 : i32
    %mul3A_60 = arith.muli %add3A, %mul3A_59 : i32
    %add3A_61 = arith.constant 1 : i32
    %add3A_62 = arith.addi %mul3A_60, %add3A_61 : i32
    %dma_start3A_63 = arith.constant 0 : i32
    %dma_start3A_64 = arith.constant 0 : i32
    %dma_start3A_65 = tpu.memref_slice %arg3[%add3A_62, %dma_start3A_63, %dma_start3A_64] : memref<64x40x128xi32, #tpu.memory_space<hbm>> -> memref<1x40x128xi32, #tpu.memory_space<hbm>>
    %dma_start3A_66 = tpu.memref_squeeze %dma_start3A_65 : memref<1x40x128xi32, #tpu.memory_space<hbm>> -> memref<40x128xi32, #tpu.memory_space<hbm>>
    %dma_start3A_67 = arith.constant 0 : i32
    %dma_start3A_68 = arith.constant 0 : i32
    %dma_start3A_69 = tpu.memref_slice %arg3[%add3A_62, %dma_start3A_67, %dma_start3A_68] : memref<64x40x128xi32, #tpu.memory_space<hbm>> -> memref<1x40x128xi32, #tpu.memory_space<hbm>>
    %dma_start3A_70 = tpu.memref_squeeze %dma_start3A_69 : memref<1x40x128xi32, #tpu.memory_space<hbm>> -> memref<40x128xi32, #tpu.memory_space<hbm>>
    tpu.enqueue_dma source(%dma_start3A_70 : memref<40x128xi32, #tpu.memory_space<hbm>>) target(%arg7 : memref<40x128xi32, #tpu.memory_space<vmem>>) target_semaphore(%arg12 : memref<!tpu.dma_semaphore, #tpu.memory_space<semaphore_mem>>)
    %mul3A_71 = arith.constant 2 : i32
    %mul3A_72 = arith.muli %add3A, %mul3A_71 : i32
    %add3A_73 = arith.constant 1 : i32
    %add3A_74 = arith.addi %mul3A_72, %add3A_73 : i32
    %dma_start3A_75 = arith.constant 0 : i32
    %dma_start3A_76 = arith.constant 0 : i32
    %dma_start3A_77 = tpu.memref_slice %arg4[%add3A_74, %dma_start3A_75, %dma_start3A_76] : memref<64x40x128xi32, #tpu.memory_space<hbm>> -> memref<1x40x128xi32, #tpu.memory_space<hbm>>
    %dma_start3A_78 = tpu.memref_squeeze %dma_start3A_77 : memref<1x40x128xi32, #tpu.memory_space<hbm>> -> memref<40x128xi32, #tpu.memory_space<hbm>>
    %dma_start3A_79 = arith.constant 0 : i32
    %dma_start3A_80 = arith.constant 0 : i32
    %dma_start3A_81 = tpu.memref_slice %arg4[%add3A_74, %dma_start3A_79, %dma_start3A_80] : memref<64x40x128xi32, #tpu.memory_space<hbm>> -> memref<1x40x128xi32, #tpu.memory_space<hbm>>
    %dma_start3A_82 = tpu.memref_squeeze %dma_start3A_81 : memref<1x40x128xi32, #tpu.memory_space<hbm>> -> memref<40x128xi32, #tpu.memory_space<hbm>>
    tpu.enqueue_dma source(%dma_start3A_82 : memref<40x128xi32, #tpu.memory_space<hbm>>) target(%arg8 : memref<40x128xi32, #tpu.memory_space<vmem>>) target_semaphore(%arg13 : memref<!tpu.dma_semaphore, #tpu.memory_space<semaphore_mem>>)
    %dma_wait3A_83 = arith.constant 0 : i32
    %dma_wait3A_84 = arith.constant 0 : i32
    %dma_wait3A_85 = tpu.memref_slice %arg3[%add3A_62, %dma_wait3A_83, %dma_wait3A_84] : memref<64x40x128xi32, #tpu.memory_space<hbm>> -> memref<1x40x128xi32, #tpu.memory_space<hbm>>
    %dma_wait3A_86 = tpu.memref_squeeze %dma_wait3A_85 : memref<1x40x128xi32, #tpu.memory_space<hbm>> -> memref<40x128xi32, #tpu.memory_space<hbm>>
    %dma_wait3A_87 = arith.constant 0 : i32
    %dma_wait3A_88 = arith.constant 0 : i32
    %dma_wait3A_89 = tpu.memref_slice %arg3[%add3A_62, %dma_wait3A_87, %dma_wait3A_88] : memref<64x40x128xi32, #tpu.memory_space<hbm>> -> memref<1x40x128xi32, #tpu.memory_space<hbm>>
    %dma_wait3A_90 = tpu.memref_squeeze %dma_wait3A_89 : memref<1x40x128xi32, #tpu.memory_space<hbm>> -> memref<40x128xi32, #tpu.memory_space<hbm>>
    tpu.wait_dma2 semaphore(%arg12 : memref<!tpu.dma_semaphore, #tpu.memory_space<semaphore_mem>>) src(%dma_wait3A_90 : memref<40x128xi32, #tpu.memory_space<hbm>>) dst(%arg7 : memref<40x128xi32, #tpu.memory_space<vmem>>)
    %dma_wait3A_91 = arith.constant 0 : i32
    %dma_wait3A_92 = arith.constant 0 : i32
    %dma_wait3A_93 = tpu.memref_slice %arg4[%add3A_74, %dma_wait3A_91, %dma_wait3A_92] : memref<64x40x128xi32, #tpu.memory_space<hbm>> -> memref<1x40x128xi32, #tpu.memory_space<hbm>>
    %dma_wait3A_94 = tpu.memref_squeeze %dma_wait3A_93 : memref<1x40x128xi32, #tpu.memory_space<hbm>> -> memref<40x128xi32, #tpu.memory_space<hbm>>
    %dma_wait3A_95 = arith.constant 0 : i32
    %dma_wait3A_96 = arith.constant 0 : i32
    %dma_wait3A_97 = tpu.memref_slice %arg4[%add3A_74, %dma_wait3A_95, %dma_wait3A_96] : memref<64x40x128xi32, #tpu.memory_space<hbm>> -> memref<1x40x128xi32, #tpu.memory_space<hbm>>
    %dma_wait3A_98 = tpu.memref_squeeze %dma_wait3A_97 : memref<1x40x128xi32, #tpu.memory_space<hbm>> -> memref<40x128xi32, #tpu.memory_space<hbm>>
    tpu.wait_dma2 semaphore(%arg13 : memref<!tpu.dma_semaphore, #tpu.memory_space<semaphore_mem>>) src(%dma_wait3A_98 : memref<40x128xi32, #tpu.memory_space<hbm>>) dst(%arg8 : memref<40x128xi32, #tpu.memory_space<vmem>>)
    %dma_start3A_99 = arith.constant 0 : i32
    %dma_start3A_100 = arith.constant 0 : i32
    %dma_start3A_101 = tpu.memref_slice %arg7[%dma_start3A_99, %dma_start3A_100] : memref<40x128xi32, #tpu.memory_space<vmem>> -> memref<1x128xi32, #tpu.memory_space<vmem>>
    %dma_start3A_102 = tpu.memref_squeeze %dma_start3A_101 : memref<1x128xi32, #tpu.memory_space<vmem>> -> memref<128xi32, #tpu.memory_space<vmem>>
    %dma_start3A_103 = arith.constant 0 : i32
    %dma_start3A_104 = arith.constant 0 : i32
    %dma_start3A_105 = tpu.memref_slice %arg2[%dma_start3A_103, %dma_start3A_104] : memref<10240x128xf32, #tpu.memory_space<hbm>> -> memref<10240x128xf32, #tpu.memory_space<hbm>>
    tpu.enqueue_indirect_dma source(%dma_start3A_105 : memref<10240x128xf32, #tpu.memory_space<hbm>>) target(%arg9 : memref<128x128xf32, #tpu.memory_space<vmem>>) offsets(%dma_start3A_102 : memref<128xi32, #tpu.memory_space<vmem>>) semaphore(%arg12 : memref<!tpu.dma_semaphore, #tpu.memory_space<semaphore_mem>>)
    %scan3A_106 = arith.constant 0 : i32
    %scan3A_107 = arith.constant 40 : i32
    %scan3A_108 = arith.addi %scan3A_106, %scan3A_107 : i32
    %scan3A_109 = arith.constant 1 : i32
    scf.for %scan3A_126 = %scan3A_106 to %scan3A_108 step %scan3A_109  : i32 {
      %jit3A = arith.constant 2 : i32
      %eq3A = arith.constant 0 : i32
      %eq3A_127 = arith.cmpi eq, %jit3A, %eq3A : i32
      %jit3A_128 = arith.constant 1 : i32
      %select_n3A = arith.select %eq3A_127, %jit3A_128, %jit3A : i32
      %rem3A = arith.remsi %scan3A_126, %select_n3A : i32
      %ne3A = arith.constant 0 : i32
      %ne3A_129 = arith.cmpi ne, %rem3A, %ne3A : i32
      %lt3A = arith.constant 0 : i32
      %lt3A_130 = arith.cmpi slt, %rem3A, %lt3A : i32
      %lt3A_131 = arith.constant 0 : i32
      %lt3A_132 = arith.cmpi slt, %select_n3A, %lt3A_131 : i32
      %ne3A_133 = arith.xori %lt3A_130, %lt3A_132 : i1
      %and3A = arith.andi %ne3A_133, %ne3A_129 : i1
      %add3A_134 = arith.addi %rem3A, %select_n3A : i32
      %select_n3A_135 = arith.select %and3A, %add3A_134, %rem3A : i32
      %eq3A_136 = arith.constant 0 : i32
      %eq3A_137 = arith.cmpi eq, %select_n3A_135, %eq3A_136 : i32
      %convert_element_type3A = arith.extui %eq3A_137 : i1 to i32
      %cond3A = arith.constant 0 : i32
      %cond3A_138 = arith.cmpi ne, %convert_element_type3A, %cond3A : i32
      scf.if %cond3A_138 {
        %ge3A = arith.constant 1 : i32
        %ge3A_160 = arith.cmpi sge, %scan3A_126, %ge3A : i32
        %convert_element_type3A_161 = arith.extui %ge3A_160 : i1 to i32
        %cond3A_162 = arith.constant 0 : i32
        %cond3A_163 = arith.cmpi ne, %convert_element_type3A_161, %cond3A_162 : i32
        scf.if %cond3A_163 {
          %sub3A = arith.constant 1 : i32
          %sub3A_183 = arith.subi %scan3A_126, %sub3A : i32
          %dma_wait3A_184 = arith.constant 0 : i32
          %dma_wait3A_185 = tpu.memref_slice %arg8[%sub3A_183, %dma_wait3A_184] : memref<40x128xi32, #tpu.memory_space<vmem>> -> memref<1x128xi32, #tpu.memory_space<vmem>>
          %dma_wait3A_186 = tpu.memref_squeeze %dma_wait3A_185 : memref<1x128xi32, #tpu.memory_space<vmem>> -> memref<128xi32, #tpu.memory_space<vmem>>
          %dma_wait3A_187 = arith.constant 0 : i32
          %dma_wait3A_188 = arith.constant 0 : i32
          %dma_wait3A_189 = tpu.memref_slice %arg11[%dma_wait3A_187, %dma_wait3A_188] : memref<10240x128xf32, #tpu.memory_space<vmem_shared>> -> memref<10240x128xf32, #tpu.memory_space<vmem_shared>>
          tpu.wait_indirect_dma semaphore(%arg15 : memref<!tpu.dma_semaphore, #tpu.memory_space<semaphore_mem>>) src(%arg10 : memref<128x128xf32, #tpu.memory_space<vmem>>) dst(%dma_wait3A_189 : memref<10240x128xf32, #tpu.memory_space<vmem_shared>>)
        } else {
        }
        %add3A_164 = arith.constant 1 : i32
        %add3A_165 = arith.addi %scan3A_126, %add3A_164 : i32
        %lt3A_166 = arith.constant 40 : i32
        %lt3A_167 = arith.cmpi slt, %add3A_165, %lt3A_166 : i32
        %convert_element_type3A_168 = arith.extui %lt3A_167 : i1 to i32
        %cond3A_169 = arith.constant 0 : i32
        %cond3A_170 = arith.cmpi ne, %convert_element_type3A_168, %cond3A_169 : i32
        scf.if %cond3A_170 {
          %add3A_183 = arith.constant 1 : i32
          %add3A_184 = arith.addi %scan3A_126, %add3A_183 : i32
          %dma_start3A_185 = arith.constant 0 : i32
          %dma_start3A_186 = tpu.memref_slice %arg7[%add3A_184, %dma_start3A_185] : memref<40x128xi32, #tpu.memory_space<vmem>> -> memref<1x128xi32, #tpu.memory_space<vmem>>
          %dma_start3A_187 = tpu.memref_squeeze %dma_start3A_186 : memref<1x128xi32, #tpu.memory_space<vmem>> -> memref<128xi32, #tpu.memory_space<vmem>>
          %dma_start3A_188 = arith.constant 0 : i32
          %dma_start3A_189 = arith.constant 0 : i32
          %dma_start3A_190 = tpu.memref_slice %arg2[%dma_start3A_188, %dma_start3A_189] : memref<10240x128xf32, #tpu.memory_space<hbm>> -> memref<10240x128xf32, #tpu.memory_space<hbm>>
          tpu.enqueue_indirect_dma source(%dma_start3A_190 : memref<10240x128xf32, #tpu.memory_space<hbm>>) target(%arg10 : memref<128x128xf32, #tpu.memory_space<vmem>>) offsets(%dma_start3A_187 : memref<128xi32, #tpu.memory_space<vmem>>) semaphore(%arg13 : memref<!tpu.dma_semaphore, #tpu.memory_space<semaphore_mem>>)
        } else {
        }
        %dma_wait3A_171 = arith.constant 0 : i32
        %dma_wait3A_172 = tpu.memref_slice %arg7[%scan3A_126, %dma_wait3A_171] : memref<40x128xi32, #tpu.memory_space<vmem>> -> memref<1x128xi32, #tpu.memory_space<vmem>>
        %dma_wait3A_173 = tpu.memref_squeeze %dma_wait3A_172 : memref<1x128xi32, #tpu.memory_space<vmem>> -> memref<128xi32, #tpu.memory_space<vmem>>
        %dma_wait3A_174 = arith.constant 0 : i32
        %dma_wait3A_175 = arith.constant 0 : i32
        %dma_wait3A_176 = tpu.memref_slice %arg2[%dma_wait3A_174, %dma_wait3A_175] : memref<10240x128xf32, #tpu.memory_space<hbm>> -> memref<10240x128xf32, #tpu.memory_space<hbm>>
        tpu.wait_indirect_dma semaphore(%arg12 : memref<!tpu.dma_semaphore, #tpu.memory_space<semaphore_mem>>) src(%dma_wait3A_176 : memref<10240x128xf32, #tpu.memory_space<hbm>>) dst(%arg9 : memref<128x128xf32, #tpu.memory_space<vmem>>)
        %dma_start3A_177 = arith.constant 0 : i32
        %dma_start3A_178 = tpu.memref_slice %arg8[%scan3A_126, %dma_start3A_177] : memref<40x128xi32, #tpu.memory_space<vmem>> -> memref<1x128xi32, #tpu.memory_space<vmem>>
        %dma_start3A_179 = tpu.memref_squeeze %dma_start3A_178 : memref<1x128xi32, #tpu.memory_space<vmem>> -> memref<128xi32, #tpu.memory_space<vmem>>
        %dma_start3A_180 = arith.constant 0 : i32
        %dma_start3A_181 = arith.constant 0 : i32
        %dma_start3A_182 = tpu.memref_slice %arg11[%dma_start3A_180, %dma_start3A_181] : memref<10240x128xf32, #tpu.memory_space<vmem_shared>> -> memref<10240x128xf32, #tpu.memory_space<vmem_shared>>
        tpu.enqueue_indirect_dma source(%arg9 : memref<128x128xf32, #tpu.memory_space<vmem>>) target(%dma_start3A_182 : memref<10240x128xf32, #tpu.memory_space<vmem_shared>>) offsets(%dma_start3A_179 : memref<128xi32, #tpu.memory_space<vmem>>) semaphore(%arg14 : memref<!tpu.dma_semaphore, #tpu.memory_space<semaphore_mem>>) {add = true}
      } else {
      }
      %jit3A_139 = arith.constant 2 : i32
      %eq3A_140 = arith.constant 0 : i32
      %eq3A_141 = arith.cmpi eq, %jit3A_139, %eq3A_140 : i32
      %jit3A_142 = arith.constant 1 : i32
      %select_n3A_143 = arith.select %eq3A_141, %jit3A_142, %jit3A_139 : i32
      %rem3A_144 = arith.remsi %scan3A_126, %select_n3A_143 : i32
      %ne3A_145 = arith.constant 0 : i32
      %ne3A_146 = arith.cmpi ne, %rem3A_144, %ne3A_145 : i32
      %lt3A_147 = arith.constant 0 : i32
      %lt3A_148 = arith.cmpi slt, %rem3A_144, %lt3A_147 : i32
      %lt3A_149 = arith.constant 0 : i32
      %lt3A_150 = arith.cmpi slt, %select_n3A_143, %lt3A_149 : i32
      %ne3A_151 = arith.xori %lt3A_148, %lt3A_150 : i1
      %and3A_152 = arith.andi %ne3A_151, %ne3A_146 : i1
      %add3A_153 = arith.addi %rem3A_144, %select_n3A_143 : i32
      %select_n3A_154 = arith.select %and3A_152, %add3A_153, %rem3A_144 : i32
      %eq3A_155 = arith.constant 1 : i32
      %eq3A_156 = arith.cmpi eq, %select_n3A_154, %eq3A_155 : i32
      %convert_element_type3A_157 = arith.extui %eq3A_156 : i1 to i32
      %cond3A_158 = arith.constant 0 : i32
      %cond3A_159 = arith.cmpi ne, %convert_element_type3A_157, %cond3A_158 : i32
      scf.if %cond3A_159 {
        %ge3A = arith.constant 1 : i32
        %ge3A_160 = arith.cmpi sge, %scan3A_126, %ge3A : i32
        %convert_element_type3A_161 = arith.extui %ge3A_160 : i1 to i32
        %cond3A_162 = arith.constant 0 : i32
        %cond3A_163 = arith.cmpi ne, %convert_element_type3A_161, %cond3A_162 : i32
        scf.if %cond3A_163 {
          %sub3A = arith.constant 1 : i32
          %sub3A_183 = arith.subi %scan3A_126, %sub3A : i32
          %dma_wait3A_184 = arith.constant 0 : i32
          %dma_wait3A_185 = tpu.memref_slice %arg8[%sub3A_183, %dma_wait3A_184] : memref<40x128xi32, #tpu.memory_space<vmem>> -> memref<1x128xi32, #tpu.memory_space<vmem>>
          %dma_wait3A_186 = tpu.memref_squeeze %dma_wait3A_185 : memref<1x128xi32, #tpu.memory_space<vmem>> -> memref<128xi32, #tpu.memory_space<vmem>>
          %dma_wait3A_187 = arith.constant 0 : i32
          %dma_wait3A_188 = arith.constant 0 : i32
          %dma_wait3A_189 = tpu.memref_slice %arg11[%dma_wait3A_187, %dma_wait3A_188] : memref<10240x128xf32, #tpu.memory_space<vmem_shared>> -> memref<10240x128xf32, #tpu.memory_space<vmem_shared>>
          tpu.wait_indirect_dma semaphore(%arg14 : memref<!tpu.dma_semaphore, #tpu.memory_space<semaphore_mem>>) src(%arg9 : memref<128x128xf32, #tpu.memory_space<vmem>>) dst(%dma_wait3A_189 : memref<10240x128xf32, #tpu.memory_space<vmem_shared>>)
        } else {
        }
        %add3A_164 = arith.constant 1 : i32
        %add3A_165 = arith.addi %scan3A_126, %add3A_164 : i32
        %lt3A_166 = arith.constant 40 : i32
        %lt3A_167 = arith.cmpi slt, %add3A_165, %lt3A_166 : i32
        %convert_element_type3A_168 = arith.extui %lt3A_167 : i1 to i32
        %cond3A_169 = arith.constant 0 : i32
        %cond3A_170 = arith.cmpi ne, %convert_element_type3A_168, %cond3A_169 : i32
        scf.if %cond3A_170 {
          %add3A_183 = arith.constant 1 : i32
          %add3A_184 = arith.addi %scan3A_126, %add3A_183 : i32
          %dma_start3A_185 = arith.constant 0 : i32
          %dma_start3A_186 = tpu.memref_slice %arg7[%add3A_184, %dma_start3A_185] : memref<40x128xi32, #tpu.memory_space<vmem>> -> memref<1x128xi32, #tpu.memory_space<vmem>>
          %dma_start3A_187 = tpu.memref_squeeze %dma_start3A_186 : memref<1x128xi32, #tpu.memory_space<vmem>> -> memref<128xi32, #tpu.memory_space<vmem>>
          %dma_start3A_188 = arith.constant 0 : i32
          %dma_start3A_189 = arith.constant 0 : i32
          %dma_start3A_190 = tpu.memref_slice %arg2[%dma_start3A_188, %dma_start3A_189] : memref<10240x128xf32, #tpu.memory_space<hbm>> -> memref<10240x128xf32, #tpu.memory_space<hbm>>
          tpu.enqueue_indirect_dma source(%dma_start3A_190 : memref<10240x128xf32, #tpu.memory_space<hbm>>) target(%arg9 : memref<128x128xf32, #tpu.memory_space<vmem>>) offsets(%dma_start3A_187 : memref<128xi32, #tpu.memory_space<vmem>>) semaphore(%arg12 : memref<!tpu.dma_semaphore, #tpu.memory_space<semaphore_mem>>)
        } else {
        }
        %dma_wait3A_171 = arith.constant 0 : i32
        %dma_wait3A_172 = tpu.memref_slice %arg7[%scan3A_126, %dma_wait3A_171] : memref<40x128xi32, #tpu.memory_space<vmem>> -> memref<1x128xi32, #tpu.memory_space<vmem>>
        %dma_wait3A_173 = tpu.memref_squeeze %dma_wait3A_172 : memref<1x128xi32, #tpu.memory_space<vmem>> -> memref<128xi32, #tpu.memory_space<vmem>>
        %dma_wait3A_174 = arith.constant 0 : i32
        %dma_wait3A_175 = arith.constant 0 : i32
        %dma_wait3A_176 = tpu.memref_slice %arg2[%dma_wait3A_174, %dma_wait3A_175] : memref<10240x128xf32, #tpu.memory_space<hbm>> -> memref<10240x128xf32, #tpu.memory_space<hbm>>
        tpu.wait_indirect_dma semaphore(%arg13 : memref<!tpu.dma_semaphore, #tpu.memory_space<semaphore_mem>>) src(%dma_wait3A_176 : memref<10240x128xf32, #tpu.memory_space<hbm>>) dst(%arg10 : memref<128x128xf32, #tpu.memory_space<vmem>>)
        %dma_start3A_177 = arith.constant 0 : i32
        %dma_start3A_178 = tpu.memref_slice %arg8[%scan3A_126, %dma_start3A_177] : memref<40x128xi32, #tpu.memory_space<vmem>> -> memref<1x128xi32, #tpu.memory_space<vmem>>
        %dma_start3A_179 = tpu.memref_squeeze %dma_start3A_178 : memref<1x128xi32, #tpu.memory_space<vmem>> -> memref<128xi32, #tpu.memory_space<vmem>>
        %dma_start3A_180 = arith.constant 0 : i32
        %dma_start3A_181 = arith.constant 0 : i32
        %dma_start3A_182 = tpu.memref_slice %arg11[%dma_start3A_180, %dma_start3A_181] : memref<10240x128xf32, #tpu.memory_space<vmem_shared>> -> memref<10240x128xf32, #tpu.memory_space<vmem_shared>>
        tpu.enqueue_indirect_dma source(%arg10 : memref<128x128xf32, #tpu.memory_space<vmem>>) target(%dma_start3A_182 : memref<10240x128xf32, #tpu.memory_space<vmem_shared>>) offsets(%dma_start3A_179 : memref<128xi32, #tpu.memory_space<vmem>>) semaphore(%arg15 : memref<!tpu.dma_semaphore, #tpu.memory_space<semaphore_mem>>) {add = true}
      } else {
      }
    }
    %scan3A_110 = arith.constant 40 : i32
    %dma_wait3A_111 = arith.constant 39 : i32
    %dma_wait3A_112 = arith.constant 0 : i32
    %dma_wait3A_113 = tpu.memref_slice %arg8[%dma_wait3A_111, %dma_wait3A_112] : memref<40x128xi32, #tpu.memory_space<vmem>> -> memref<1x128xi32, #tpu.memory_space<vmem>>
    %dma_wait3A_114 = tpu.memref_squeeze %dma_wait3A_113 : memref<1x128xi32, #tpu.memory_space<vmem>> -> memref<128xi32, #tpu.memory_space<vmem>>
    %dma_wait3A_115 = arith.constant 0 : i32
    %dma_wait3A_116 = arith.constant 0 : i32
    %dma_wait3A_117 = tpu.memref_slice %arg11[%dma_wait3A_115, %dma_wait3A_116] : memref<10240x128xf32, #tpu.memory_space<vmem_shared>> -> memref<10240x128xf32, #tpu.memory_space<vmem_shared>>
    tpu.wait_indirect_dma semaphore(%arg15 : memref<!tpu.dma_semaphore, #tpu.memory_space<semaphore_mem>>) src(%arg10 : memref<128x128xf32, #tpu.memory_space<vmem>>) dst(%dma_wait3A_117 : memref<10240x128xf32, #tpu.memory_space<vmem_shared>>)
    %barrier3A_118 = arith.constant 0 : index
    tpu.barrier barrier_id(%barrier3A_118)
    %mul3A_119 = arith.constant 640 : i32
    %mul3A_120 = arith.muli %arg1, %mul3A_119 : i32
    %mul3A_121 = arith.constant 10240 : i32
    %mul3A_122 = arith.muli %arg0, %mul3A_121 : i32
    %mul3A_123 = arith.constant 640 : i32
    %mul3A_124 = arith.muli %arg1, %mul3A_123 : i32
    %add3A_125 = arith.addi %mul3A_122, %mul3A_124 : i32
    "tpu.region"() ({
      %run_scoped3A = tpu.sem_alloc : memref<!tpu.dma_semaphore, #tpu.memory_space<semaphore_mem>>
      %dma_start3A_126 = arith.constant 0 : i32
      %dma_start3A_127 = tpu.memref_slice %arg6[%add3A_125, %dma_start3A_126] : memref<20480x128xf32, #tpu.memory_space<hbm>> -> memref<640x128xf32, #tpu.memory_space<hbm>>
      %dma_start3A_128 = arith.constant 0 : i32
      %dma_start3A_129 = tpu.memref_slice %arg11[%mul3A_120, %dma_start3A_128] : memref<10240x128xf32, #tpu.memory_space<vmem_shared>> -> memref<640x128xf32, #tpu.memory_space<vmem_shared>>
      tpu.enqueue_dma source(%dma_start3A_129 : memref<640x128xf32, #tpu.memory_space<vmem_shared>>) target(%dma_start3A_127 : memref<640x128xf32, #tpu.memory_space<hbm>>) target_semaphore(%run_scoped3A : memref<!tpu.dma_semaphore, #tpu.memory_space<semaphore_mem>>)
      %dma_wait3A_130 = arith.constant 0 : i32
      %dma_wait3A_131 = tpu.memref_slice %arg6[%add3A_125, %dma_wait3A_130] : memref<20480x128xf32, #tpu.memory_space<hbm>> -> memref<640x128xf32, #tpu.memory_space<hbm>>
      %dma_wait3A_132 = arith.constant 0 : i32
      %dma_wait3A_133 = tpu.memref_slice %arg11[%mul3A_120, %dma_wait3A_132] : memref<10240x128xf32, #tpu.memory_space<vmem_shared>> -> memref<640x128xf32, #tpu.memory_space<vmem_shared>>
      tpu.wait_dma2 semaphore(%run_scoped3A : memref<!tpu.dma_semaphore, #tpu.memory_space<semaphore_mem>>) src(%dma_wait3A_133 : memref<640x128xf32, #tpu.memory_space<vmem_shared>>) dst(%dma_wait3A_131 : memref<640x128xf32, #tpu.memory_space<hbm>>)
      tpu.yield
    }) : () -> ()
    return
  }
}

module attributes {stable_mosaic.version = 14 : i64} {
  func.func @_ka_body(%arg0: i32, %arg1: memref<5120x128xf32, #tpu.memory_space<vmem>>, %arg2: memref<128x128xf32, #tpu.memory_space<vmem>>, %arg3: memref<1x1x5120xf32, #tpu.memory_space<vmem>>, %arg4: memref<1x1x5120xf32, #tpu.memory_space<vmem>>, %arg5: memref<5120x128xf32, #tpu.memory_space<vmem>>) attributes {dimension_semantics = [#tpu.dimension_semantics<arbitrary>], iteration_bounds = array<i64: 2>, scalar_prefetch = 0 : i64, scratch_operands = 0 : i64, tpu.core_type = #tpu.core_type<tc>, window_params = [{transform_indices = @transform_0, window_bounds = array<i64: 5120, 128>}, {pipeline_mode = #tpu.pipeline_mode<synchronous>, transform_indices = @transform_1, window_bounds = array<i64: 128, 128>}, {transform_indices = @transform_2, window_bounds = array<i64: 1, 1, 5120>}, {transform_indices = @transform_3, window_bounds = array<i64: 1, 1, 5120>}, {transform_indices = @transform_4, window_bounds = array<i64: 5120, 128>}]} {
    %get3A = arith.constant 0 : index
    %get3A_0 = arith.constant 0 : index
    %get3A_1 = arith.constant 0 : index
    %get3A_2 = vector.load %arg3[%get3A, %get3A_0, %get3A_1] : memref<1x1x5120xf32, #tpu.memory_space<vmem>>, vector<1x1x5120xf32>
    %get3A_3 = vector.shape_cast %get3A_2 : vector<1x1x5120xf32> to vector<5120xf32>
    %get3A_4 = arith.constant 0 : index
    %get3A_5 = arith.constant 0 : index
    %get3A_6 = arith.constant 0 : index
    %get3A_7 = vector.load %arg4[%get3A_4, %get3A_5, %get3A_6] : memref<1x1x5120xf32, #tpu.memory_space<vmem>>, vector<1x1x5120xf32>
    %get3A_8 = vector.shape_cast %get3A_7 : vector<1x1x5120xf32> to vector<5120xf32>
    %add3A = arith.addf %get3A_3, %get3A_8 : vector<5120xf32>
    %add3A_9 = arith.constant 1.000000e+00 : f32
    %add3A_10 = vector.broadcast %add3A_9 : f32 to vector<5120xf32>
    %add3A_11 = arith.addf %add3A, %add3A_10 : vector<5120xf32>
    %rsqrt3A = math.rsqrt %add3A_11 : vector<5120xf32>
    %get3A_12 = arith.constant 0 : index
    %get3A_13 = arith.constant 0 : index
    %get3A_14 = vector.load %arg1[%get3A_12, %get3A_13] : memref<5120x128xf32, #tpu.memory_space<vmem>>, vector<5120x128xf32>
    %get3A_15 = arith.constant 0 : index
    %get3A_16 = arith.constant 0 : index
    %get3A_17 = vector.load %arg2[%get3A_15, %get3A_16] : memref<128x128xf32, #tpu.memory_space<vmem>>, vector<128x128xf32>
    %dot_general3A = arith.constant dense<0.000000e+00> : vector<5120x128xf32>
    %dot_general3A_18 = tpu.matmul %get3A_14, %get3A_17, %dot_general3A {dimension_numbers = #tpu.dot_dimension_numbers<[1], [0], [0], [1], [0, 0, 1, 1], [], []>, transpose_lhs_hint = false} : vector<5120x128xf32>, vector<128x128xf32>, vector<5120x128xf32> -> vector<5120x128xf32>
    %broadcast_in_dim3A = vector.shape_cast %rsqrt3A : vector<5120xf32> to vector<5120x1xf32>
    %mul3A = vector.broadcast %broadcast_in_dim3A : vector<5120x1xf32> to vector<5120x128xf32>
    %mul3A_19 = arith.mulf %dot_general3A_18, %mul3A : vector<5120x128xf32>
    %swap3A = arith.constant 0 : index
    %swap3A_20 = arith.constant 0 : index
    %swap3A_21 = vector.load %arg5[%swap3A, %swap3A_20] : memref<5120x128xf32, #tpu.memory_space<vmem>>, vector<5120x128xf32>
    tpu.vector_store %arg5[%swap3A, %swap3A_20], %mul3A_19 {strides = array<i32>} : memref<5120x128xf32, #tpu.memory_space<vmem>>, vector<5120x128xf32>,
    return
  }
  func.func @transform_0(%arg0: i32) -> (i32, i32) {
    %c0_i32 = arith.constant 0 : i32
    %c0_i32_0 = arith.constant 0 : i32
    return %arg0, %c0_i32 : i32, i32
  }
  func.func @transform_1(%arg0: i32) -> (i32, i32) {
    %c0_i32 = arith.constant 0 : i32
    %c0_i32_0 = arith.constant 0 : i32
    %c0_i32_1 = arith.constant 0 : i32
    return %c0_i32, %c0_i32_0 : i32, i32
  }
  func.func @transform_2(%arg0: i32) -> (i32, i32, i32) {
    %c0_i32 = arith.constant 0 : i32
    %c0_i32_0 = arith.constant 0 : i32
    %c0_i32_1 = arith.constant 0 : i32
    return %arg0, %c0_i32, %c0_i32_0 : i32, i32, i32
  }
  func.func @transform_3(%arg0: i32) -> (i32, i32, i32) {
    %c0_i32 = arith.constant 0 : i32
    %c0_i32_0 = arith.constant 0 : i32
    %c0_i32_1 = arith.constant 0 : i32
    return %arg0, %c0_i32, %c0_i32_0 : i32, i32, i32
  }
  func.func @transform_4(%arg0: i32) -> (i32, i32) {
    %c0_i32 = arith.constant 0 : i32
    %c0_i32_0 = arith.constant 0 : i32
    return %arg0, %c0_i32 : i32, i32
  }
}

module attributes {stable_mosaic.version = 14 : i64} {
  func.func @_kb_body(%arg0: i32, %arg1: memref<5120x128xf32, #tpu.memory_space<vmem>>, %arg2: memref<5120x128xf32, #tpu.memory_space<vmem>>, %arg3: memref<5120x128xf32, #tpu.memory_space<vmem>>, %arg4: memref<1x1x5120xf32, #tpu.memory_space<vmem>>, %arg5: memref<1x1x5120xf32, #tpu.memory_space<vmem>>, %arg6: memref<1x128xf32, #tpu.memory_space<vmem>>, %arg7: memref<1x128xf32, #tpu.memory_space<vmem>>, %arg8: memref<1x128xf32, #tpu.memory_space<vmem>>, %arg9: memref<5120x128xf32, #tpu.memory_space<vmem>>, %arg10: memref<128x128xf32, #tpu.memory_space<vmem>>, %arg11: memref<5120x128xf32, #tpu.memory_space<vmem>>, %arg12: memref<5120x128xf32, #tpu.memory_space<vmem>>) attributes {dimension_semantics = [#tpu.dimension_semantics<arbitrary>], iteration_bounds = array<i64: 2>, scalar_prefetch = 0 : i64, scratch_operands = 0 : i64, tpu.core_type = #tpu.core_type<tc>, window_params = [{transform_indices = @transform_0, window_bounds = array<i64: 5120, 128>}, {transform_indices = @transform_1, window_bounds = array<i64: 5120, 128>}, {transform_indices = @transform_2, window_bounds = array<i64: 5120, 128>}, {transform_indices = @transform_3, window_bounds = array<i64: 1, 1, 5120>}, {transform_indices = @transform_4, window_bounds = array<i64: 1, 1, 5120>}, {pipeline_mode = #tpu.pipeline_mode<synchronous>, transform_indices = @transform_5, window_bounds = array<i64: 1, 128>}, {pipeline_mode = #tpu.pipeline_mode<synchronous>, transform_indices = @transform_6, window_bounds = array<i64: 1, 128>}, {pipeline_mode = #tpu.pipeline_mode<synchronous>, transform_indices = @transform_7, window_bounds = array<i64: 1, 128>}, {transform_indices = @transform_8, window_bounds = array<i64: 5120, 128>}, {pipeline_mode = #tpu.pipeline_mode<synchronous>, transform_indices = @transform_9, window_bounds = array<i64: 128, 128>}, {transform_indices = @transform_10, window_bounds = array<i64: 5120, 128>}, {transform_indices = @transform_11, window_bounds = array<i64: 5120, 128>}]} {
    %get3A = arith.constant 0 : index
    %get3A_0 = arith.constant 0 : index
    %get3A_1 = arith.constant 0 : index
    %get3A_2 = vector.load %arg4[%get3A, %get3A_0, %get3A_1] : memref<1x1x5120xf32, #tpu.memory_space<vmem>>, vector<1x1x5120xf32>
    %get3A_3 = vector.shape_cast %get3A_2 : vector<1x1x5120xf32> to vector<5120xf32>
    %get3A_4 = arith.constant 0 : index
    %get3A_5 = arith.constant 0 : index
    %get3A_6 = arith.constant 0 : index
    %get3A_7 = vector.load %arg5[%get3A_4, %get3A_5, %get3A_6] : memref<1x1x5120xf32, #tpu.memory_space<vmem>>, vector<1x1x5120xf32>
    %get3A_8 = vector.shape_cast %get3A_7 : vector<1x1x5120xf32> to vector<5120xf32>
    %add3A = arith.addf %get3A_3, %get3A_8 : vector<5120xf32>
    %add3A_9 = arith.constant 1.000000e+00 : f32
    %add3A_10 = vector.broadcast %add3A_9 : f32 to vector<5120xf32>
    %add3A_11 = arith.addf %add3A, %add3A_10 : vector<5120xf32>
    %rsqrt3A = math.rsqrt %add3A_11 : vector<5120xf32>
    %get3A_12 = arith.constant 0 : index
    %get3A_13 = arith.constant 0 : index
    %get3A_14 = vector.load %arg1[%get3A_12, %get3A_13] : memref<5120x128xf32, #tpu.memory_space<vmem>>, vector<5120x128xf32>
    %get3A_15 = arith.constant 0 : index
    %get3A_16 = arith.constant 0 : index
    %get3A_17 = vector.load %arg2[%get3A_15, %get3A_16] : memref<5120x128xf32, #tpu.memory_space<vmem>>, vector<5120x128xf32>
    %get3A_18 = arith.constant 0 : index
    %get3A_19 = arith.constant 0 : index
    %get3A_20 = vector.load %arg3[%get3A_18, %get3A_19] : memref<5120x128xf32, #tpu.memory_space<vmem>>, vector<5120x128xf32>
    %get3A_21 = arith.constant 0 : index
    %get3A_22 = arith.constant 0 : index
    %get3A_23 = vector.load %arg6[%get3A_21, %get3A_22] : memref<1x128xf32, #tpu.memory_space<vmem>>, vector<1x128xf32>
    %get3A_24 = arith.constant 0 : index
    %get3A_25 = arith.constant 0 : index
    %get3A_26 = vector.load %arg7[%get3A_24, %get3A_25] : memref<1x128xf32, #tpu.memory_space<vmem>>, vector<1x128xf32>
    %get3A_27 = arith.constant 0 : index
    %get3A_28 = arith.constant 0 : index
    %get3A_29 = vector.load %arg8[%get3A_27, %get3A_28] : memref<1x128xf32, #tpu.memory_space<vmem>>, vector<1x128xf32>
    %get3A_30 = arith.constant 0 : index
    %get3A_31 = arith.constant 0 : index
    %get3A_32 = vector.load %arg9[%get3A_30, %get3A_31] : memref<5120x128xf32, #tpu.memory_space<vmem>>, vector<5120x128xf32>
    %add3A_33 = arith.addf %get3A_14, %get3A_17 : vector<5120x128xf32>
    %add3A_34 = arith.addf %add3A_33, %get3A_20 : vector<5120x128xf32>
    %broadcast_in_dim3A = vector.shape_cast %rsqrt3A : vector<5120xf32> to vector<5120x1xf32>
    %mul3A = vector.broadcast %broadcast_in_dim3A : vector<5120x1xf32> to vector<5120x128xf32>
    %mul3A_35 = arith.mulf %add3A_34, %mul3A : vector<5120x128xf32>
    %squeeze3A = vector.shape_cast %get3A_23 : vector<1x128xf32> to vector<128xf32>
    %broadcast_in_dim3A_36 = vector.shape_cast %squeeze3A : vector<128xf32> to vector<1x128xf32>
    %add3A_37 = vector.broadcast %broadcast_in_dim3A_36 : vector<1x128xf32> to vector<5120x128xf32>
    %add3A_38 = arith.addf %mul3A_35, %add3A_37 : vector<5120x128xf32>
    %reduce_sum3A = arith.constant dense<0.000000e+00> : vector<5120xf32>
    %reduce_sum3A_39 = vector.multi_reduction <add>, %add3A_38, %reduce_sum3A [1] : vector<5120x128xf32> to vector<5120xf32>
    %broadcast_in_dim3A_40 = vector.shape_cast %reduce_sum3A_39 : vector<5120xf32> to vector<5120x1xf32>
    %div3A = arith.constant 1.280000e+02 : f32
    %div3A_41 = vector.broadcast %div3A : f32 to vector<5120x1xf32>
    %div3A_42 = arith.divf %broadcast_in_dim3A_40, %div3A_41 : vector<5120x1xf32>
    %sub3A = vector.broadcast %div3A_42 : vector<5120x1xf32> to vector<5120x128xf32>
    %sub3A_43 = arith.subf %add3A_38, %sub3A : vector<5120x128xf32>
    %integer_pow3A = arith.mulf %sub3A_43, %sub3A_43 : vector<5120x128xf32>
    %reduce_sum3A_44 = arith.constant dense<0.000000e+00> : vector<5120xf32>
    %reduce_sum3A_45 = vector.multi_reduction <add>, %integer_pow3A, %reduce_sum3A_44 [1] : vector<5120x128xf32> to vector<5120xf32>
    %broadcast_in_dim3A_46 = vector.shape_cast %reduce_sum3A_45 : vector<5120xf32> to vector<5120x1xf32>
    %div3A_47 = arith.constant 1.280000e+02 : f32
    %div3A_48 = vector.broadcast %div3A_47 : f32 to vector<5120x1xf32>
    %div3A_49 = arith.divf %broadcast_in_dim3A_46, %div3A_48 : vector<5120x1xf32>
    %sub3A_50 = vector.broadcast %div3A_42 : vector<5120x1xf32> to vector<5120x128xf32>
    %sub3A_51 = arith.subf %add3A_38, %sub3A_50 : vector<5120x128xf32>
    %add3A_52 = arith.constant 9.99999974E-6 : f32
    %add3A_53 = vector.broadcast %add3A_52 : f32 to vector<5120x1xf32>
    %add3A_54 = arith.addf %div3A_49, %add3A_53 : vector<5120x1xf32>
    %rsqrt3A_55 = math.rsqrt %add3A_54 : vector<5120x1xf32>
    %mul3A_56 = vector.broadcast %rsqrt3A_55 : vector<5120x1xf32> to vector<5120x128xf32>
    %mul3A_57 = arith.mulf %sub3A_51, %mul3A_56 : vector<5120x128xf32>
    %squeeze3A_58 = vector.shape_cast %get3A_26 : vector<1x128xf32> to vector<128xf32>
    %broadcast_in_dim3A_59 = vector.shape_cast %squeeze3A_58 : vector<128xf32> to vector<1x128xf32>
    %mul3A_60 = vector.broadcast %broadcast_in_dim3A_59 : vector<1x128xf32> to vector<5120x128xf32>
    %mul3A_61 = arith.mulf %mul3A_57, %mul3A_60 : vector<5120x128xf32>
    %squeeze3A_62 = vector.shape_cast %get3A_29 : vector<1x128xf32> to vector<128xf32>
    %broadcast_in_dim3A_63 = vector.shape_cast %squeeze3A_62 : vector<128xf32> to vector<1x128xf32>
    %add3A_64 = vector.broadcast %broadcast_in_dim3A_63 : vector<1x128xf32> to vector<5120x128xf32>
    %add3A_65 = arith.addf %mul3A_61, %add3A_64 : vector<5120x128xf32>
    %max3A = arith.constant 0.000000e+00 : f32
    %max3A_66 = vector.broadcast %max3A : f32 to vector<5120x128xf32>
    %max3A_67 = arith.maximumf %add3A_65, %max3A_66 : vector<5120x128xf32>
    %add3A_68 = arith.addf %max3A_67, %get3A_32 : vector<5120x128xf32>
    %swap3A = arith.constant 0 : index
    %swap3A_69 = arith.constant 0 : index
    %swap3A_70 = vector.load %arg11[%swap3A, %swap3A_69] : memref<5120x128xf32, #tpu.memory_space<vmem>>, vector<5120x128xf32>
    tpu.vector_store %arg11[%swap3A, %swap3A_69], %add3A_68 {strides = array<i32>} : memref<5120x128xf32, #tpu.memory_space<vmem>>, vector<5120x128xf32>,
    %get3A_71 = arith.constant 0 : index
    %get3A_72 = arith.constant 0 : index
    %get3A_73 = vector.load %arg10[%get3A_71, %get3A_72] : memref<128x128xf32, #tpu.memory_space<vmem>>, vector<128x128xf32>
    %dot_general3A = arith.constant dense<0.000000e+00> : vector<5120x128xf32>
    %dot_general3A_74 = tpu.matmul %add3A_68, %get3A_73, %dot_general3A {dimension_numbers = #tpu.dot_dimension_numbers<[1], [0], [0], [1], [0, 0, 1, 1], [], []>, transpose_lhs_hint = false} : vector<5120x128xf32>, vector<128x128xf32>, vector<5120x128xf32> -> vector<5120x128xf32>
    %broadcast_in_dim3A_75 = vector.shape_cast %rsqrt3A : vector<5120xf32> to vector<5120x1xf32>
    %mul3A_76 = vector.broadcast %broadcast_in_dim3A_75 : vector<5120x1xf32> to vector<5120x128xf32>
    %mul3A_77 = arith.mulf %dot_general3A_74, %mul3A_76 : vector<5120x128xf32>
    %swap3A_78 = arith.constant 0 : index
    %swap3A_79 = arith.constant 0 : index
    %swap3A_80 = vector.load %arg12[%swap3A_78, %swap3A_79] : memref<5120x128xf32, #tpu.memory_space<vmem>>, vector<5120x128xf32>
    tpu.vector_store %arg12[%swap3A_78, %swap3A_79], %mul3A_77 {strides = array<i32>} : memref<5120x128xf32, #tpu.memory_space<vmem>>, vector<5120x128xf32>,
    return
  }
  func.func @transform_0(%arg0: i32) -> (i32, i32) {
    %c0_i32 = arith.constant 0 : i32
    %c0_i32_0 = arith.constant 0 : i32
    return %arg0, %c0_i32 : i32, i32
  }
  func.func @transform_1(%arg0: i32) -> (i32, i32) {
    %add3A = arith.constant 2 : i32
    %add3A_0 = arith.addi %arg0, %add3A : i32
    %c0_i32 = arith.constant 0 : i32
    %c0_i32_1 = arith.constant 0 : i32
    return %add3A_0, %c0_i32 : i32, i32
  }
  func.func @transform_2(%arg0: i32) -> (i32, i32) {
    %c0_i32 = arith.constant 0 : i32
    %c0_i32_0 = arith.constant 0 : i32
    return %arg0, %c0_i32 : i32, i32
  }
  func.func @transform_3(%arg0: i32) -> (i32, i32, i32) {
    %c0_i32 = arith.constant 0 : i32
    %c0_i32_0 = arith.constant 0 : i32
    %c0_i32_1 = arith.constant 0 : i32
    return %arg0, %c0_i32, %c0_i32_0 : i32, i32, i32
  }
  func.func @transform_4(%arg0: i32) -> (i32, i32, i32) {
    %c0_i32 = arith.constant 0 : i32
    %c0_i32_0 = arith.constant 0 : i32
    %c0_i32_1 = arith.constant 0 : i32
    return %arg0, %c0_i32, %c0_i32_0 : i32, i32, i32
  }
  func.func @transform_5(%arg0: i32) -> (i32, i32) {
    %c0_i32 = arith.constant 0 : i32
    %c0_i32_0 = arith.constant 0 : i32
    %c0_i32_1 = arith.constant 0 : i32
    return %c0_i32, %c0_i32_0 : i32, i32
  }
  func.func @transform_6(%arg0: i32) -> (i32, i32) {
    %c0_i32 = arith.constant 0 : i32
    %c0_i32_0 = arith.constant 0 : i32
    %c0_i32_1 = arith.constant 0 : i32
    return %c0_i32, %c0_i32_0 : i32, i32
  }
  func.func @transform_7(%arg0: i32) -> (i32, i32) {
    %c0_i32 = arith.constant 0 : i32
    %c0_i32_0 = arith.constant 0 : i32
    %c0_i32_1 = arith.constant 0 : i32
    return %c0_i32, %c0_i32_0 : i32, i32
  }
  func.func @transform_8(%arg0: i32) -> (i32, i32) {
    %c0_i32 = arith.constant 0 : i32
    %c0_i32_0 = arith.constant 0 : i32
    return %arg0, %c0_i32 : i32, i32
  }
  func.func @transform_9(%arg0: i32) -> (i32, i32) {
    %c0_i32 = arith.constant 0 : i32
    %c0_i32_0 = arith.constant 0 : i32
    %c0_i32_1 = arith.constant 0 : i32
    return %c0_i32, %c0_i32_0 : i32, i32
  }
  func.func @transform_10(%arg0: i32) -> (i32, i32) {
    %c0_i32 = arith.constant 0 : i32
    %c0_i32_0 = arith.constant 0 : i32
    return %arg0, %c0_i32 : i32, i32
  }
  func.func @transform_11(%arg0: i32) -> (i32, i32) {
    %c0_i32 = arith.constant 0 : i32
    %c0_i32_0 = arith.constant 0 : i32
    return %arg0, %c0_i32 : i32, i32
  }
}

module attributes {stable_mosaic.version = 14 : i64} {
  func.func @_kc_body(%arg0: i32, %arg1: memref<5120x128xf32, #tpu.memory_space<vmem>>, %arg2: memref<5120x128xf32, #tpu.memory_space<vmem>>, %arg3: memref<5120x128xf32, #tpu.memory_space<vmem>>, %arg4: memref<1x1x5120xf32, #tpu.memory_space<vmem>>, %arg5: memref<1x1x5120xf32, #tpu.memory_space<vmem>>, %arg6: memref<1x128xf32, #tpu.memory_space<vmem>>, %arg7: memref<1x128xf32, #tpu.memory_space<vmem>>, %arg8: memref<1x128xf32, #tpu.memory_space<vmem>>, %arg9: memref<5120x128xf32, #tpu.memory_space<vmem>>, %arg10: memref<1x1x5120xi32, #tpu.memory_space<vmem>>, %arg11: memref<128x128xf32, #tpu.memory_space<vmem>>, %arg12: memref<1x128xf32, #tpu.memory_space<vmem>>, %arg13: memref<64x128xf32, #tpu.memory_space<vmem>>, %arg14: memref<64x128xf32, #tpu.memory_space<vmem>>, %arg15: memref<64x128xf32, #tpu.memory_space<vmem>>) attributes {dimension_semantics = [#tpu.dimension_semantics<arbitrary>], iteration_bounds = array<i64: 2>, scalar_prefetch = 0 : i64, scratch_operands = 2 : i64, tpu.core_type = #tpu.core_type<tc>, window_params = [{transform_indices = @transform_0, window_bounds = array<i64: 5120, 128>}, {transform_indices = @transform_1, window_bounds = array<i64: 5120, 128>}, {transform_indices = @transform_2, window_bounds = array<i64: 5120, 128>}, {transform_indices = @transform_3, window_bounds = array<i64: 1, 1, 5120>}, {transform_indices = @transform_4, window_bounds = array<i64: 1, 1, 5120>}, {pipeline_mode = #tpu.pipeline_mode<synchronous>, transform_indices = @transform_5, window_bounds = array<i64: 1, 128>}, {pipeline_mode = #tpu.pipeline_mode<synchronous>, transform_indices = @transform_6, window_bounds = array<i64: 1, 128>}, {pipeline_mode = #tpu.pipeline_mode<synchronous>, transform_indices = @transform_7, window_bounds = array<i64: 1, 128>}, {transform_indices = @transform_8, window_bounds = array<i64: 5120, 128>}, {transform_indices = @transform_9, window_bounds = array<i64: 1, 1, 5120>}, {pipeline_mode = #tpu.pipeline_mode<synchronous>, transform_indices = @transform_10, window_bounds = array<i64: 128, 128>}, {pipeline_mode = #tpu.pipeline_mode<synchronous>, transform_indices = @transform_11, window_bounds = array<i64: 1, 128>}, {pipeline_mode = #tpu.pipeline_mode<synchronous>, transform_indices = @transform_12, window_bounds = array<i64: 64, 128>}]} {
    %get3A = arith.constant 0 : index
    %get3A_0 = arith.constant 0 : index
    %get3A_1 = arith.constant 0 : index
    %get3A_2 = vector.load %arg4[%get3A, %get3A_0, %get3A_1] : memref<1x1x5120xf32, #tpu.memory_space<vmem>>, vector<1x1x5120xf32>
    %get3A_3 = vector.shape_cast %get3A_2 : vector<1x1x5120xf32> to vector<5120xf32>
    %get3A_4 = arith.constant 0 : index
    %get3A_5 = arith.constant 0 : index
    %get3A_6 = arith.constant 0 : index
    %get3A_7 = vector.load %arg5[%get3A_4, %get3A_5, %get3A_6] : memref<1x1x5120xf32, #tpu.memory_space<vmem>>, vector<1x1x5120xf32>
    %get3A_8 = vector.shape_cast %get3A_7 : vector<1x1x5120xf32> to vector<5120xf32>
    %add3A = arith.addf %get3A_3, %get3A_8 : vector<5120xf32>
    %add3A_9 = arith.constant 1.000000e+00 : f32
    %add3A_10 = vector.broadcast %add3A_9 : f32 to vector<5120xf32>
    %add3A_11 = arith.addf %add3A, %add3A_10 : vector<5120xf32>
    %rsqrt3A = math.rsqrt %add3A_11 : vector<5120xf32>
    %get3A_12 = arith.constant 0 : index
    %get3A_13 = arith.constant 0 : index
    %get3A_14 = vector.load %arg1[%get3A_12, %get3A_13] : memref<5120x128xf32, #tpu.memory_space<vmem>>, vector<5120x128xf32>
    %get3A_15 = arith.constant 0 : index
    %get3A_16 = arith.constant 0 : index
    %get3A_17 = vector.load %arg2[%get3A_15, %get3A_16] : memref<5120x128xf32, #tpu.memory_space<vmem>>, vector<5120x128xf32>
    %get3A_18 = arith.constant 0 : index
    %get3A_19 = arith.constant 0 : index
    %get3A_20 = vector.load %arg3[%get3A_18, %get3A_19] : memref<5120x128xf32, #tpu.memory_space<vmem>>, vector<5120x128xf32>
    %get3A_21 = arith.constant 0 : index
    %get3A_22 = arith.constant 0 : index
    %get3A_23 = vector.load %arg6[%get3A_21, %get3A_22] : memref<1x128xf32, #tpu.memory_space<vmem>>, vector<1x128xf32>
    %get3A_24 = arith.constant 0 : index
    %get3A_25 = arith.constant 0 : index
    %get3A_26 = vector.load %arg7[%get3A_24, %get3A_25] : memref<1x128xf32, #tpu.memory_space<vmem>>, vector<1x128xf32>
    %get3A_27 = arith.constant 0 : index
    %get3A_28 = arith.constant 0 : index
    %get3A_29 = vector.load %arg8[%get3A_27, %get3A_28] : memref<1x128xf32, #tpu.memory_space<vmem>>, vector<1x128xf32>
    %get3A_30 = arith.constant 0 : index
    %get3A_31 = arith.constant 0 : index
    %get3A_32 = vector.load %arg9[%get3A_30, %get3A_31] : memref<5120x128xf32, #tpu.memory_space<vmem>>, vector<5120x128xf32>
    %add3A_33 = arith.addf %get3A_14, %get3A_17 : vector<5120x128xf32>
    %add3A_34 = arith.addf %add3A_33, %get3A_20 : vector<5120x128xf32>
    %broadcast_in_dim3A = vector.shape_cast %rsqrt3A : vector<5120xf32> to vector<5120x1xf32>
    %mul3A = vector.broadcast %broadcast_in_dim3A : vector<5120x1xf32> to vector<5120x128xf32>
    %mul3A_35 = arith.mulf %add3A_34, %mul3A : vector<5120x128xf32>
    %squeeze3A = vector.shape_cast %get3A_23 : vector<1x128xf32> to vector<128xf32>
    %broadcast_in_dim3A_36 = vector.shape_cast %squeeze3A : vector<128xf32> to vector<1x128xf32>
    %add3A_37 = vector.broadcast %broadcast_in_dim3A_36 : vector<1x128xf32> to vector<5120x128xf32>
    %add3A_38 = arith.addf %mul3A_35, %add3A_37 : vector<5120x128xf32>
    %reduce_sum3A = arith.constant dense<0.000000e+00> : vector<5120xf32>
    %reduce_sum3A_39 = vector.multi_reduction <add>, %add3A_38, %reduce_sum3A [1] : vector<5120x128xf32> to vector<5120xf32>
    %broadcast_in_dim3A_40 = vector.shape_cast %reduce_sum3A_39 : vector<5120xf32> to vector<5120x1xf32>
    %div3A = arith.constant 1.280000e+02 : f32
    %div3A_41 = vector.broadcast %div3A : f32 to vector<5120x1xf32>
    %div3A_42 = arith.divf %broadcast_in_dim3A_40, %div3A_41 : vector<5120x1xf32>
    %sub3A = vector.broadcast %div3A_42 : vector<5120x1xf32> to vector<5120x128xf32>
    %sub3A_43 = arith.subf %add3A_38, %sub3A : vector<5120x128xf32>
    %integer_pow3A = arith.mulf %sub3A_43, %sub3A_43 : vector<5120x128xf32>
    %reduce_sum3A_44 = arith.constant dense<0.000000e+00> : vector<5120xf32>
    %reduce_sum3A_45 = vector.multi_reduction <add>, %integer_pow3A, %reduce_sum3A_44 [1] : vector<5120x128xf32> to vector<5120xf32>
    %broadcast_in_dim3A_46 = vector.shape_cast %reduce_sum3A_45 : vector<5120xf32> to vector<5120x1xf32>
    %div3A_47 = arith.constant 1.280000e+02 : f32
    %div3A_48 = vector.broadcast %div3A_47 : f32 to vector<5120x1xf32>
    %div3A_49 = arith.divf %broadcast_in_dim3A_46, %div3A_48 : vector<5120x1xf32>
    %sub3A_50 = vector.broadcast %div3A_42 : vector<5120x1xf32> to vector<5120x128xf32>
    %sub3A_51 = arith.subf %add3A_38, %sub3A_50 : vector<5120x128xf32>
    %add3A_52 = arith.constant 9.99999974E-6 : f32
    %add3A_53 = vector.broadcast %add3A_52 : f32 to vector<5120x1xf32>
    %add3A_54 = arith.addf %div3A_49, %add3A_53 : vector<5120x1xf32>
    %rsqrt3A_55 = math.rsqrt %add3A_54 : vector<5120x1xf32>
    %mul3A_56 = vector.broadcast %rsqrt3A_55 : vector<5120x1xf32> to vector<5120x128xf32>
    %mul3A_57 = arith.mulf %sub3A_51, %mul3A_56 : vector<5120x128xf32>
    %squeeze3A_58 = vector.shape_cast %get3A_26 : vector<1x128xf32> to vector<128xf32>
    %broadcast_in_dim3A_59 = vector.shape_cast %squeeze3A_58 : vector<128xf32> to vector<1x128xf32>
    %mul3A_60 = vector.broadcast %broadcast_in_dim3A_59 : vector<1x128xf32> to vector<5120x128xf32>
    %mul3A_61 = arith.mulf %mul3A_57, %mul3A_60 : vector<5120x128xf32>
    %squeeze3A_62 = vector.shape_cast %get3A_29 : vector<1x128xf32> to vector<128xf32>
    %broadcast_in_dim3A_63 = vector.shape_cast %squeeze3A_62 : vector<128xf32> to vector<1x128xf32>
    %add3A_64 = vector.broadcast %broadcast_in_dim3A_63 : vector<1x128xf32> to vector<5120x128xf32>
    %add3A_65 = arith.addf %mul3A_61, %add3A_64 : vector<5120x128xf32>
    %max3A = arith.constant 0.000000e+00 : f32
    %max3A_66 = vector.broadcast %max3A : f32 to vector<5120x128xf32>
    %max3A_67 = arith.maximumf %add3A_65, %max3A_66 : vector<5120x128xf32>
    %add3A_68 = arith.addf %max3A_67, %get3A_32 : vector<5120x128xf32>
    %get3A_69 = arith.constant 0 : index
    %get3A_70 = arith.constant 0 : index
    %get3A_71 = arith.constant 0 : index
    %get3A_72 = vector.load %arg10[%get3A_69, %get3A_70, %get3A_71] : memref<1x1x5120xi32, #tpu.memory_space<vmem>>, vector<1x1x5120xi32>
    %get3A_73 = vector.shape_cast %get3A_72 : vector<1x1x5120xi32> to vector<5120xi32>
    %broadcast_in_dim3A_74 = vector.shape_cast %get3A_73 : vector<5120xi32> to vector<5120x1xi32>
    %iota3A = tpu.iota {dimensions = array<i32: 1>} : vector<5120x64xi32>
    %eq3A = vector.broadcast %broadcast_in_dim3A_74 : vector<5120x1xi32> to vector<5120x64xi32>
    %eq3A_75 = arith.cmpi eq, %eq3A, %iota3A : vector<5120x64xi32>
    %convert_element_type3A = arith.extui %eq3A_75 : vector<5120x64xi1> to vector<5120x64xi32>
    %convert_element_type3A_76 = arith.sitofp %convert_element_type3A : vector<5120x64xi32> to vector<5120x64xf32>
    %eq3A_77 = arith.constant 0 : i32
    %eq3A_78 = arith.cmpi eq, %arg0, %eq3A_77 : i32
    %convert_element_type3A_79 = arith.extui %eq3A_78 : i1 to i32
    %cond3A = arith.constant 0 : i32
    %cond3A_80 = arith.cmpi ne, %convert_element_type3A_79, %cond3A : i32
    scf.if %cond3A_80 {
      %broadcast_in_dim3A_105 = arith.constant 0.000000e+00 : f32
      %broadcast_in_dim3A_106 = vector.broadcast %broadcast_in_dim3A_105 : f32 to vector<64x128xf32>
      %swap3A_107 = arith.constant 0 : index
      %swap3A_108 = arith.constant 0 : index
      %swap3A_109 = vector.load %arg14[%swap3A_107, %swap3A_108] : memref<64x128xf32, #tpu.memory_space<vmem>>, vector<64x128xf32>
      tpu.vector_store %arg14[%swap3A_107, %swap3A_108], %broadcast_in_dim3A_106 {strides = array<i32>} : memref<64x128xf32, #tpu.memory_space<vmem>>, vector<64x128xf32>,
      %broadcast_in_dim3A_110 = arith.constant 0.000000e+00 : f32
      %broadcast_in_dim3A_111 = vector.broadcast %broadcast_in_dim3A_110 : f32 to vector<64x128xf32>
      %swap3A_112 = arith.constant 0 : index
      %swap3A_113 = arith.constant 0 : index
      %swap3A_114 = vector.load %arg15[%swap3A_112, %swap3A_113] : memref<64x128xf32, #tpu.memory_space<vmem>>, vector<64x128xf32>
      tpu.vector_store %arg15[%swap3A_112, %swap3A_113], %broadcast_in_dim3A_111 {strides = array<i32>} : memref<64x128xf32, #tpu.memory_space<vmem>>, vector<64x128xf32>,
    } else {
    }
    %get3A_81 = arith.constant 0 : index
    %get3A_82 = arith.constant 0 : index
    %get3A_83 = vector.load %arg14[%get3A_81, %get3A_82] : memref<64x128xf32, #tpu.memory_space<vmem>>, vector<64x128xf32>
    %dot_general3A = arith.constant dense<0.000000e+00> : vector<64x128xf32>
    %dot_general3A_84 = tpu.matmul %convert_element_type3A_76, %add3A_68, %dot_general3A {dimension_numbers = #tpu.dot_dimension_numbers<[0], [0], [1], [1], [0, 1, 1, 1], [], []>, transpose_lhs_hint = false} : vector<5120x64xf32>, vector<5120x128xf32>, vector<64x128xf32> -> vector<64x128xf32>
    %add3A_85 = arith.addf %get3A_83, %dot_general3A_84 : vector<64x128xf32>
    %swap3A = arith.constant 0 : index
    %swap3A_86 = arith.constant 0 : index
    %swap3A_87 = vector.load %arg14[%swap3A, %swap3A_86] : memref<64x128xf32, #tpu.memory_space<vmem>>, vector<64x128xf32>
    tpu.vector_store %arg14[%swap3A, %swap3A_86], %add3A_85 {strides = array<i32>} : memref<64x128xf32, #tpu.memory_space<vmem>>, vector<64x128xf32>,
    %get3A_88 = arith.constant 0 : index
    %get3A_89 = arith.constant 0 : index
    %get3A_90 = vector.load %arg15[%get3A_88, %get3A_89] : memref<64x128xf32, #tpu.memory_space<vmem>>, vector<64x128xf32>
    %reduce_sum3A_91 = arith.constant dense<0.000000e+00> : vector<64xf32>
    %reduce_sum3A_92 = vector.multi_reduction <add>, %convert_element_type3A_76, %reduce_sum3A_91 [0] : vector<5120x64xf32> to vector<64xf32>
    %broadcast_in_dim3A_93 = vector.shape_cast %reduce_sum3A_92 : vector<64xf32> to vector<64x1xf32>
    %broadcast_in_dim3A_94 = vector.shape_cast %broadcast_in_dim3A_93 : vector<64x1xf32> to vector<64x1xf32>
    %broadcast_in_dim3A_95 = vector.broadcast %broadcast_in_dim3A_94 : vector<64x1xf32> to vector<64x128xf32>
    %add3A_96 = arith.addf %get3A_90, %broadcast_in_dim3A_95 : vector<64x128xf32>
    %swap3A_97 = arith.constant 0 : index
    %swap3A_98 = arith.constant 0 : index
    %swap3A_99 = vector.load %arg15[%swap3A_97, %swap3A_98] : memref<64x128xf32, #tpu.memory_space<vmem>>, vector<64x128xf32>
    tpu.vector_store %arg15[%swap3A_97, %swap3A_98], %add3A_96 {strides = array<i32>} : memref<64x128xf32, #tpu.memory_space<vmem>>, vector<64x128xf32>,
    %eq3A_100 = arith.constant 1 : i32
    %eq3A_101 = arith.cmpi eq, %arg0, %eq3A_100 : i32
    %convert_element_type3A_102 = arith.extui %eq3A_101 : i1 to i32
    %cond3A_103 = arith.constant 0 : i32
    %cond3A_104 = arith.cmpi ne, %convert_element_type3A_102, %cond3A_103 : i32
    scf.if %cond3A_104 {
      %get3A_105 = arith.constant 0 : index
      %get3A_106 = arith.constant 0 : index
      %get3A_107 = vector.load %arg14[%get3A_105, %get3A_106] : memref<64x128xf32, #tpu.memory_space<vmem>>, vector<64x128xf32>
      %get3A_108 = arith.constant 0 : index
      %get3A_109 = arith.constant 0 : index
      %get3A_110 = vector.load %arg15[%get3A_108, %get3A_109] : memref<64x128xf32, #tpu.memory_space<vmem>>, vector<64x128xf32>
      %max3A_111 = arith.constant 1.000000e+00 : f32
      %max3A_112 = vector.broadcast %max3A_111 : f32 to vector<64x128xf32>
      %max3A_113 = arith.maximumf %get3A_110, %max3A_112 : vector<64x128xf32>
      %div3A_114 = arith.divf %get3A_107, %max3A_113 : vector<64x128xf32>
      %get3A_115 = arith.constant 0 : index
      %get3A_116 = arith.constant 0 : index
      %get3A_117 = vector.load %arg11[%get3A_115, %get3A_116] : memref<128x128xf32, #tpu.memory_space<vmem>>, vector<128x128xf32>
      %dot_general3A_118 = arith.constant dense<0.000000e+00> : vector<64x128xf32>
      %dot_general3A_119 = tpu.matmul %div3A_114, %get3A_117, %dot_general3A_118 {dimension_numbers = #tpu.dot_dimension_numbers<[1], [0], [0], [1], [0, 0, 1, 1], [], []>, transpose_lhs_hint = false} : vector<64x128xf32>, vector<128x128xf32>, vector<64x128xf32> -> vector<64x128xf32>
      %get3A_120 = arith.constant 0 : index
      %get3A_121 = arith.constant 0 : index
      %get3A_122 = vector.load %arg12[%get3A_120, %get3A_121] : memref<1x128xf32, #tpu.memory_space<vmem>>, vector<1x128xf32>
      %add3A_123 = vector.broadcast %get3A_122 : vector<1x128xf32> to vector<64x128xf32>
      %add3A_124 = arith.addf %dot_general3A_119, %add3A_123 : vector<64x128xf32>
      %swap3A_125 = arith.constant 0 : index
      %swap3A_126 = arith.constant 0 : index
      %swap3A_127 = vector.load %arg13[%swap3A_125, %swap3A_126] : memref<64x128xf32, #tpu.memory_space<vmem>>, vector<64x128xf32>
      tpu.vector_store %arg13[%swap3A_125, %swap3A_126], %add3A_124 {strides = array<i32>} : memref<64x128xf32, #tpu.memory_space<vmem>>, vector<64x128xf32>,
    } else {
    }
    return
  }
  func.func @transform_0(%arg0: i32) -> (i32, i32) {
    %c0_i32 = arith.constant 0 : i32
    %c0_i32_0 = arith.constant 0 : i32
    return %arg0, %c0_i32 : i32, i32
  }
  func.func @transform_1(%arg0: i32) -> (i32, i32) {
    %add3A = arith.constant 2 : i32
    %add3A_0 = arith.addi %arg0, %add3A : i32
    %c0_i32 = arith.constant 0 : i32
    %c0_i32_1 = arith.constant 0 : i32
    return %add3A_0, %c0_i32 : i32, i32
  }
  func.func @transform_2(%arg0: i32) -> (i32, i32) {
    %c0_i32 = arith.constant 0 : i32
    %c0_i32_0 = arith.constant 0 : i32
    return %arg0, %c0_i32 : i32, i32
  }
  func.func @transform_3(%arg0: i32) -> (i32, i32, i32) {
    %c0_i32 = arith.constant 0 : i32
    %c0_i32_0 = arith.constant 0 : i32
    %c0_i32_1 = arith.constant 0 : i32
    return %arg0, %c0_i32, %c0_i32_0 : i32, i32, i32
  }
  func.func @transform_4(%arg0: i32) -> (i32, i32, i32) {
    %c0_i32 = arith.constant 0 : i32
    %c0_i32_0 = arith.constant 0 : i32
    %c0_i32_1 = arith.constant 0 : i32
    return %arg0, %c0_i32, %c0_i32_0 : i32, i32, i32
  }
  func.func @transform_5(%arg0: i32) -> (i32, i32) {
    %c0_i32 = arith.constant 0 : i32
    %c0_i32_0 = arith.constant 0 : i32
    %c0_i32_1 = arith.constant 0 : i32
    return %c0_i32, %c0_i32_0 : i32, i32
  }
  func.func @transform_6(%arg0: i32) -> (i32, i32) {
    %c0_i32 = arith.constant 0 : i32
    %c0_i32_0 = arith.constant 0 : i32
    %c0_i32_1 = arith.constant 0 : i32
    return %c0_i32, %c0_i32_0 : i32, i32
  }
  func.func @transform_7(%arg0: i32) -> (i32, i32) {
    %c0_i32 = arith.constant 0 : i32
    %c0_i32_0 = arith.constant 0 : i32
    %c0_i32_1 = arith.constant 0 : i32
    return %c0_i32, %c0_i32_0 : i32, i32
  }
  func.func @transform_8(%arg0: i32) -> (i32, i32) {
    %c0_i32 = arith.constant 0 : i32
    %c0_i32_0 = arith.constant 0 : i32
    return %arg0, %c0_i32 : i32, i32
  }
  func.func @transform_9(%arg0: i32) -> (i32, i32, i32) {
    %c0_i32 = arith.constant 0 : i32
    %c0_i32_0 = arith.constant 0 : i32
    %c0_i32_1 = arith.constant 0 : i32
    return %arg0, %c0_i32, %c0_i32_0 : i32, i32, i32
  }
  func.func @transform_10(%arg0: i32) -> (i32, i32) {
    %c0_i32 = arith.constant 0 : i32
    %c0_i32_0 = arith.constant 0 : i32
    %c0_i32_1 = arith.constant 0 : i32
    return %c0_i32, %c0_i32_0 : i32, i32
  }
  func.func @transform_11(%arg0: i32) -> (i32, i32) {
    %c0_i32 = arith.constant 0 : i32
    %c0_i32_0 = arith.constant 0 : i32
    %c0_i32_1 = arith.constant 0 : i32
    return %c0_i32, %c0_i32_0 : i32, i32
  }
  func.func @transform_12(%arg0: i32) -> (i32, i32) {
    %c0_i32 = arith.constant 0 : i32
    %c0_i32_0 = arith.constant 0 : i32
    %c0_i32_1 = arith.constant 0 : i32
    return %c0_i32, %c0_i32_0 : i32, i32
  }
}

</mosaic_0001>

<sc_bundles>
// kernel: kernel.11.cloned.1.call-start
scs
__scs_entry_jumppad:
0x0: {  	(pc) =	sbr.rel $0x88, $3  }
0x1: {  	(tag) =	ssettag $0x0;
	lr =	simm.s32 $0x1  }
0x2: {  	[smem:$0x3F94] =	sst lr;
	_ =	strace $0xD0000000  }
0x3: {  	_ = 	snop  }
0x4: {  	_ = 	snop  }
0x5: {  	_ = 	snop  }
0x6: {  	_ = 	snop  }
0x7: {  	_ = 	snop  }
__scs_overlays_trampoline_lowered:
0x8: {  	[smem:$0x3FA3] =	sst s0  }
0x9: {  	[smem:$0x3FA4] =	sst s1  }
0xa: {  	[smem:$0x3FA5] =	sst s2  }
0xb: {  	[smem:$0x3FA6] =	sst s3  }
0xc: {  	[smem:$0x3FA7] =	sst s4  }
0xd: {  	[smem:$0x3FA8] =	sst s5  }
0xe: {  	[smem:$0x3FA9] =	sst s6  }
0xf: {  	[smem:$0x3FAA] =	sst s7  }
0x10: {  	[smem:$0x3FAB] =	sst s8  }
0x11: {  	[smem:$0x3FAC] =	sst s9;
	s0 =	simm.s32 @!p0 $0x0  }
0x12: {  	s1 =	sld [smem:$0x3F92];
	s0 =	simm.s32 @p0 $0x1  }
0x13: {  	[smem:$0x3FAD] =	sst s0;
	s0 =	simm.s32 @!p1 $0x0  }
0x14: {  	s2 =	sld [smem:$0x3F91];
	s0 =	simm.s32 @p1 $0x1  }
0x15: {  	[smem:$0x3FAE] =	sst s0;
	s0 =	simm.s32 @!p2 $0x0  }
0x16: {  	s3 =	sld [smem:$0x3FDB];
	s0 =	simm.s32 @p2 $0x1  }
0x17: {  	s4 =	simm.s32 $0x1BF5;
	[smem:$0x3FB0] =	sst s0  }
0x18: {  	s0 =	sld [smem:$0x3F93];
	_ =	swait.ge [sflag:s4], $0x0  }
0x19: {  	s7 =	sld [smem:$0x3F94]  }
0x1a: {  	s8 =	sadd.s32 $0xFFFFE003, lr  }
0x1b: {  	s9 =	sadd.s32 $0xFFFFFEF7, lr;
	s5 =	simm.s32 $0xFFFFFFFF;
	p2 =	slt.u32 s8, $0xFFFFF086  }
0x1c: {  	p1 =	slt.u32 s9, $0xF7A;
	s5 =	simm.s32 @!p2 $0x0  }
0x1d: {  	s5 =	simm.s32 @p1 $0x1;
	p0 =	seq.s32 s7, s2  }
0x1e: {  	s7 =	smul.u32 @!p0 $0xF7A, s2;
	p2 =	seq.s32 @!p0 s5, $0x0  }
0x1f: {  	s9 =	smul.u32 $0xF7A, s1;
	s8 =	simm.s32 @!p0 $0x1BF5;
	p2 =	por !p2, p0  }
0x20: {  	[sflag:s8] =	ssyncset.s32 @!p0 $0xFFFFF086;
	s6 =	sadd.s32 @!p0 s3, s7;
	s7 =	simm.s32 @!p0 $0x108  }
0x21: {  	s3 =	sadd.s32 s3, s9;
	s6 =	sadd.s32 @!p0 $0x88, s6;
	s7 =	simm.s32 @p2 $0x1082  }
0x22: {  	[simem:s7], [sflag:s8] =	dma.local @!p0 [hbm:s6], $0xF7A  }
0x23: {  	s9 =	sor.u32 $0xD0000000, s2;
	s6 =	simm.s32 $0x108;
	_ =	swait.ge @!p0 [sflag:s8], $0x0  }
0x24: {  	s3 =	sadd.s32 $0x88, s3;
	s6 =	simm.s32 @!p1 $0x1082;
	[sflag:s4] =	ssyncset.s32 $0xFFFFF086  }
0x25: {  	[simem:s6], [sflag:s4] =	dma.local [hbm:s3], $0xF7A  }
0x26: {  	[smem:$0x3F94] =	sst s1;
	(tag) =	ssettag s2;
	_ =	strace s9  }
0x27: {  	s1 =	sld [smem:$0x3FA4]  }
0x28: {  	s2 =	sld [smem:$0x3FA5]  }
0x29: {  	s4 =	sld [smem:$0x3FA7]  }
0x2a: {  	p0 =	seq.s32 s5, $0x0;
	s5 =	sld [smem:$0x3FA8]  }
0x2b: {  	s6 =	sld [smem:$0x3FA9]  }
0x2c: {  	s7 =	sld [smem:$0x3FAA]  }
0x2d: {  	s3 =	simm.s32 $0x108;
	s8 =	sld [smem:$0x3FAB]  }
0x2e: {  	s3 =	simm.s32 @!p0 $0x1082;
	s9 =	sld [smem:$0x3FAC]  }
0x2f: {  	lr =	sadd.s32 s0, s3;
	s0 =	sld [smem:$0x3FA3]  }
0x30: {  	s3 =	sld [smem:$0x3FA6]  }
0x31: {  	[smem:$0x3FAF] =	sst s10  }
0x32: {  	s10 =	sld [smem:$0x3FAD];
	_ =	sdelay $0x3  }
0x33: {  	p0 =	seq.s32 s10, $0x1;
	s10 =	sld [smem:$0x3FAF];
	_ =	sdelay $0x3  }
0x34: {  	[smem:$0x3FAF] =	sst s10  }
0x35: {  	s10 =	sld [smem:$0x3FAE];
	_ =	sdelay $0x3  }
0x36: {  	p1 =	seq.s32 s10, $0x1;
	s10 =	sld [smem:$0x3FAF];
	_ =	sdelay $0x3  }
0x37: {  	[smem:$0x3FAF] =	sst s10  }
0x38: {  	s10 =	sld [smem:$0x3FB0]  }
0x39: {  	_ = 	snop;
	(pc) =	sbr.ind lr, $3  }
0x3a: {  	_ = 	snop  }
0x3b: {  	_ = 	snop  }
0x3c: {  	p2 =	seq.s32 s10, $0x1;
	s10 =	sld [smem:$0x3FAF]  }
0x3d: {  	_ =	shalt  }
0x3e: {  	_ =	shalt  }
0x3f: {  	_ =	shalt  }
0x40: {  	_ =	shalt  }
0x41: {  	_ =	shalt  }
0x42: {  	_ =	shalt  }
0x43: {  	_ =	shalt  }
0x44: {  	_ =	shalt  }
0x45: {  	_ =	shalt  }
0x46: {  	_ =	shalt  }
0x47: {  	_ =	shalt  }
0x48: {  	_ =	shalt  }
0x49: {  	_ =	shalt  }
0x4a: {  	_ =	shalt  }
0x4b: {  	_ =	shalt  }
0x4c: {  	_ =	shalt  }
0x4d: {  	_ =	shalt  }
0x4e: {  	_ =	shalt  }
0x4f: {  	_ =	shalt  }
0x50: {  	_ =	shalt  }
0x51: {  	_ =	shalt  }
0x52: {  	_ =	shalt  }
0x53: {  	_ =	shalt  }
0x54: {  	_ =	shalt  }
0x55: {  	_ =	shalt  }
0x56: {  	_ =	shalt  }
0x57: {  	_ =	shalt  }
0x58: {  	_ =	shalt  }
0x59: {  	_ =	shalt  }
0x5a: {  	_ =	shalt  }
0x5b: {  	_ =	shalt  }
0x5c: {  	_ =	shalt  }
0x5d: {  	_ =	shalt  }
0x5e: {  	_ =	shalt  }
0x5f: {  	_ =	shalt  }
0x60: {  	_ =	shalt  }
0x61: {  	_ =	shalt  }
0x62: {  	_ =	shalt  }
0x63: {  	_ =	shalt  }
0x64: {  	_ =	shalt  }
0x65: {  	_ =	shalt  }
0x66: {  	_ =	shalt  }
0x67: {  	_ =	shalt  }
0x68: {  	_ =	shalt  }
0x69: {  	_ =	shalt  }
0x6a: {  	_ =	shalt  }
0x6b: {  	_ =	shalt  }
0x6c: {  	_ =	shalt  }
0x6d: {  	_ =	shalt  }
0x6e: {  	_ =	shalt  }
0x6f: {  	_ =	shalt  }
0x70: {  	_ =	shalt  }
0x71: {  	_ =	shalt  }
0x72: {  	_ =	shalt  }
0x73: {  	_ =	shalt  }
0x74: {  	_ =	shalt  }
0x75: {  	_ =	shalt  }
0x76: {  	_ =	shalt  }
0x77: {  	_ =	shalt  }
0x78: {  	_ =	shalt  }
0x79: {  	_ =	shalt  }
0x7a: {  	_ =	shalt  }
0x7b: {  	_ =	shalt  }
0x7c: {  	_ =	shalt  }
0x7d: {  	_ =	shalt  }
0x7e: {  	_ =	shalt  }
0x7f: {  	_ =	shalt  }
0x80: {  	_ =	shalt  }
0x81: {  	_ =	shalt  }
0x82: {  	_ =	shalt  }
0x83: {  	_ =	shalt  }
0x84: {  	_ =	shalt  }
0x85: {  	_ =	shalt  }
0x86: {  	_ =	shalt  }
0x87: {  	_ =	shalt  }
.Lfunc_end0:
.L_simem_size_0:
called_computation.1_lowered:
.L_overlay_start_0:
0x88: {  	s2 =	sld [smem:$0x3FD9]  }
0x89: {  	s3 =	sld [smem:$0x3FFE];
	_ =	sdelay $0x1  }
0x8a: {  	s1 =	srdreg.scid  }
0x8b: {  	s0 =	sand.u32 $0x1, s1  }
0x8c: {  	s16 =	sshll.u32 s0, $0xA;
	s2 =	sadd.s32 s3, s2  }
0x8d: {  	s2 =	sadd.s32 s2, s16  }
0x8e: {  	[smem:$0x3FBB] =	sst s2  }
0x8f: {  	_ = 	snop  }
0x90: {  	(tm) =	ssettm $0x1  }
0x91: {  	s17 =	sld [smem:$0x3FFB];
	_ =	sdelay $0x3  }
0x92: {  	_ =	strace s17  }
0x93: {  	s2 =	sld [smem:$0x3FFC];
	_ =	sdelay $0x3  }
0x94: {  	_ =	strace s2  }
0x95: {  	s2 =	sld [smem:$0x3FFD];
	_ =	sdelay $0x3  }
0x96: {  	_ =	strace s2  }
0x97: {  	_ =	strace $0x8FFFFFFF  }
0x98: {  	s18 =	sld [smem:$0x3FDB];
	_ =	sdelay $0x1  }
0x99: {  	s19 =	simm.s32 $_scs_section_size  }
0x9a: {  	s4 =	simm.s32 $_size__tile_overlayer_lowered;
	s5 =	simm.s32 $_tile_overlayer_lowered  }
0x9b: {  	s22 =	simm.s32 $0x1BFF;
	s21 =	sshll.u32 s5, $0x1;
	s2 =	sadd.s32 s19, s18  }
0x9c: {  	s6 =	simm.s32 $0x0;
	s20 =	sshll.u32 s4, $0x1;
	s4 =	sadd.s32 s21, s2  }
0x9d: {  	[timem:s6], [sflag:s22] =	dma.local [hbm:s4], s20  }
0x9e: {  	_ =	swait.ge [sflag:s22], s20  }
0x9f: {  	s3 =	ssub.s32 $0x0, s20;
	[sflag:s22] =	ssyncset.done $0x0  }
0xa0: {  	[sflag:s22] =	ssyncadd.s32 s3;
	_ =	sdelay $0x1  }
0xa1: {  	s23 =	simm.s32 $0x1B8B  }
0xa2: {  	_ =	swait.ge [sflag:s23], $0x1  }
0xa3: {  	[sflag:s23] =	ssyncset.done $0x0  }
0xa4: {  	s25 =	simm.s32 $0x1B8E;
	s24 =	sld [smem:$0x3FFE];
	[sflag:s23] =	ssyncadd.s32 $0xFFFFFFFF  }
0xa5: {  	s26 =	simm.s32 $execute0_lowered;
	[smem:$0x3FD2] =	sst s25  }
0xa6: {  	s4 =	sshll.u32 s26, $0x1;
	_ =	strace $0x80000049;
	[dreg:$0x1] =	wrdreg $0xFFFFFFFF  }
0xa7: {  	s28 =	simm.s32 $_size_execute0_lowered;
	s2 =	sadd.s32 s2, s4;
	[dreg:$0x0] =	wrdreg $0x0  }
0xa8: {  	s4 =	sshll.u32 s28, $0x1;
	[dreg:$0x2] =	wrdreg s2  }
0xa9: {  	[dreg:$0x3] =	wrdreg s4  }
0xaa: {  	[dreg:$0x4] =	wrdreg $0xC0  }
0xab: {  	_ =	task [dreg:s6], $0x5FFFF  }
0xac: {  	[dreg:$0x1] =	wrdreg $0xFFFFFFFF  }
0xad: {  	[dreg:$0x0] =	wrdreg $0x60  }
0xae: {  	[dreg:$0x2] =	wrdreg s24  }
0xaf: {  	[dreg:$0x3] =	wrdreg $0xA8000  }
0xb0: {  	[dreg:$0x4] =	wrdreg $0x9  }
0xb1: {  	_ =	task.clear_ibuf [dreg:s6], $0x5FFFF;
	_ =	strace $0x90000049  }
0xb2: {  	s29 =	simm.s32 $0x9;
	_ =	strace $0x8000004B  }
0xb3: {  	_ =	swait.ge [sflag:s29], $0x1  }
0xb4: {  	[sflag:s29] =	ssyncadd.s32 $0xFFFFFFFF  }
0xb5: {  	_ =	strace $0x9000004B  }
0xb6: {  	_ =	sfence  }
0xb7: {  	s30 =	sld [smem:$0x0];
	_ =	sdelay $0x2  }
0xb8: {  	s31 =	sshll.u32 s1, $0xD;
	s1 =	sshrl.u32 s1, $0x2  }
0xb9: {  	s3 =	sand.u32 $0x4000, s31;
	s1 =	sadd.s32 s1, s30  }
0xba: {  	s0 =	sor.u32 s3, s0;
	s1 =	sshll.u32 s1, $0x11  }
0xbb: {  	s0 =	sor.u32 s1, s0  }
0xbc: {  	s0 =	sadd.s32 $0x8F2B, s0  }
0xbd: {  	[sflag:s0] =	ssyncadd.remote.s32 $0x1  }
0xbe: {  	_ =	sfence.sel $0xFFFF  }
0xbf: {  	[dreg:$0x0] =	wrdreg $0xFFFFFFFF;
	(pc) =	sbr.abs _section_cstart, $3  }
0xc0: {  	[dreg:$0x1] =	wrdreg $0xFFFFFFFF  }
0xc1: {  	_ =	task.clear_ibuf [dreg:s6], $0x2FFFF;
	_ =	strace $0x9FFFFFFF  }
0xc2: {  	(tm) =	ssettm $0x7FFFFFFF  }
0xc3: {  	_ =	shalt  }
tec
execute0_lowered:
.L_overlay_start_1:
0x0: {  	(tag) =	ssettag $0x1  }
0x1: {  	s0 =	rddreg [dreg:$0x0]  }
0x2: {  	s2 =	rddreg [dreg:$0x1]  }
0x3: {  	s4 =	srdreg.scid;
	s1 =	stileid.u32;
	s3 =	simm.s32 $0x0  }
0x4: {  	s16 =	simm.s32 $0x2;
	s17 =	simm.s32 $0x3;
	s18 =	simm.s32 $0x80  }
0x5: {  	s19 =	simm.s32 $0x2800;
	s20 =	simm.s32 $0x6800;
	s21 =	simm.s32 $0x2780  }
0x6: {  	s22 =	simm.s32 $0x4;
	s23 =	simm.s32 $0x5;
	s24 =	simm.s32 $0x0  }
0x7: {  	s6 =	sand.u32 $0x1, s4;
	s7 =	smul.u32 $0x2800, s1;
	[smem:$0x7FF] =	sst s3  }
0x8: {  	s4 =	sadd.s32 $0x17E00, s0;
	s10 =	sadd.s32 $0x3E00, s0;
	s11 =	sadd.s32 $0xDE00, s0  }
0x9: {  	s5 =	sadd.s32 $0x3FE00, s0;
	s9 =	sshll.u32 s1, $0x1;
	s13 =	smul.u32 $0x50000, s1  }
0xa: {  	s8 =	smul.u32 $0x28000, s6;
	_ =	strace $0x8000004A;
	s28 =	ssub.s32 $0x2, s6  }
0xb: {  	[dreg:$0x3] =	wrdreg s5;
	s6 =	sshll.u32 s6, $0x5;
	s12 =	sshrl.u32 s28, $0x1  }
0xc: {  	s9 =	sor.u32 s9, s6;
	s30 =	sshrl.u32 s13, $0x2;
	s6 =	sshll.u32 s1, $0x6  }
0xd: {  	s7 =	sadd.s32 s7, s8;
	s14 =	ssub.s32 s28, s12;
	s29 =	smul.u32 $0x1400, s9  }
0xe: {  	s9 =	smul.u32 $0x280, s9;
	s15 =	sadd.s32 s30, s2;
	s1 =	sor.u32 $0x1C03, s6  }
0xf: {  	s0 =	sadd.s32 s7, s0;
	[dreg:$0x4] =	wrdreg s1;
	s13 =	smax.u32 s14, $0x1  }
0x10: {  	s14 =	sshrl.u32 s15, $0x3;
	s15 =	simm.s32 $0x1400;
	s31 =	sshrl.u32 s29, $0x3  }
0x11: {  	s8 =	sadd.s32 s10, s9;
	s9 =	sadd.s32 s11, s9;
	s12 =	sadd.s32 $0x280, s31  }
0x12: {  	s10 =	sadd.s32 s10, s12;
	s11 =	sadd.s32 s11, s12;
	s12 =	sadd.s32 $0x42600, s0  }
.LBB2_1:
0x13: {  	s0 =	rddreg [dreg:$0x3]  }
0x14: {  	s1 =	rddreg [dreg:$0x4]  }
0x15: {  	[spmem:s14], [sflag:s1] =	dma.local [hbm:s0], $0x2800  }
0x16: {  	[tilespmem:s3], [sflag:$0x1] =	stream.linear.gather [hbm4b:s8+s3], $0x1400, $0x38;
	[tilespmem:$0x1E800] =	vst v63  }
0x17: {  	s5 =	simm.s32 $0x1  }
0x18: {  	[tilespmem:s15], [sflag:$0x2] =	stream.linear.gather [hbm4b:s9+s3], $0x1400, $0x38;
	[tilespmem:$0x1E800] =	vst v63  }
0x19: {  	_ =	swait.ge [sflag:s5], $0x1400  }
0x1a: {  	[sflag:s5] =	ssyncset.done $0x0  }
0x1b: {  	[sflag:s5] =	ssyncadd.s32 $0xFFFFEC00  }
0x1c: {  	_ =	swait.ge [sflag:s16], $0x1400  }
0x1d: {  	[sflag:s16] =	ssyncset.done $0x0  }
0x1e: {  	[sflag:s16] =	ssyncadd.s32 $0xFFFFEC00  }
0x1f: {  	_ =	swait.ge [sflag:s17], $0x2800  }
0x20: {  	[sflag:s17] =	ssyncset.done $0x0  }
0x21: {  	[sflag:s17] =	ssyncadd.s32 $0xFFFFD800  }
0x22: {  	[bflag:$0x0] =	sbarrier.arrive $0xFFFF  }
0x23: {  	[tilespmem:s19], [sflag:$0x1] =	stream.indirect.gather [hbm4b:s4+s18], $0x80, s3, s18, $0xb8;
	[tilespmem:$0x1E800] =	vst v63  }
0x24: {  	_ = 	snop  }
0x25: {  	[tilespmem:s20], [sflag:$0x2] =	stream.indirect.gather [hbm4b:s4+s18], $0x80, s18, s18, $0xb8;
	[tilespmem:$0x1E800] =	vst v63  }
0x26: {  	s0 =	sand.u32 $0x1, s5;
	_ =	swait.ge [sflag:s5], $0x4000  }
0x27: {  	p0 =	seq.s32 s0, $0x1;
	[sflag:s5] =	ssyncset.done $0x0  }
0x28: {  	s0 =	simm.s32 @p0 $0x3;
	[sflag:s5] =	ssyncadd.s32 $0xFFFFC000  }
0x29: {  	[spmem:s2] =	stream.indirect.scatter.add.f32 [tilespmem:s19], [sflag:$0x3], $0x80, s15, s18, $0xb8;
	[tilespmem:$0x1E800] =	vst v63  }
0x2a: {  	s26 =	simm.s32 $0x100;
	_ =	swait.ge @p0 [sflag:s0], $0x4000  }
0x2b: {  	s25 =	simm.s32 @p0 $0x2;
	[sflag:s0] =	ssyncset.done @p0 $0x0;
	p0 =	por p0, p0  }
0x2c: {  	[sflag:s0] =	ssyncadd.s32 @p0 $0xFFFFC000;
	s0 =	simm.s32 @p0 $0x80;
	s28 =	simm.s32 @p0 $0x2800  }
0x2d: {  	[tilespmem:s28], [sflag:$0x1] =	stream.indirect.gather @p0 [hbm4b:s4+s0], $0x80, s26, s0, $0xb8;
	[tilespmem:$0x1E800] =	vst v63  }
0x2e: {  	_ =	swait.ge @p0 [sflag:s25], $0x4000  }
0x2f: {  	s30 =	simm.s32 @!p0 $0x4;
	[sflag:s25] =	ssyncset.done @p0 $0x0  }
0x30: {  	s28 =	simm.s32 $0x1480;
	[sflag:s25] =	ssyncadd.s32 @p0 $0xFFFFC000;
	s25 =	simm.s32 @p0 $0x6800  }
0x31: {  	[spmem:s2] =	stream.indirect.scatter.add.f32 @p0 [tilespmem:s25], [sflag:$0x4], $0x80, s28, s0, $0xb8;
	[tilespmem:$0x1E800] =	vst v63  }
0x32: {  	s7 =	simm.s32 $0x2;
	s29 =	simm.s32 $0x3;
	_ =	swait.ge @!p0 [sflag:s30], $0x4000  }
0x33: {  	s31 =	simm.s32 @!p0 $0x1;
	s1 =	simm.s32 @!p0 $0x6800;
	[sflag:s30] =	ssyncset.done @!p0 $0x0  }
0x34: {  	s0 =	sand.u32 $0x1, s7;
	[sflag:s30] =	ssyncadd.s32 @!p0 $0xFFFFC000;
	s30 =	simm.s32 @!p0 $0x80  }
0x35: {  	[tilespmem:s1], [sflag:$0x2] =	stream.indirect.gather @!p0 [hbm4b:s4+s30], $0x80, s26, s30, $0xb8;
	[tilespmem:$0x1E800] =	vst v63  }
0x36: {  	s25 =	simm.s32 $0x180;
	p2 =	seq.s32 s0, $0x1;
	_ =	swait.ge @!p0 [sflag:s31], $0x4000  }
0x37: {  	s0 =	simm.s32 @!p0 $0x2800;
	s26 =	simm.s32 $0x1500;
	[sflag:s31] =	ssyncset.done @!p0 $0x0  }
.LBB2_2:
0x38: {  	s1 =	simm.s32 @p2 $0x3;
	[sflag:s31] =	ssyncadd.s32 @!p0 $0xFFFFC000  }
0x39: {  	s5 =	smov.u32 s29;
	s29 =	sadd.s32 $0x1, s29;
	s7 =	smov.u32 s25  }
0x3a: {  	[spmem:s2] =	stream.indirect.scatter.add.f32 @!p0 [tilespmem:s0], [sflag:$0x3], $0x80, s28, s30, $0xb8;
	[tilespmem:$0x1E800] =	vst v63  }
0x3b: {  	p1 =	sne.s32 s29, $0x27;
	s28 =	smov.u32 s26;
	_ =	swait.ge @p2 [sflag:s1], $0x4000  }
0x3c: {  	s0 =	simm.s32 @p2 $0x2;
	p0 =	por p2, p2;
	[sflag:s1] =	ssyncset.done @p2 $0x0  }
0x3d: {  	s30 =	simm.s32 @p0 $0x2800;
	[sflag:s1] =	ssyncadd.s32 @p0 $0xFFFFC000;
	s1 =	simm.s32 @p0 $0x80  }
0x3e: {  	[tilespmem:s30], [sflag:$0x1] =	stream.indirect.gather @p0 [hbm4b:s4+s1], $0x80, s25, s1, $0xb8;
	[tilespmem:$0x1E800] =	vst v63  }
0x3f: {  	_ =	swait.ge @p0 [sflag:s0], $0x4000  }
0x40: {  	[sflag:s0] =	ssyncset.done @p0 $0x0  }
0x41: {  	s30 =	simm.s32 @!p0 $0x4;
	[sflag:s0] =	ssyncadd.s32 @p0 $0xFFFFC000;
	s0 =	simm.s32 @p0 $0x6800  }
0x42: {  	[spmem:s2] =	stream.indirect.scatter.add.f32 @p0 [tilespmem:s0], [sflag:$0x4], $0x80, s26, s1, $0xb8;
	[tilespmem:$0x1E800] =	vst v63  }
0x43: {  	s25 =	sadd.s32 $0x80, s25;
	_ =	swait.ge @!p0 [sflag:s30], $0x4000  }
.Ltmp0:
0x44: {  	s31 =	simm.s32 @!p0 $0x1;
	[sflag:s30] =	ssyncset.done @!p0 $0x0;
	(pc) =	sbr.rel @p1 .LBB2_2-.Ltmp0, $4  }
0x45: {  	s0 =	simm.s32 @!p0 $0x6800;
	[sflag:s30] =	ssyncadd.s32 @!p0 $0xFFFFC000;
	s30 =	simm.s32 @!p0 $0x80  }
0x46: {  	[tilespmem:s0], [sflag:$0x2] =	stream.indirect.gather @!p0 [hbm4b:s4+s30], $0x80, s7, s30, $0xb8;
	[tilespmem:$0x1E800] =	vst v63  }
0x47: {  	s26 =	sadd.s32 $0x80, s26;
	s0 =	sand.u32 $0x1, s5;
	_ =	swait.ge @!p0 [sflag:s31], $0x4000  }
0x48: {  	p2 =	seq.s32 s0, $0x1;
	s0 =	simm.s32 @!p0 $0x2800;
	[sflag:s31] =	ssyncset.done @!p0 $0x0  }
0x49: {  	s1 =	simm.s32 @p2 $0x3;
	[sflag:s31] =	ssyncadd.s32 @!p0 $0xFFFFC000  }
0x4a: {  	[spmem:s2] =	stream.indirect.scatter.add.f32 @!p0 [tilespmem:s0], [sflag:$0x3], $0x80, s28, s30, $0xb8;
	[tilespmem:$0x1E800] =	vst v63  }
0x4b: {  	_ =	swait.ge @p2 [sflag:s1], $0x4000  }
0x4c: {  	s0 =	simm.s32 @p2 $0x2;
	p0 =	por p2, p2;
	[sflag:s1] =	ssyncset.done @p2 $0x0  }
0x4d: {  	s5 =	simm.s32 @p0 $0x2800;
	[sflag:s1] =	ssyncadd.s32 @p0 $0xFFFFC000;
	s1 =	simm.s32 @p0 $0x80  }
0x4e: {  	[tilespmem:s5], [sflag:$0x1] =	stream.indirect.gather @p0 [hbm4b:s4+s1], $0x80, s25, s1, $0xb8;
	[tilespmem:$0x1E800] =	vst v63  }
0x4f: {  	_ =	swait.ge @p0 [sflag:s0], $0x4000  }
0x50: {  	[sflag:s0] =	ssyncset.done @p0 $0x0  }
0x51: {  	s5 =	simm.s32 @!p0 $0x4;
	[sflag:s0] =	ssyncadd.s32 @p0 $0xFFFFC000;
	s0 =	simm.s32 @p0 $0x6800  }
0x52: {  	[spmem:s2] =	stream.indirect.scatter.add.f32 @p0 [tilespmem:s0], [sflag:$0x4], $0x80, s26, s1, $0xb8;
	[tilespmem:$0x1E800] =	vst v63  }
0x53: {  	_ =	swait.ge @!p0 [sflag:s5], $0x4000  }
0x54: {  	s0 =	simm.s32 @!p0 $0x1;
	[sflag:s5] =	ssyncset.done @!p0 $0x0  }
0x55: {  	s1 =	simm.s32 @!p0 $0x80;
	[sflag:s5] =	ssyncadd.s32 @!p0 $0xFFFFC000;
	s5 =	simm.s32 @!p0 $0x6800  }
0x56: {  	[tilespmem:s5], [sflag:$0x2] =	stream.indirect.gather @!p0 [hbm4b:s4+s1], $0x80, s25, s1, $0xb8;
	[tilespmem:$0x1E800] =	vst v63  }
0x57: {  	_ =	swait.ge @!p0 [sflag:s0], $0x4000  }
0x58: {  	[sflag:s0] =	ssyncset.done @!p0 $0x0  }
0x59: {  	s5 =	simm.s32 @!p0 $0x2800;
	[sflag:s0] =	ssyncadd.s32 @!p0 $0xFFFFC000  }
0x5a: {  	[spmem:s2] =	stream.indirect.scatter.add.f32 @!p0 [tilespmem:s5], [sflag:$0x3], $0x80, s26, s1, $0xb8;
	[tilespmem:$0x1E800] =	vst v63  }
0x5b: {  	_ =	swait.ge [sflag:s17], $0x4000  }
0x5c: {  	[sflag:s17] =	ssyncset.done $0x0  }
0x5d: {  	[sflag:s17] =	ssyncadd.s32 $0xFFFFC000  }
0x5e: {  	_ =	swait.ge [sflag:s16], $0x4000  }
0x5f: {  	[sflag:s16] =	ssyncset.done $0x0  }
0x60: {  	[sflag:s16] =	ssyncadd.s32 $0xFFFFC000  }
0x61: {  	[spmem:s2] =	stream.indirect.scatter.add.f32 [tilespmem:s20], [sflag:$0x4], $0x80, s21, s18, $0xb8;
	[tilespmem:$0x1E800] =	vst v63  }
0x62: {  	_ =	swait.ge [sflag:s22], $0x4000  }
0x63: {  	[sflag:s22] =	ssyncset.done $0x0  }
0x64: {  	[sflag:s22] =	ssyncadd.s32 $0xFFFFC000  }
0x65: {  	[tilespmem:s3], [sflag:$0x1] =	stream.linear.gather [hbm4b:s10+s3], $0x1400, $0x38;
	[tilespmem:$0x1E800] =	vst v63  }
0x66: {  	s25 =	simm.s32 $0x1  }
0x67: {  	[tilespmem:s15], [sflag:$0x2] =	stream.linear.gather [hbm4b:s11+s3], $0x1400, $0x38;
	[tilespmem:$0x1E800] =	vst v63  }
0x68: {  	_ =	swait.ge [sflag:s25], $0x1400  }
0x69: {  	[sflag:s25] =	ssyncset.done $0x0  }
0x6a: {  	[sflag:s25] =	ssyncadd.s32 $0xFFFFEC00  }
0x6b: {  	_ =	swait.ge [sflag:s16], $0x1400  }
0x6c: {  	[sflag:s16] =	ssyncset.done $0x0  }
0x6d: {  	[sflag:s16] =	ssyncadd.s32 $0xFFFFEC00  }
0x6e: {  	[tilespmem:s19], [sflag:$0x1] =	stream.indirect.gather [hbm4b:s4+s18], $0x80, s3, s18, $0xb8;
	[tilespmem:$0x1E800] =	vst v63  }
0x6f: {  	_ = 	snop  }
0x70: {  	[tilespmem:s20], [sflag:$0x2] =	stream.indirect.gather [hbm4b:s4+s18], $0x80, s18, s18, $0xb8;
	[tilespmem:$0x1E800] =	vst v63  }
0x71: {  	s0 =	sand.u32 $0x1, s25;
	_ =	swait.ge [sflag:s25], $0x4000  }
0x72: {  	p0 =	seq.s32 s0, $0x1;
	[sflag:s25] =	ssyncset.done $0x0  }
0x73: {  	s0 =	simm.s32 @p0 $0x3;
	[sflag:s25] =	ssyncadd.s32 $0xFFFFC000  }
0x74: {  	[spmem:s2] =	stream.indirect.scatter.add.f32 [tilespmem:s19], [sflag:$0x3], $0x80, s15, s18, $0xb8;
	[tilespmem:$0x1E800] =	vst v63  }
0x75: {  	s1 =	simm.s32 $0x100;
	_ =	swait.ge @p0 [sflag:s0], $0x4000  }
0x76: {  	s5 =	simm.s32 @p0 $0x2;
	[sflag:s0] =	ssyncset.done @p0 $0x0;
	p0 =	por p0, p0  }
0x77: {  	[sflag:s0] =	ssyncadd.s32 @p0 $0xFFFFC000;
	s0 =	simm.s32 @p0 $0x80;
	s7 =	simm.s32 @p0 $0x2800  }
0x78: {  	[tilespmem:s7], [sflag:$0x1] =	stream.indirect.gather @p0 [hbm4b:s4+s0], $0x80, s1, s0, $0xb8;
	[tilespmem:$0x1E800] =	vst v63  }
0x79: {  	_ =	swait.ge @p0 [sflag:s5], $0x4000  }
0x7a: {  	s28 =	simm.s32 $0x1480;
	[sflag:s5] =	ssyncset.done @p0 $0x0  }
0x7b: {  	s7 =	simm.s32 @!p0 $0x4;
	[sflag:s5] =	ssyncadd.s32 @p0 $0xFFFFC000;
	s5 =	simm.s32 @p0 $0x6800  }
0x7c: {  	[spmem:s2] =	stream.indirect.scatter.add.f32 @p0 [tilespmem:s5], [sflag:$0x4], $0x80, s28, s0, $0xb8;
	[tilespmem:$0x1E800] =	vst v63  }
0x7d: {  	s29 =	simm.s32 $0x3;
	s26 =	simm.s32 $0x2;
	_ =	swait.ge @!p0 [sflag:s7], $0x4000  }
0x7e: {  	s25 =	simm.s32 $0x180;
	s31 =	simm.s32 @!p0 $0x1;
	[sflag:s7] =	ssyncset.done @!p0 $0x0  }
0x7f: {  	s30 =	simm.s32 @!p0 $0x80;
	s5 =	simm.s32 @!p0 $0x6800;
	[sflag:s7] =	ssyncadd.s32 @!p0 $0xFFFFC000  }
0x80: {  	[tilespmem:s5], [sflag:$0x2] =	stream.indirect.gather @!p0 [hbm4b:s4+s30], $0x80, s1, s30, $0xb8;
	[tilespmem:$0x1E800] =	vst v63  }
0x81: {  	s0 =	sand.u32 $0x1, s26;
	s26 =	simm.s32 $0x1500;
	_ =	swait.ge @!p0 [sflag:s31], $0x4000  }
0x82: {  	p2 =	seq.s32 s0, $0x1;
	s0 =	simm.s32 @!p0 $0x2800;
	[sflag:s31] =	ssyncset.done @!p0 $0x0  }
.LBB2_4:
0x83: {  	s1 =	simm.s32 @p2 $0x3;
	[sflag:s31] =	ssyncadd.s32 @!p0 $0xFFFFC000  }
0x84: {  	s5 =	smov.u32 s29;
	s29 =	sadd.s32 $0x1, s29;
	s7 =	smov.u32 s25  }
0x85: {  	[spmem:s2] =	stream.indirect.scatter.add.f32 @!p0 [tilespmem:s0], [sflag:$0x3], $0x80, s28, s30, $0xb8;
	[tilespmem:$0x1E800] =	vst v63  }
0x86: {  	p1 =	sne.s32 s29, $0x27;
	s28 =	smov.u32 s26;
	_ =	swait.ge @p2 [sflag:s1], $0x4000  }
0x87: {  	s0 =	simm.s32 @p2 $0x2;
	p0 =	por p2, p2;
	[sflag:s1] =	ssyncset.done @p2 $0x0  }
0x88: {  	s30 =	simm.s32 @p0 $0x2800;
	[sflag:s1] =	ssyncadd.s32 @p0 $0xFFFFC000;
	s1 =	simm.s32 @p0 $0x80  }
0x89: {  	[tilespmem:s30], [sflag:$0x1] =	stream.indirect.gather @p0 [hbm4b:s4+s1], $0x80, s25, s1, $0xb8;
	[tilespmem:$0x1E800] =	vst v63  }
0x8a: {  	_ =	swait.ge @p0 [sflag:s0], $0x4000  }
0x8b: {  	[sflag:s0] =	ssyncset.done @p0 $0x0  }
0x8c: {  	s30 =	simm.s32 @!p0 $0x4;
	[sflag:s0] =	ssyncadd.s32 @p0 $0xFFFFC000;
	s0 =	simm.s32 @p0 $0x6800  }
0x8d: {  	[spmem:s2] =	stream.indirect.scatter.add.f32 @p0 [tilespmem:s0], [sflag:$0x4], $0x80, s26, s1, $0xb8;
	[tilespmem:$0x1E800] =	vst v63  }
0x8e: {  	s25 =	sadd.s32 $0x80, s25;
	_ =	swait.ge @!p0 [sflag:s30], $0x4000  }
.Ltmp1:
0x8f: {  	s31 =	simm.s32 @!p0 $0x1;
	[sflag:s30] =	ssyncset.done @!p0 $0x0;
	(pc) =	sbr.rel @p1 .LBB2_4-.Ltmp1, $4  }
0x90: {  	s0 =	simm.s32 @!p0 $0x6800;
	[sflag:s30] =	ssyncadd.s32 @!p0 $0xFFFFC000;
	s30 =	simm.s32 @!p0 $0x80  }
0x91: {  	[tilespmem:s0], [sflag:$0x2] =	stream.indirect.gather @!p0 [hbm4b:s4+s30], $0x80, s7, s30, $0xb8;
	[tilespmem:$0x1E800] =	vst v63  }
0x92: {  	s26 =	sadd.s32 $0x80, s26;
	s0 =	sand.u32 $0x1, s5;
	_ =	swait.ge @!p0 [sflag:s31], $0x4000  }
0x93: {  	p2 =	seq.s32 s0, $0x1;
	s0 =	simm.s32 @!p0 $0x2800;
	[sflag:s31] =	ssyncset.done @!p0 $0x0  }
0x94: {  	s1 =	simm.s32 @p2 $0x3;
	[sflag:s31] =	ssyncadd.s32 @!p0 $0xFFFFC000  }
0x95: {  	[spmem:s2] =	stream.indirect.scatter.add.f32 @!p0 [tilespmem:s0], [sflag:$0x3], $0x80, s28, s30, $0xb8;
	[tilespmem:$0x1E800] =	vst v63  }
0x96: {  	_ =	swait.ge @p2 [sflag:s1], $0x4000  }
0x97: {  	s0 =	simm.s32 @p2 $0x2;
	p0 =	por p2, p2;
	[sflag:s1] =	ssyncset.done @p2 $0x0  }
0x98: {  	s5 =	simm.s32 @p0 $0x2800;
	[sflag:s1] =	ssyncadd.s32 @p0 $0xFFFFC000;
	s1 =	simm.s32 @p0 $0x80  }
0x99: {  	[tilespmem:s5], [sflag:$0x1] =	stream.indirect.gather @p0 [hbm4b:s4+s1], $0x80, s25, s1, $0xb8;
	[tilespmem:$0x1E800] =	vst v63  }
0x9a: {  	_ =	swait.ge @p0 [sflag:s0], $0x4000  }
0x9b: {  	[sflag:s0] =	ssyncset.done @p0 $0x0  }
0x9c: {  	s5 =	simm.s32 @!p0 $0x4;
	[sflag:s0] =	ssyncadd.s32 @p0 $0xFFFFC000;
	s0 =	simm.s32 @p0 $0x6800  }
0x9d: {  	[spmem:s2] =	stream.indirect.scatter.add.f32 @p0 [tilespmem:s0], [sflag:$0x4], $0x80, s26, s1, $0xb8;
	[tilespmem:$0x1E800] =	vst v63  }
0x9e: {  	_ =	swait.ge @!p0 [sflag:s5], $0x4000  }
0x9f: {  	s0 =	simm.s32 @!p0 $0x1;
	[sflag:s5] =	ssyncset.done @!p0 $0x0  }
0xa0: {  	s1 =	simm.s32 @!p0 $0x80;
	[sflag:s5] =	ssyncadd.s32 @!p0 $0xFFFFC000;
	s5 =	simm.s32 @!p0 $0x6800  }
0xa1: {  	[tilespmem:s5], [sflag:$0x2] =	stream.indirect.gather @!p0 [hbm4b:s4+s1], $0x80, s25, s1, $0xb8;
	[tilespmem:$0x1E800] =	vst v63  }
0xa2: {  	_ =	swait.ge @!p0 [sflag:s0], $0x4000  }
0xa3: {  	[sflag:s0] =	ssyncset.done @!p0 $0x0  }
0xa4: {  	s5 =	simm.s32 @!p0 $0x2800;
	[sflag:s0] =	ssyncadd.s32 @!p0 $0xFFFFC000  }
0xa5: {  	[spmem:s2] =	stream.indirect.scatter.add.f32 @!p0 [tilespmem:s5], [sflag:$0x3], $0x80, s26, s1, $0xb8;
	[tilespmem:$0x1E800] =	vst v63  }
0xa6: {  	_ =	swait.ge [sflag:s17], $0x4000  }
0xa7: {  	[sflag:s17] =	ssyncset.done $0x0  }
0xa8: {  	[sflag:s17] =	ssyncadd.s32 $0xFFFFC000  }
0xa9: {  	_ =	swait.ge [sflag:s16], $0x4000  }
0xaa: {  	[sflag:s16] =	ssyncset.done $0x0  }
0xab: {  	[sflag:s16] =	ssyncadd.s32 $0xFFFFC000  }
0xac: {  	[spmem:s2] =	stream.indirect.scatter.add.f32 [tilespmem:s20], [sflag:$0x4], $0x80, s21, s18, $0xb8;
	[tilespmem:$0x1E800] =	vst v63  }
0xad: {  	_ =	swait.ge [sflag:s22], $0x4000  }
0xae: {  	s24 =	sadd.s32 $0x1, s24;
	[sflag:s22] =	ssyncset.done $0x0  }
0xaf: {  	p0 =	sne.s32 s24, s13;
	[sflag:s22] =	ssyncadd.s32 $0xFFFFC000  }
.Ltmp2:
0xb0: {  	s31 =	sor.u32 $0x1C05, s6;
	[bflag:$0x0] =	sbarrier.arrive $0xFFFF;
	(pc) =	sbr.rel @p0 .LBB2_1-.Ltmp2, $4  }
0xb1: {  	[hbm:s12], [sflag:s31] =	dma.local [spmem:s14], $0x2800  }
0xb2: {  	_ =	swait.ge [sflag:s23], $0x2800  }
0xb3: {  	[sflag:s23] =	ssyncset.done $0x0  }
0xb4: {  	[sflag:s23] =	ssyncadd.s32 $0xFFFFD800  }
0xb5: {  	_ =	sfence.sel $0x180000  }
0xb6: {  	[bflag:$0x0] =	sbarrier.arrive $0xFFFF  }
0xb7: {  	_ =	strace $0x9000004A  }
0xb8: {  	s0 =	stileid.u32;
	[bflag:$0x2] =	sbarrier.arrive $0xFFFF  }
0xb9: {  	p0 =	sne.s32 s0, $0x0;
	s0 =	rddreg [dreg:$0x2]  }
0xba: {  	s0 =	sadd.s32 @!p0 $0x100000, s0  }
0xbb: {  	[sflag:s0] =	ssyncadd.tile.s32 @!p0 $0x1;
	_ =	shalt  }
.Lfunc_end2:
_tile_overlayer_lowered:
.L_overlay_start_2:
0xbc: {  	(tag) =	ssettag $0x2  }
0xbd: {  	s0 =	rddreg [dreg:$0x0];
	s2 =	stileid.u32  }
0xbe: {  	s1 =	rddreg [dreg:$0x1];
	p0 =	sne.s32 s2, $0x0  }
0xbf: {  	s3 =	rddreg [dreg:$0x2];
	[bflag:$0x3] =	sbarrier.arrive $0xFFFF;
	s2 =	simm.s32 @!p0 $0x1C05  }
0xc0: {  	[timem:s3], [sflag:s2] =	dma.local @!p0 [hbm:s0], s1  }
0xc1: {  	s0 =	simm.s32 @!p0 $0x5  }
0xc2: {  	_ =	swait.ge @!p0 [sflag:s0], s1  }
0xc3: {  	s1 =	ssub.s32 @!p0 $0x0, s1;
	[sflag:s0] =	ssyncset.done @!p0 $0x0  }
0xc4: {  	[sflag:s0] =	ssyncadd.s32 @!p0 s1  }
0xc5: {  	[bflag:$0x3] =	sbarrier.arrive $0xFFFF  }
0xc6: {  	_ =	shalt  }

// kernel: kernel.14.cloned.1.call-start
scs
__scs_entry_jumppad:
0x0: {  	(pc) =	sbr.rel $0x88, $3  }
0x1: {  	(tag) =	ssettag $0x0;
	lr =	simm.s32 $0x1  }
0x2: {  	[smem:$0x3F94] =	sst lr;
	_ =	strace $0xD0000000  }
0x3: {  	_ = 	snop  }
0x4: {  	_ = 	snop  }
0x5: {  	_ = 	snop  }
0x6: {  	_ = 	snop  }
0x7: {  	_ = 	snop  }
__scs_overlays_trampoline_lowered:
0x8: {  	[smem:$0x3FA3] =	sst s0  }
0x9: {  	[smem:$0x3FA4] =	sst s1  }
0xa: {  	[smem:$0x3FA5] =	sst s2  }
0xb: {  	[smem:$0x3FA6] =	sst s3  }
0xc: {  	[smem:$0x3FA7] =	sst s4  }
0xd: {  	[smem:$0x3FA8] =	sst s5  }
0xe: {  	[smem:$0x3FA9] =	sst s6  }
0xf: {  	[smem:$0x3FAA] =	sst s7  }
0x10: {  	[smem:$0x3FAB] =	sst s8  }
0x11: {  	[smem:$0x3FAC] =	sst s9;
	s0 =	simm.s32 @!p0 $0x0  }
0x12: {  	s1 =	sld [smem:$0x3F92];
	s0 =	simm.s32 @p0 $0x1  }
0x13: {  	[smem:$0x3FAD] =	sst s0;
	s0 =	simm.s32 @!p1 $0x0  }
0x14: {  	s2 =	sld [smem:$0x3F91];
	s0 =	simm.s32 @p1 $0x1  }
0x15: {  	[smem:$0x3FAE] =	sst s0;
	s0 =	simm.s32 @!p2 $0x0  }
0x16: {  	s3 =	sld [smem:$0x3FDB];
	s0 =	simm.s32 @p2 $0x1  }
0x17: {  	s4 =	simm.s32 $0x1BF5;
	[smem:$0x3FB0] =	sst s0  }
0x18: {  	s0 =	sld [smem:$0x3F93];
	_ =	swait.ge [sflag:s4], $0x0  }
0x19: {  	s7 =	sld [smem:$0x3F94]  }
0x1a: {  	s8 =	sadd.s32 $0xFFFFE003, lr  }
0x1b: {  	s9 =	sadd.s32 $0xFFFFFEF7, lr;
	s5 =	simm.s32 $0xFFFFFFFF;
	p2 =	slt.u32 s8, $0xFFFFF086  }
0x1c: {  	p1 =	slt.u32 s9, $0xF7A;
	s5 =	simm.s32 @!p2 $0x0  }
0x1d: {  	s5 =	simm.s32 @p1 $0x1;
	p0 =	seq.s32 s7, s2  }
0x1e: {  	s7 =	smul.u32 @!p0 $0xF7A, s2;
	p2 =	seq.s32 @!p0 s5, $0x0  }
0x1f: {  	s9 =	smul.u32 $0xF7A, s1;
	s8 =	simm.s32 @!p0 $0x1BF5;
	p2 =	por !p2, p0  }
0x20: {  	[sflag:s8] =	ssyncset.s32 @!p0 $0xFFFFF086;
	s6 =	sadd.s32 @!p0 s3, s7;
	s7 =	simm.s32 @!p0 $0x108  }
0x21: {  	s3 =	sadd.s32 s3, s9;
	s6 =	sadd.s32 @!p0 $0x88, s6;
	s7 =	simm.s32 @p2 $0x1082  }
0x22: {  	[simem:s7], [sflag:s8] =	dma.local @!p0 [hbm:s6], $0xF7A  }
0x23: {  	s9 =	sor.u32 $0xD0000000, s2;
	s6 =	simm.s32 $0x108;
	_ =	swait.ge @!p0 [sflag:s8], $0x0  }
0x24: {  	s3 =	sadd.s32 $0x88, s3;
	s6 =	simm.s32 @!p1 $0x1082;
	[sflag:s4] =	ssyncset.s32 $0xFFFFF086  }
0x25: {  	[simem:s6], [sflag:s4] =	dma.local [hbm:s3], $0xF7A  }
0x26: {  	[smem:$0x3F94] =	sst s1;
	(tag) =	ssettag s2;
	_ =	strace s9  }
0x27: {  	s1 =	sld [smem:$0x3FA4]  }
0x28: {  	s2 =	sld [smem:$0x3FA5]  }
0x29: {  	s4 =	sld [smem:$0x3FA7]  }
0x2a: {  	p0 =	seq.s32 s5, $0x0;
	s5 =	sld [smem:$0x3FA8]  }
0x2b: {  	s6 =	sld [smem:$0x3FA9]  }
0x2c: {  	s7 =	sld [smem:$0x3FAA]  }
0x2d: {  	s3 =	simm.s32 $0x108;
	s8 =	sld [smem:$0x3FAB]  }
0x2e: {  	s3 =	simm.s32 @!p0 $0x1082;
	s9 =	sld [smem:$0x3FAC]  }
0x2f: {  	lr =	sadd.s32 s0, s3;
	s0 =	sld [smem:$0x3FA3]  }
0x30: {  	s3 =	sld [smem:$0x3FA6]  }
0x31: {  	[smem:$0x3FAF] =	sst s10  }
0x32: {  	s10 =	sld [smem:$0x3FAD];
	_ =	sdelay $0x3  }
0x33: {  	p0 =	seq.s32 s10, $0x1;
	s10 =	sld [smem:$0x3FAF];
	_ =	sdelay $0x3  }
0x34: {  	[smem:$0x3FAF] =	sst s10  }
0x35: {  	s10 =	sld [smem:$0x3FAE];
	_ =	sdelay $0x3  }
0x36: {  	p1 =	seq.s32 s10, $0x1;
	s10 =	sld [smem:$0x3FAF];
	_ =	sdelay $0x3  }
0x37: {  	[smem:$0x3FAF] =	sst s10  }
0x38: {  	s10 =	sld [smem:$0x3FB0]  }
0x39: {  	_ = 	snop;
	(pc) =	sbr.ind lr, $3  }
0x3a: {  	_ = 	snop  }
0x3b: {  	_ = 	snop  }
0x3c: {  	p2 =	seq.s32 s10, $0x1;
	s10 =	sld [smem:$0x3FAF]  }
0x3d: {  	_ =	shalt  }
0x3e: {  	_ =	shalt  }
0x3f: {  	_ =	shalt  }
0x40: {  	_ =	shalt  }
0x41: {  	_ =	shalt  }
0x42: {  	_ =	shalt  }
0x43: {  	_ =	shalt  }
0x44: {  	_ =	shalt  }
0x45: {  	_ =	shalt  }
0x46: {  	_ =	shalt  }
0x47: {  	_ =	shalt  }
0x48: {  	_ =	shalt  }
0x49: {  	_ =	shalt  }
0x4a: {  	_ =	shalt  }
0x4b: {  	_ =	shalt  }
0x4c: {  	_ =	shalt  }
0x4d: {  	_ =	shalt  }
0x4e: {  	_ =	shalt  }
0x4f: {  	_ =	shalt  }
0x50: {  	_ =	shalt  }
0x51: {  	_ =	shalt  }
0x52: {  	_ =	shalt  }
0x53: {  	_ =	shalt  }
0x54: {  	_ =	shalt  }
0x55: {  	_ =	shalt  }
0x56: {  	_ =	shalt  }
0x57: {  	_ =	shalt  }
0x58: {  	_ =	shalt  }
0x59: {  	_ =	shalt  }
0x5a: {  	_ =	shalt  }
0x5b: {  	_ =	shalt  }
0x5c: {  	_ =	shalt  }
0x5d: {  	_ =	shalt  }
0x5e: {  	_ =	shalt  }
0x5f: {  	_ =	shalt  }
0x60: {  	_ =	shalt  }
0x61: {  	_ =	shalt  }
0x62: {  	_ =	shalt  }
0x63: {  	_ =	shalt  }
0x64: {  	_ =	shalt  }
0x65: {  	_ =	shalt  }
0x66: {  	_ =	shalt  }
0x67: {  	_ =	shalt  }
0x68: {  	_ =	shalt  }
0x69: {  	_ =	shalt  }
0x6a: {  	_ =	shalt  }
0x6b: {  	_ =	shalt  }
0x6c: {  	_ =	shalt  }
0x6d: {  	_ =	shalt  }
0x6e: {  	_ =	shalt  }
0x6f: {  	_ =	shalt  }
0x70: {  	_ =	shalt  }
0x71: {  	_ =	shalt  }
0x72: {  	_ =	shalt  }
0x73: {  	_ =	shalt  }
0x74: {  	_ =	shalt  }
0x75: {  	_ =	shalt  }
0x76: {  	_ =	shalt  }
0x77: {  	_ =	shalt  }
0x78: {  	_ =	shalt  }
0x79: {  	_ =	shalt  }
0x7a: {  	_ =	shalt  }
0x7b: {  	_ =	shalt  }
0x7c: {  	_ =	shalt  }
0x7d: {  	_ =	shalt  }
0x7e: {  	_ =	shalt  }
0x7f: {  	_ =	shalt  }
0x80: {  	_ =	shalt  }
0x81: {  	_ =	shalt  }
0x82: {  	_ =	shalt  }
0x83: {  	_ =	shalt  }
0x84: {  	_ =	shalt  }
0x85: {  	_ =	shalt  }
0x86: {  	_ =	shalt  }
0x87: {  	_ =	shalt  }
.Lfunc_end0:
.L_simem_size_0:
called_computation.2_lowered:
.L_overlay_start_0:
0x88: {  	s2 =	sld [smem:$0x3FD9]  }
0x89: {  	s3 =	sld [smem:$0x3FFE];
	_ =	sdelay $0x1  }
0x8a: {  	s1 =	srdreg.scid  }
0x8b: {  	s0 =	sand.u32 $0x1, s1  }
0x8c: {  	s16 =	sshll.u32 s0, $0xA;
	s2 =	sadd.s32 s3, s2  }
0x8d: {  	s2 =	sadd.s32 s2, s16  }
0x8e: {  	[smem:$0x3FBB] =	sst s2  }
0x8f: {  	_ = 	snop  }
0x90: {  	(tm) =	ssettm $0x1  }
0x91: {  	s17 =	sld [smem:$0x3FFB];
	_ =	sdelay $0x3  }
0x92: {  	_ =	strace s17  }
0x93: {  	s2 =	sld [smem:$0x3FFC];
	_ =	sdelay $0x3  }
0x94: {  	_ =	strace s2  }
0x95: {  	s2 =	sld [smem:$0x3FFD];
	_ =	sdelay $0x3  }
0x96: {  	_ =	strace s2  }
0x97: {  	_ =	strace $0x8FFFFFFF  }
0x98: {  	s18 =	sld [smem:$0x3FDB];
	_ =	sdelay $0x1  }
0x99: {  	s19 =	simm.s32 $_scs_section_size  }
0x9a: {  	s4 =	simm.s32 $_size__tile_overlayer_lowered;
	s5 =	simm.s32 $_tile_overlayer_lowered  }
0x9b: {  	s22 =	simm.s32 $0x1BFF;
	s21 =	sshll.u32 s5, $0x1;
	s2 =	sadd.s32 s19, s18  }
0x9c: {  	s6 =	simm.s32 $0x0;
	s20 =	sshll.u32 s4, $0x1;
	s4 =	sadd.s32 s21, s2  }
0x9d: {  	[timem:s6], [sflag:s22] =	dma.local [hbm:s4], s20  }
0x9e: {  	_ =	swait.ge [sflag:s22], s20  }
0x9f: {  	s3 =	ssub.s32 $0x0, s20;
	[sflag:s22] =	ssyncset.done $0x0  }
0xa0: {  	[sflag:s22] =	ssyncadd.s32 s3;
	_ =	sdelay $0x1  }
0xa1: {  	s23 =	simm.s32 $0x1B8B  }
0xa2: {  	_ =	swait.ge [sflag:s23], $0x1  }
0xa3: {  	[sflag:s23] =	ssyncset.done $0x0  }
0xa4: {  	s25 =	simm.s32 $0x1B8E;
	s24 =	sld [smem:$0x3FFE];
	[sflag:s23] =	ssyncadd.s32 $0xFFFFFFFF  }
0xa5: {  	s26 =	simm.s32 $execute0_lowered;
	[smem:$0x3FD2] =	sst s25  }
0xa6: {  	s4 =	sshll.u32 s26, $0x1;
	_ =	strace $0x8000004C;
	[dreg:$0x1] =	wrdreg $0xFFFFFFFF  }
0xa7: {  	s28 =	simm.s32 $_size_execute0_lowered;
	s2 =	sadd.s32 s2, s4;
	[dreg:$0x0] =	wrdreg $0x0  }
0xa8: {  	s4 =	sshll.u32 s28, $0x1;
	[dreg:$0x2] =	wrdreg s2  }
0xa9: {  	[dreg:$0x3] =	wrdreg s4  }
0xaa: {  	[dreg:$0x4] =	wrdreg $0xC0  }
0xab: {  	_ =	task [dreg:s6], $0x5FFFF  }
0xac: {  	[dreg:$0x1] =	wrdreg $0xFFFFFFFF  }
0xad: {  	[dreg:$0x0] =	wrdreg $0x60  }
0xae: {  	[dreg:$0x2] =	wrdreg s24  }
0xaf: {  	[dreg:$0x3] =	wrdreg $0xA8000  }
0xb0: {  	[dreg:$0x4] =	wrdreg $0x9  }
0xb1: {  	_ =	task.clear_ibuf [dreg:s6], $0x5FFFF;
	_ =	strace $0x9000004C  }
0xb2: {  	s29 =	simm.s32 $0x9;
	_ =	strace $0x8000004E  }
0xb3: {  	_ =	swait.ge [sflag:s29], $0x1  }
0xb4: {  	[sflag:s29] =	ssyncadd.s32 $0xFFFFFFFF  }
0xb5: {  	_ =	strace $0x9000004E  }
0xb6: {  	_ =	sfence  }
0xb7: {  	s30 =	sld [smem:$0x0];
	_ =	sdelay $0x2  }
0xb8: {  	s31 =	sshll.u32 s1, $0xD;
	s1 =	sshrl.u32 s1, $0x2  }
0xb9: {  	s3 =	sand.u32 $0x4000, s31;
	s1 =	sadd.s32 s1, s30  }
0xba: {  	s0 =	sor.u32 s3, s0;
	s1 =	sshll.u32 s1, $0x11  }
0xbb: {  	s0 =	sor.u32 s1, s0  }
0xbc: {  	s0 =	sadd.s32 $0x8F2B, s0  }
0xbd: {  	[sflag:s0] =	ssyncadd.remote.s32 $0x1  }
0xbe: {  	_ =	sfence.sel $0xFFFF  }
0xbf: {  	[dreg:$0x0] =	wrdreg $0xFFFFFFFF;
	(pc) =	sbr.abs _section_cstart, $3  }
0xc0: {  	[dreg:$0x1] =	wrdreg $0xFFFFFFFF  }
0xc1: {  	_ =	task.clear_ibuf [dreg:s6], $0x2FFFF;
	_ =	strace $0x9FFFFFFF  }
0xc2: {  	(tm) =	ssettm $0x7FFFFFFF  }
0xc3: {  	_ =	shalt  }
tec
execute0_lowered:
.L_overlay_start_1:
0x0: {  	(tag) =	ssettag $0x1  }
0x1: {  	s0 =	rddreg [dreg:$0x0]  }
0x2: {  	s2 =	rddreg [dreg:$0x1]  }
0x3: {  	s4 =	srdreg.scid;
	s1 =	stileid.u32;
	s3 =	simm.s32 $0x0  }
0x4: {  	s16 =	simm.s32 $0x2;
	s17 =	simm.s32 $0x3;
	s18 =	simm.s32 $0x80  }
0x5: {  	s19 =	simm.s32 $0x2800;
	s20 =	simm.s32 $0x6800;
	s21 =	simm.s32 $0x2780  }
0x6: {  	s22 =	simm.s32 $0x4;
	s23 =	simm.s32 $0x5;
	s24 =	simm.s32 $0x0  }
0x7: {  	s6 =	sand.u32 $0x1, s4;
	s7 =	smul.u32 $0x2800, s1;
	[smem:$0x7FF] =	sst s3  }
0x8: {  	s4 =	sadd.s32 $0x17E00, s0;
	s10 =	sadd.s32 $0x3E00, s0;
	s11 =	sadd.s32 $0xDE00, s0  }
0x9: {  	s5 =	sadd.s32 $0x3FE00, s0;
	s9 =	sshll.u32 s1, $0x1;
	s13 =	smul.u32 $0x50000, s1  }
0xa: {  	s8 =	smul.u32 $0x28000, s6;
	_ =	strace $0x8000004D;
	s28 =	ssub.s32 $0x2, s6  }
0xb: {  	[dreg:$0x3] =	wrdreg s5;
	s6 =	sshll.u32 s6, $0x5;
	s12 =	sshrl.u32 s28, $0x1  }
0xc: {  	s9 =	sor.u32 s9, s6;
	s30 =	sshrl.u32 s13, $0x2;
	s6 =	sshll.u32 s1, $0x6  }
0xd: {  	s7 =	sadd.s32 s7, s8;
	s14 =	ssub.s32 s28, s12;
	s29 =	smul.u32 $0x1400, s9  }
0xe: {  	s9 =	smul.u32 $0x280, s9;
	s15 =	sadd.s32 s30, s2;
	s1 =	sor.u32 $0x1C03, s6  }
0xf: {  	s0 =	sadd.s32 s7, s0;
	[dreg:$0x4] =	wrdreg s1;
	s13 =	smax.u32 s14, $0x1  }
0x10: {  	s14 =	sshrl.u32 s15, $0x3;
	s15 =	simm.s32 $0x1400;
	s31 =	sshrl.u32 s29, $0x3  }
0x11: {  	s8 =	sadd.s32 s10, s9;
	s9 =	sadd.s32 s11, s9;
	s12 =	sadd.s32 $0x280, s31  }
0x12: {  	s10 =	sadd.s32 s10, s12;
	s11 =	sadd.s32 s11, s12;
	s12 =	sadd.s32 $0x42600, s0  }
.LBB2_1:
0x13: {  	s0 =	rddreg [dreg:$0x3]  }
0x14: {  	s1 =	rddreg [dreg:$0x4]  }
0x15: {  	[spmem:s14], [sflag:s1] =	dma.local [hbm:s0], $0x2800  }
0x16: {  	[tilespmem:s3], [sflag:$0x1] =	stream.linear.gather [hbm4b:s8+s3], $0x1400, $0x38;
	[tilespmem:$0x1E800] =	vst v63  }
0x17: {  	s5 =	simm.s32 $0x1  }
0x18: {  	[tilespmem:s15], [sflag:$0x2] =	stream.linear.gather [hbm4b:s9+s3], $0x1400, $0x38;
	[tilespmem:$0x1E800] =	vst v63  }
0x19: {  	_ =	swait.ge [sflag:s5], $0x1400  }
0x1a: {  	[sflag:s5] =	ssyncset.done $0x0  }
0x1b: {  	[sflag:s5] =	ssyncadd.s32 $0xFFFFEC00  }
0x1c: {  	_ =	swait.ge [sflag:s16], $0x1400  }
0x1d: {  	[sflag:s16] =	ssyncset.done $0x0  }
0x1e: {  	[sflag:s16] =	ssyncadd.s32 $0xFFFFEC00  }
0x1f: {  	_ =	swait.ge [sflag:s17], $0x2800  }
0x20: {  	[sflag:s17] =	ssyncset.done $0x0  }
0x21: {  	[sflag:s17] =	ssyncadd.s32 $0xFFFFD800  }
0x22: {  	[bflag:$0x0] =	sbarrier.arrive $0xFFFF  }
0x23: {  	[tilespmem:s19], [sflag:$0x1] =	stream.indirect.gather [hbm4b:s4+s18], $0x80, s3, s18, $0xb8;
	[tilespmem:$0x1E800] =	vst v63  }
0x24: {  	_ = 	snop  }
0x25: {  	[tilespmem:s20], [sflag:$0x2] =	stream.indirect.gather [hbm4b:s4+s18], $0x80, s18, s18, $0xb8;
	[tilespmem:$0x1E800] =	vst v63  }
0x26: {  	s0 =	sand.u32 $0x1, s5;
	_ =	swait.ge [sflag:s5], $0x4000  }
0x27: {  	p0 =	seq.s32 s0, $0x1;
	[sflag:s5] =	ssyncset.done $0x0  }
0x28: {  	s0 =	simm.s32 @p0 $0x3;
	[sflag:s5] =	ssyncadd.s32 $0xFFFFC000  }
0x29: {  	[spmem:s2] =	stream.indirect.scatter.add.f32 [tilespmem:s19], [sflag:$0x3], $0x80, s15, s18, $0xb8;
	[tilespmem:$0x1E800] =	vst v63  }
0x2a: {  	s26 =	simm.s32 $0x100;
	_ =	swait.ge @p0 [sflag:s0], $0x4000  }
0x2b: {  	s25 =	simm.s32 @p0 $0x2;
	[sflag:s0] =	ssyncset.done @p0 $0x0;
	p0 =	por p0, p0  }
0x2c: {  	[sflag:s0] =	ssyncadd.s32 @p0 $0xFFFFC000;
	s0 =	simm.s32 @p0 $0x80;
	s28 =	simm.s32 @p0 $0x2800  }
0x2d: {  	[tilespmem:s28], [sflag:$0x1] =	stream.indirect.gather @p0 [hbm4b:s4+s0], $0x80, s26, s0, $0xb8;
	[tilespmem:$0x1E800] =	vst v63  }
0x2e: {  	_ =	swait.ge @p0 [sflag:s25], $0x4000  }
0x2f: {  	s30 =	simm.s32 @!p0 $0x4;
	[sflag:s25] =	ssyncset.done @p0 $0x0  }
0x30: {  	s28 =	simm.s32 $0x1480;
	[sflag:s25] =	ssyncadd.s32 @p0 $0xFFFFC000;
	s25 =	simm.s32 @p0 $0x6800  }
0x31: {  	[spmem:s2] =	stream.indirect.scatter.add.f32 @p0 [tilespmem:s25], [sflag:$0x4], $0x80, s28, s0, $0xb8;
	[tilespmem:$0x1E800] =	vst v63  }
0x32: {  	s7 =	simm.s32 $0x2;
	s29 =	simm.s32 $0x3;
	_ =	swait.ge @!p0 [sflag:s30], $0x4000  }
0x33: {  	s31 =	simm.s32 @!p0 $0x1;
	s1 =	simm.s32 @!p0 $0x6800;
	[sflag:s30] =	ssyncset.done @!p0 $0x0  }
0x34: {  	s0 =	sand.u32 $0x1, s7;
	[sflag:s30] =	ssyncadd.s32 @!p0 $0xFFFFC000;
	s30 =	simm.s32 @!p0 $0x80  }
0x35: {  	[tilespmem:s1], [sflag:$0x2] =	stream.indirect.gather @!p0 [hbm4b:s4+s30], $0x80, s26, s30, $0xb8;
	[tilespmem:$0x1E800] =	vst v63  }
0x36: {  	s25 =	simm.s32 $0x180;
	p2 =	seq.s32 s0, $0x1;
	_ =	swait.ge @!p0 [sflag:s31], $0x4000  }
0x37: {  	s0 =	simm.s32 @!p0 $0x2800;
	s26 =	simm.s32 $0x1500;
	[sflag:s31] =	ssyncset.done @!p0 $0x0  }
.LBB2_2:
0x38: {  	s1 =	simm.s32 @p2 $0x3;
	[sflag:s31] =	ssyncadd.s32 @!p0 $0xFFFFC000  }
0x39: {  	s5 =	smov.u32 s29;
	s29 =	sadd.s32 $0x1, s29;
	s7 =	smov.u32 s25  }
0x3a: {  	[spmem:s2] =	stream.indirect.scatter.add.f32 @!p0 [tilespmem:s0], [sflag:$0x3], $0x80, s28, s30, $0xb8;
	[tilespmem:$0x1E800] =	vst v63  }
0x3b: {  	p1 =	sne.s32 s29, $0x27;
	s28 =	smov.u32 s26;
	_ =	swait.ge @p2 [sflag:s1], $0x4000  }
0x3c: {  	s0 =	simm.s32 @p2 $0x2;
	p0 =	por p2, p2;
	[sflag:s1] =	ssyncset.done @p2 $0x0  }
0x3d: {  	s30 =	simm.s32 @p0 $0x2800;
	[sflag:s1] =	ssyncadd.s32 @p0 $0xFFFFC000;
	s1 =	simm.s32 @p0 $0x80  }
0x3e: {  	[tilespmem:s30], [sflag:$0x1] =	stream.indirect.gather @p0 [hbm4b:s4+s1], $0x80, s25, s1, $0xb8;
	[tilespmem:$0x1E800] =	vst v63  }
0x3f: {  	_ =	swait.ge @p0 [sflag:s0], $0x4000  }
0x40: {  	[sflag:s0] =	ssyncset.done @p0 $0x0  }
0x41: {  	s30 =	simm.s32 @!p0 $0x4;
	[sflag:s0] =	ssyncadd.s32 @p0 $0xFFFFC000;
	s0 =	simm.s32 @p0 $0x6800  }
0x42: {  	[spmem:s2] =	stream.indirect.scatter.add.f32 @p0 [tilespmem:s0], [sflag:$0x4], $0x80, s26, s1, $0xb8;
	[tilespmem:$0x1E800] =	vst v63  }
0x43: {  	s25 =	sadd.s32 $0x80, s25;
	_ =	swait.ge @!p0 [sflag:s30], $0x4000  }
.Ltmp0:
0x44: {  	s31 =	simm.s32 @!p0 $0x1;
	[sflag:s30] =	ssyncset.done @!p0 $0x0;
	(pc) =	sbr.rel @p1 .LBB2_2-.Ltmp0, $4  }
0x45: {  	s0 =	simm.s32 @!p0 $0x6800;
	[sflag:s30] =	ssyncadd.s32 @!p0 $0xFFFFC000;
	s30 =	simm.s32 @!p0 $0x80  }
0x46: {  	[tilespmem:s0], [sflag:$0x2] =	stream.indirect.gather @!p0 [hbm4b:s4+s30], $0x80, s7, s30, $0xb8;
	[tilespmem:$0x1E800] =	vst v63  }
0x47: {  	s26 =	sadd.s32 $0x80, s26;
	s0 =	sand.u32 $0x1, s5;
	_ =	swait.ge @!p0 [sflag:s31], $0x4000  }
0x48: {  	p2 =	seq.s32 s0, $0x1;
	s0 =	simm.s32 @!p0 $0x2800;
	[sflag:s31] =	ssyncset.done @!p0 $0x0  }
0x49: {  	s1 =	simm.s32 @p2 $0x3;
	[sflag:s31] =	ssyncadd.s32 @!p0 $0xFFFFC000  }
0x4a: {  	[spmem:s2] =	stream.indirect.scatter.add.f32 @!p0 [tilespmem:s0], [sflag:$0x3], $0x80, s28, s30, $0xb8;
	[tilespmem:$0x1E800] =	vst v63  }
0x4b: {  	_ =	swait.ge @p2 [sflag:s1], $0x4000  }
0x4c: {  	s0 =	simm.s32 @p2 $0x2;
	p0 =	por p2, p2;
	[sflag:s1] =	ssyncset.done @p2 $0x0  }
0x4d: {  	s5 =	simm.s32 @p0 $0x2800;
	[sflag:s1] =	ssyncadd.s32 @p0 $0xFFFFC000;
	s1 =	simm.s32 @p0 $0x80  }
0x4e: {  	[tilespmem:s5], [sflag:$0x1] =	stream.indirect.gather @p0 [hbm4b:s4+s1], $0x80, s25, s1, $0xb8;
	[tilespmem:$0x1E800] =	vst v63  }
0x4f: {  	_ =	swait.ge @p0 [sflag:s0], $0x4000  }
0x50: {  	[sflag:s0] =	ssyncset.done @p0 $0x0  }
0x51: {  	s5 =	simm.s32 @!p0 $0x4;
	[sflag:s0] =	ssyncadd.s32 @p0 $0xFFFFC000;
	s0 =	simm.s32 @p0 $0x6800  }
0x52: {  	[spmem:s2] =	stream.indirect.scatter.add.f32 @p0 [tilespmem:s0], [sflag:$0x4], $0x80, s26, s1, $0xb8;
	[tilespmem:$0x1E800] =	vst v63  }
0x53: {  	_ =	swait.ge @!p0 [sflag:s5], $0x4000  }
0x54: {  	s0 =	simm.s32 @!p0 $0x1;
	[sflag:s5] =	ssyncset.done @!p0 $0x0  }
0x55: {  	s1 =	simm.s32 @!p0 $0x80;
	[sflag:s5] =	ssyncadd.s32 @!p0 $0xFFFFC000;
	s5 =	simm.s32 @!p0 $0x6800  }
0x56: {  	[tilespmem:s5], [sflag:$0x2] =	stream.indirect.gather @!p0 [hbm4b:s4+s1], $0x80, s25, s1, $0xb8;
	[tilespmem:$0x1E800] =	vst v63  }
0x57: {  	_ =	swait.ge @!p0 [sflag:s0], $0x4000  }
0x58: {  	[sflag:s0] =	ssyncset.done @!p0 $0x0  }
0x59: {  	s5 =	simm.s32 @!p0 $0x2800;
	[sflag:s0] =	ssyncadd.s32 @!p0 $0xFFFFC000  }
0x5a: {  	[spmem:s2] =	stream.indirect.scatter.add.f32 @!p0 [tilespmem:s5], [sflag:$0x3], $0x80, s26, s1, $0xb8;
	[tilespmem:$0x1E800] =	vst v63  }
0x5b: {  	_ =	swait.ge [sflag:s17], $0x4000  }
0x5c: {  	[sflag:s17] =	ssyncset.done $0x0  }
0x5d: {  	[sflag:s17] =	ssyncadd.s32 $0xFFFFC000  }
0x5e: {  	_ =	swait.ge [sflag:s16], $0x4000  }
0x5f: {  	[sflag:s16] =	ssyncset.done $0x0  }
0x60: {  	[sflag:s16] =	ssyncadd.s32 $0xFFFFC000  }
0x61: {  	[spmem:s2] =	stream.indirect.scatter.add.f32 [tilespmem:s20], [sflag:$0x4], $0x80, s21, s18, $0xb8;
	[tilespmem:$0x1E800] =	vst v63  }
0x62: {  	_ =	swait.ge [sflag:s22], $0x4000  }
0x63: {  	[sflag:s22] =	ssyncset.done $0x0  }
0x64: {  	[sflag:s22] =	ssyncadd.s32 $0xFFFFC000  }
0x65: {  	[tilespmem:s3], [sflag:$0x1] =	stream.linear.gather [hbm4b:s10+s3], $0x1400, $0x38;
	[tilespmem:$0x1E800] =	vst v63  }
0x66: {  	s25 =	simm.s32 $0x1  }
0x67: {  	[tilespmem:s15], [sflag:$0x2] =	stream.linear.gather [hbm4b:s11+s3], $0x1400, $0x38;
	[tilespmem:$0x1E800] =	vst v63  }
0x68: {  	_ =	swait.ge [sflag:s25], $0x1400  }
0x69: {  	[sflag:s25] =	ssyncset.done $0x0  }
0x6a: {  	[sflag:s25] =	ssyncadd.s32 $0xFFFFEC00  }
0x6b: {  	_ =	swait.ge [sflag:s16], $0x1400  }
0x6c: {  	[sflag:s16] =	ssyncset.done $0x0  }
0x6d: {  	[sflag:s16] =	ssyncadd.s32 $0xFFFFEC00  }
0x6e: {  	[tilespmem:s19], [sflag:$0x1] =	stream.indirect.gather [hbm4b:s4+s18], $0x80, s3, s18, $0xb8;
	[tilespmem:$0x1E800] =	vst v63  }
0x6f: {  	_ = 	snop  }
0x70: {  	[tilespmem:s20], [sflag:$0x2] =	stream.indirect.gather [hbm4b:s4+s18], $0x80, s18, s18, $0xb8;
	[tilespmem:$0x1E800] =	vst v63  }
0x71: {  	s0 =	sand.u32 $0x1, s25;
	_ =	swait.ge [sflag:s25], $0x4000  }
0x72: {  	p0 =	seq.s32 s0, $0x1;
	[sflag:s25] =	ssyncset.done $0x0  }
0x73: {  	s0 =	simm.s32 @p0 $0x3;
	[sflag:s25] =	ssyncadd.s32 $0xFFFFC000  }
0x74: {  	[spmem:s2] =	stream.indirect.scatter.add.f32 [tilespmem:s19], [sflag:$0x3], $0x80, s15, s18, $0xb8;
	[tilespmem:$0x1E800] =	vst v63  }
0x75: {  	s1 =	simm.s32 $0x100;
	_ =	swait.ge @p0 [sflag:s0], $0x4000  }
0x76: {  	s5 =	simm.s32 @p0 $0x2;
	[sflag:s0] =	ssyncset.done @p0 $0x0;
	p0 =	por p0, p0  }
0x77: {  	[sflag:s0] =	ssyncadd.s32 @p0 $0xFFFFC000;
	s0 =	simm.s32 @p0 $0x80;
	s7 =	simm.s32 @p0 $0x2800  }
0x78: {  	[tilespmem:s7], [sflag:$0x1] =	stream.indirect.gather @p0 [hbm4b:s4+s0], $0x80, s1, s0, $0xb8;
	[tilespmem:$0x1E800] =	vst v63  }
0x79: {  	_ =	swait.ge @p0 [sflag:s5], $0x4000  }
0x7a: {  	s28 =	simm.s32 $0x1480;
	[sflag:s5] =	ssyncset.done @p0 $0x0  }
0x7b: {  	s7 =	simm.s32 @!p0 $0x4;
	[sflag:s5] =	ssyncadd.s32 @p0 $0xFFFFC000;
	s5 =	simm.s32 @p0 $0x6800  }
0x7c: {  	[spmem:s2] =	stream.indirect.scatter.add.f32 @p0 [tilespmem:s5], [sflag:$0x4], $0x80, s28, s0, $0xb8;
	[tilespmem:$0x1E800] =	vst v63  }
0x7d: {  	s29 =	simm.s32 $0x3;
	s26 =	simm.s32 $0x2;
	_ =	swait.ge @!p0 [sflag:s7], $0x4000  }
0x7e: {  	s25 =	simm.s32 $0x180;
	s31 =	simm.s32 @!p0 $0x1;
	[sflag:s7] =	ssyncset.done @!p0 $0x0  }
0x7f: {  	s30 =	simm.s32 @!p0 $0x80;
	s5 =	simm.s32 @!p0 $0x6800;
	[sflag:s7] =	ssyncadd.s32 @!p0 $0xFFFFC000  }
0x80: {  	[tilespmem:s5], [sflag:$0x2] =	stream.indirect.gather @!p0 [hbm4b:s4+s30], $0x80, s1, s30, $0xb8;
	[tilespmem:$0x1E800] =	vst v63  }
0x81: {  	s0 =	sand.u32 $0x1, s26;
	s26 =	simm.s32 $0x1500;
	_ =	swait.ge @!p0 [sflag:s31], $0x4000  }
0x82: {  	p2 =	seq.s32 s0, $0x1;
	s0 =	simm.s32 @!p0 $0x2800;
	[sflag:s31] =	ssyncset.done @!p0 $0x0  }
.LBB2_4:
0x83: {  	s1 =	simm.s32 @p2 $0x3;
	[sflag:s31] =	ssyncadd.s32 @!p0 $0xFFFFC000  }
0x84: {  	s5 =	smov.u32 s29;
	s29 =	sadd.s32 $0x1, s29;
	s7 =	smov.u32 s25  }
0x85: {  	[spmem:s2] =	stream.indirect.scatter.add.f32 @!p0 [tilespmem:s0], [sflag:$0x3], $0x80, s28, s30, $0xb8;
	[tilespmem:$0x1E800] =	vst v63  }
0x86: {  	p1 =	sne.s32 s29, $0x27;
	s28 =	smov.u32 s26;
	_ =	swait.ge @p2 [sflag:s1], $0x4000  }
0x87: {  	s0 =	simm.s32 @p2 $0x2;
	p0 =	por p2, p2;
	[sflag:s1] =	ssyncset.done @p2 $0x0  }
0x88: {  	s30 =	simm.s32 @p0 $0x2800;
	[sflag:s1] =	ssyncadd.s32 @p0 $0xFFFFC000;
	s1 =	simm.s32 @p0 $0x80  }
0x89: {  	[tilespmem:s30], [sflag:$0x1] =	stream.indirect.gather @p0 [hbm4b:s4+s1], $0x80, s25, s1, $0xb8;
	[tilespmem:$0x1E800] =	vst v63  }
0x8a: {  	_ =	swait.ge @p0 [sflag:s0], $0x4000  }
0x8b: {  	[sflag:s0] =	ssyncset.done @p0 $0x0  }
0x8c: {  	s30 =	simm.s32 @!p0 $0x4;
	[sflag:s0] =	ssyncadd.s32 @p0 $0xFFFFC000;
	s0 =	simm.s32 @p0 $0x6800  }
0x8d: {  	[spmem:s2] =	stream.indirect.scatter.add.f32 @p0 [tilespmem:s0], [sflag:$0x4], $0x80, s26, s1, $0xb8;
	[tilespmem:$0x1E800] =	vst v63  }
0x8e: {  	s25 =	sadd.s32 $0x80, s25;
	_ =	swait.ge @!p0 [sflag:s30], $0x4000  }
.Ltmp1:
0x8f: {  	s31 =	simm.s32 @!p0 $0x1;
	[sflag:s30] =	ssyncset.done @!p0 $0x0;
	(pc) =	sbr.rel @p1 .LBB2_4-.Ltmp1, $4  }
0x90: {  	s0 =	simm.s32 @!p0 $0x6800;
	[sflag:s30] =	ssyncadd.s32 @!p0 $0xFFFFC000;
	s30 =	simm.s32 @!p0 $0x80  }
0x91: {  	[tilespmem:s0], [sflag:$0x2] =	stream.indirect.gather @!p0 [hbm4b:s4+s30], $0x80, s7, s30, $0xb8;
	[tilespmem:$0x1E800] =	vst v63  }
0x92: {  	s26 =	sadd.s32 $0x80, s26;
	s0 =	sand.u32 $0x1, s5;
	_ =	swait.ge @!p0 [sflag:s31], $0x4000  }
0x93: {  	p2 =	seq.s32 s0, $0x1;
	s0 =	simm.s32 @!p0 $0x2800;
	[sflag:s31] =	ssyncset.done @!p0 $0x0  }
0x94: {  	s1 =	simm.s32 @p2 $0x3;
	[sflag:s31] =	ssyncadd.s32 @!p0 $0xFFFFC000  }
0x95: {  	[spmem:s2] =	stream.indirect.scatter.add.f32 @!p0 [tilespmem:s0], [sflag:$0x3], $0x80, s28, s30, $0xb8;
	[tilespmem:$0x1E800] =	vst v63  }
0x96: {  	_ =	swait.ge @p2 [sflag:s1], $0x4000  }
0x97: {  	s0 =	simm.s32 @p2 $0x2;
	p0 =	por p2, p2;
	[sflag:s1] =	ssyncset.done @p2 $0x0  }
0x98: {  	s5 =	simm.s32 @p0 $0x2800;
	[sflag:s1] =	ssyncadd.s32 @p0 $0xFFFFC000;
	s1 =	simm.s32 @p0 $0x80  }
0x99: {  	[tilespmem:s5], [sflag:$0x1] =	stream.indirect.gather @p0 [hbm4b:s4+s1], $0x80, s25, s1, $0xb8;
	[tilespmem:$0x1E800] =	vst v63  }
0x9a: {  	_ =	swait.ge @p0 [sflag:s0], $0x4000  }
0x9b: {  	[sflag:s0] =	ssyncset.done @p0 $0x0  }
0x9c: {  	s5 =	simm.s32 @!p0 $0x4;
	[sflag:s0] =	ssyncadd.s32 @p0 $0xFFFFC000;
	s0 =	simm.s32 @p0 $0x6800  }
0x9d: {  	[spmem:s2] =	stream.indirect.scatter.add.f32 @p0 [tilespmem:s0], [sflag:$0x4], $0x80, s26, s1, $0xb8;
	[tilespmem:$0x1E800] =	vst v63  }
0x9e: {  	_ =	swait.ge @!p0 [sflag:s5], $0x4000  }
0x9f: {  	s0 =	simm.s32 @!p0 $0x1;
	[sflag:s5] =	ssyncset.done @!p0 $0x0  }
0xa0: {  	s1 =	simm.s32 @!p0 $0x80;
	[sflag:s5] =	ssyncadd.s32 @!p0 $0xFFFFC000;
	s5 =	simm.s32 @!p0 $0x6800  }
0xa1: {  	[tilespmem:s5], [sflag:$0x2] =	stream.indirect.gather @!p0 [hbm4b:s4+s1], $0x80, s25, s1, $0xb8;
	[tilespmem:$0x1E800] =	vst v63  }
0xa2: {  	_ =	swait.ge @!p0 [sflag:s0], $0x4000  }
0xa3: {  	[sflag:s0] =	ssyncset.done @!p0 $0x0  }
0xa4: {  	s5 =	simm.s32 @!p0 $0x2800;
	[sflag:s0] =	ssyncadd.s32 @!p0 $0xFFFFC000  }
0xa5: {  	[spmem:s2] =	stream.indirect.scatter.add.f32 @!p0 [tilespmem:s5], [sflag:$0x3], $0x80, s26, s1, $0xb8;
	[tilespmem:$0x1E800] =	vst v63  }
0xa6: {  	_ =	swait.ge [sflag:s17], $0x4000  }
0xa7: {  	[sflag:s17] =	ssyncset.done $0x0  }
0xa8: {  	[sflag:s17] =	ssyncadd.s32 $0xFFFFC000  }
0xa9: {  	_ =	swait.ge [sflag:s16], $0x4000  }
0xaa: {  	[sflag:s16] =	ssyncset.done $0x0  }
0xab: {  	[sflag:s16] =	ssyncadd.s32 $0xFFFFC000  }
0xac: {  	[spmem:s2] =	stream.indirect.scatter.add.f32 [tilespmem:s20], [sflag:$0x4], $0x80, s21, s18, $0xb8;
	[tilespmem:$0x1E800] =	vst v63  }
0xad: {  	_ =	swait.ge [sflag:s22], $0x4000  }
0xae: {  	s24 =	sadd.s32 $0x1, s24;
	[sflag:s22] =	ssyncset.done $0x0  }
0xaf: {  	p0 =	sne.s32 s24, s13;
	[sflag:s22] =	ssyncadd.s32 $0xFFFFC000  }
.Ltmp2:
0xb0: {  	s31 =	sor.u32 $0x1C05, s6;
	[bflag:$0x0] =	sbarrier.arrive $0xFFFF;
	(pc) =	sbr.rel @p0 .LBB2_1-.Ltmp2, $4  }
0xb1: {  	[hbm:s12], [sflag:s31] =	dma.local [spmem:s14], $0x2800  }
0xb2: {  	_ =	swait.ge [sflag:s23], $0x2800  }
0xb3: {  	[sflag:s23] =	ssyncset.done $0x0  }
0xb4: {  	[sflag:s23] =	ssyncadd.s32 $0xFFFFD800  }
0xb5: {  	_ =	sfence.sel $0x180000  }
0xb6: {  	[bflag:$0x0] =	sbarrier.arrive $0xFFFF  }
0xb7: {  	_ =	strace $0x9000004D  }
0xb8: {  	s0 =	stileid.u32;
	[bflag:$0x2] =	sbarrier.arrive $0xFFFF  }
0xb9: {  	p0 =	sne.s32 s0, $0x0;
	s0 =	rddreg [dreg:$0x2]  }
0xba: {  	s0 =	sadd.s32 @!p0 $0x100000, s0  }
0xbb: {  	[sflag:s0] =	ssyncadd.tile.s32 @!p0 $0x1;
	_ =	shalt  }
.Lfunc_end2:
_tile_overlayer_lowered:
.L_overlay_start_2:
0xbc: {  	(tag) =	ssettag $0x2  }
0xbd: {  	s0 =	rddreg [dreg:$0x0];
	s2 =	stileid.u32  }
0xbe: {  	s1 =	rddreg [dreg:$0x1];
	p0 =	sne.s32 s2, $0x0  }
0xbf: {  	s3 =	rddreg [dreg:$0x2];
	[bflag:$0x3] =	sbarrier.arrive $0xFFFF;
	s2 =	simm.s32 @!p0 $0x1C05  }
0xc0: {  	[timem:s3], [sflag:s2] =	dma.local @!p0 [hbm:s0], s1  }
0xc1: {  	s0 =	simm.s32 @!p0 $0x5  }
0xc2: {  	_ =	swait.ge @!p0 [sflag:s0], s1  }
0xc3: {  	s1 =	ssub.s32 @!p0 $0x0, s1;
	[sflag:s0] =	ssyncset.done @!p0 $0x0  }
0xc4: {  	[sflag:s0] =	ssyncadd.s32 @!p0 s1  }
0xc5: {  	[bflag:$0x3] =	sbarrier.arrive $0xFFFF  }
0xc6: {  	_ =	shalt  }

// kernel: kernel.8.cloned.1.call-start
scs
__scs_entry_jumppad:
0x0: {  	(pc) =	sbr.rel $0x88, $3  }
0x1: {  	(tag) =	ssettag $0x0;
	lr =	simm.s32 $0x1  }
0x2: {  	[smem:$0x3F94] =	sst lr;
	_ =	strace $0xD0000000  }
0x3: {  	_ = 	snop  }
0x4: {  	_ = 	snop  }
0x5: {  	_ = 	snop  }
0x6: {  	_ = 	snop  }
0x7: {  	_ = 	snop  }
__scs_overlays_trampoline_lowered:
0x8: {  	[smem:$0x3FA3] =	sst s0  }
0x9: {  	[smem:$0x3FA4] =	sst s1  }
0xa: {  	[smem:$0x3FA5] =	sst s2  }
0xb: {  	[smem:$0x3FA6] =	sst s3  }
0xc: {  	[smem:$0x3FA7] =	sst s4  }
0xd: {  	[smem:$0x3FA8] =	sst s5  }
0xe: {  	[smem:$0x3FA9] =	sst s6  }
0xf: {  	[smem:$0x3FAA] =	sst s7  }
0x10: {  	[smem:$0x3FAB] =	sst s8  }
0x11: {  	[smem:$0x3FAC] =	sst s9;
	s0 =	simm.s32 @!p0 $0x0  }
0x12: {  	s1 =	sld [smem:$0x3F92];
	s0 =	simm.s32 @p0 $0x1  }
0x13: {  	[smem:$0x3FAD] =	sst s0;
	s0 =	simm.s32 @!p1 $0x0  }
0x14: {  	s2 =	sld [smem:$0x3F91];
	s0 =	simm.s32 @p1 $0x1  }
0x15: {  	[smem:$0x3FAE] =	sst s0;
	s0 =	simm.s32 @!p2 $0x0  }
0x16: {  	s3 =	sld [smem:$0x3FDB];
	s0 =	simm.s32 @p2 $0x1  }
0x17: {  	s4 =	simm.s32 $0x1BF5;
	[smem:$0x3FB0] =	sst s0  }
0x18: {  	s0 =	sld [smem:$0x3F93];
	_ =	swait.ge [sflag:s4], $0x0  }
0x19: {  	s7 =	sld [smem:$0x3F94]  }
0x1a: {  	s8 =	sadd.s32 $0xFFFFE003, lr  }
0x1b: {  	s9 =	sadd.s32 $0xFFFFFEF7, lr;
	s5 =	simm.s32 $0xFFFFFFFF;
	p2 =	slt.u32 s8, $0xFFFFF086  }
0x1c: {  	p1 =	slt.u32 s9, $0xF7A;
	s5 =	simm.s32 @!p2 $0x0  }
0x1d: {  	s5 =	simm.s32 @p1 $0x1;
	p0 =	seq.s32 s7, s2  }
0x1e: {  	s7 =	smul.u32 @!p0 $0xF7A, s2;
	p2 =	seq.s32 @!p0 s5, $0x0  }
0x1f: {  	s9 =	smul.u32 $0xF7A, s1;
	s8 =	simm.s32 @!p0 $0x1BF5;
	p2 =	por !p2, p0  }
0x20: {  	[sflag:s8] =	ssyncset.s32 @!p0 $0xFFFFF086;
	s6 =	sadd.s32 @!p0 s3, s7;
	s7 =	simm.s32 @!p0 $0x108  }
0x21: {  	s3 =	sadd.s32 s3, s9;
	s6 =	sadd.s32 @!p0 $0x88, s6;
	s7 =	simm.s32 @p2 $0x1082  }
0x22: {  	[simem:s7], [sflag:s8] =	dma.local @!p0 [hbm:s6], $0xF7A  }
0x23: {  	s9 =	sor.u32 $0xD0000000, s2;
	s6 =	simm.s32 $0x108;
	_ =	swait.ge @!p0 [sflag:s8], $0x0  }
0x24: {  	s3 =	sadd.s32 $0x88, s3;
	s6 =	simm.s32 @!p1 $0x1082;
	[sflag:s4] =	ssyncset.s32 $0xFFFFF086  }
0x25: {  	[simem:s6], [sflag:s4] =	dma.local [hbm:s3], $0xF7A  }
0x26: {  	[smem:$0x3F94] =	sst s1;
	(tag) =	ssettag s2;
	_ =	strace s9  }
0x27: {  	s1 =	sld [smem:$0x3FA4]  }
0x28: {  	s2 =	sld [smem:$0x3FA5]  }
0x29: {  	s4 =	sld [smem:$0x3FA7]  }
0x2a: {  	p0 =	seq.s32 s5, $0x0;
	s5 =	sld [smem:$0x3FA8]  }
0x2b: {  	s6 =	sld [smem:$0x3FA9]  }
0x2c: {  	s7 =	sld [smem:$0x3FAA]  }
0x2d: {  	s3 =	simm.s32 $0x108;
	s8 =	sld [smem:$0x3FAB]  }
0x2e: {  	s3 =	simm.s32 @!p0 $0x1082;
	s9 =	sld [smem:$0x3FAC]  }
0x2f: {  	lr =	sadd.s32 s0, s3;
	s0 =	sld [smem:$0x3FA3]  }
0x30: {  	s3 =	sld [smem:$0x3FA6]  }
0x31: {  	[smem:$0x3FAF] =	sst s10  }
0x32: {  	s10 =	sld [smem:$0x3FAD];
	_ =	sdelay $0x3  }
0x33: {  	p0 =	seq.s32 s10, $0x1;
	s10 =	sld [smem:$0x3FAF];
	_ =	sdelay $0x3  }
0x34: {  	[smem:$0x3FAF] =	sst s10  }
0x35: {  	s10 =	sld [smem:$0x3FAE];
	_ =	sdelay $0x3  }
0x36: {  	p1 =	seq.s32 s10, $0x1;
	s10 =	sld [smem:$0x3FAF];
	_ =	sdelay $0x3  }
0x37: {  	[smem:$0x3FAF] =	sst s10  }
0x38: {  	s10 =	sld [smem:$0x3FB0]  }
0x39: {  	_ = 	snop;
	(pc) =	sbr.ind lr, $3  }
0x3a: {  	_ = 	snop  }
0x3b: {  	_ = 	snop  }
0x3c: {  	p2 =	seq.s32 s10, $0x1;
	s10 =	sld [smem:$0x3FAF]  }
0x3d: {  	_ =	shalt  }
0x3e: {  	_ =	shalt  }
0x3f: {  	_ =	shalt  }
0x40: {  	_ =	shalt  }
0x41: {  	_ =	shalt  }
0x42: {  	_ =	shalt  }
0x43: {  	_ =	shalt  }
0x44: {  	_ =	shalt  }
0x45: {  	_ =	shalt  }
0x46: {  	_ =	shalt  }
0x47: {  	_ =	shalt  }
0x48: {  	_ =	shalt  }
0x49: {  	_ =	shalt  }
0x4a: {  	_ =	shalt  }
0x4b: {  	_ =	shalt  }
0x4c: {  	_ =	shalt  }
0x4d: {  	_ =	shalt  }
0x4e: {  	_ =	shalt  }
0x4f: {  	_ =	shalt  }
0x50: {  	_ =	shalt  }
0x51: {  	_ =	shalt  }
0x52: {  	_ =	shalt  }
0x53: {  	_ =	shalt  }
0x54: {  	_ =	shalt  }
0x55: {  	_ =	shalt  }
0x56: {  	_ =	shalt  }
0x57: {  	_ =	shalt  }
0x58: {  	_ =	shalt  }
0x59: {  	_ =	shalt  }
0x5a: {  	_ =	shalt  }
0x5b: {  	_ =	shalt  }
0x5c: {  	_ =	shalt  }
0x5d: {  	_ =	shalt  }
0x5e: {  	_ =	shalt  }
0x5f: {  	_ =	shalt  }
0x60: {  	_ =	shalt  }
0x61: {  	_ =	shalt  }
0x62: {  	_ =	shalt  }
0x63: {  	_ =	shalt  }
0x64: {  	_ =	shalt  }
0x65: {  	_ =	shalt  }
0x66: {  	_ =	shalt  }
0x67: {  	_ =	shalt  }
0x68: {  	_ =	shalt  }
0x69: {  	_ =	shalt  }
0x6a: {  	_ =	shalt  }
0x6b: {  	_ =	shalt  }
0x6c: {  	_ =	shalt  }
0x6d: {  	_ =	shalt  }
0x6e: {  	_ =	shalt  }
0x6f: {  	_ =	shalt  }
0x70: {  	_ =	shalt  }
0x71: {  	_ =	shalt  }
0x72: {  	_ =	shalt  }
0x73: {  	_ =	shalt  }
0x74: {  	_ =	shalt  }
0x75: {  	_ =	shalt  }
0x76: {  	_ =	shalt  }
0x77: {  	_ =	shalt  }
0x78: {  	_ =	shalt  }
0x79: {  	_ =	shalt  }
0x7a: {  	_ =	shalt  }
0x7b: {  	_ =	shalt  }
0x7c: {  	_ =	shalt  }
0x7d: {  	_ =	shalt  }
0x7e: {  	_ =	shalt  }
0x7f: {  	_ =	shalt  }
0x80: {  	_ =	shalt  }
0x81: {  	_ =	shalt  }
0x82: {  	_ =	shalt  }
0x83: {  	_ =	shalt  }
0x84: {  	_ =	shalt  }
0x85: {  	_ =	shalt  }
0x86: {  	_ =	shalt  }
0x87: {  	_ =	shalt  }
.Lfunc_end0:
.L_simem_size_0:
called_computation_lowered:
.L_overlay_start_0:
0x88: {  	s2 =	sld [smem:$0x3FD9]  }
0x89: {  	s3 =	sld [smem:$0x3FFE];
	_ =	sdelay $0x1  }
0x8a: {  	s1 =	srdreg.scid  }
0x8b: {  	s0 =	sand.u32 $0x1, s1  }
0x8c: {  	s17 =	sshll.u32 s0, $0xA;
	s2 =	sadd.s32 s3, s2  }
0x8d: {  	s2 =	sadd.s32 s2, s17  }
0x8e: {  	[smem:$0x3FBB] =	sst s2  }
0x8f: {  	_ = 	snop  }
0x90: {  	s2 =	sld [smem:$0x3FD0];
	(tm) =	ssettm $0x1  }
0x91: {  	s18 =	sld [smem:$0x3FFB];
	_ =	sdelay $0x3  }
0x92: {  	_ =	strace s18  }
0x93: {  	s3 =	sld [smem:$0x3FFC];
	_ =	sdelay $0x3  }
0x94: {  	_ =	strace s3  }
0x95: {  	s3 =	sld [smem:$0x3FFD];
	_ =	sdelay $0x3  }
0x96: {  	_ =	strace s3  }
0x97: {  	_ =	strace $0x8FFFFFFF  }
0x98: {  	s19 =	sld [smem:$0x3FDB];
	_ =	sdelay $0x1  }
0x99: {  	s4 =	simm.s32 $_scs_section_size  }
0x9a: {  	s5 =	simm.s32 $_size__tile_overlayer_lowered;
	s6 =	simm.s32 $_tile_overlayer_lowered  }
0x9b: {  	s22 =	simm.s32 $0x1BFF;
	s21 =	sshll.u32 s6, $0x1;
	s3 =	sadd.s32 s4, s19  }
0x9c: {  	s7 =	simm.s32 $0x0;
	s20 =	sshll.u32 s5, $0x1;
	s5 =	sadd.s32 s21, s3  }
0x9d: {  	[timem:s7], [sflag:s22] =	dma.local [hbm:s5], s20  }
0x9e: {  	_ =	swait.ge [sflag:s22], s20  }
0x9f: {  	s4 =	ssub.s32 $0x0, s20;
	[sflag:s22] =	ssyncset.done $0x0  }
0xa0: {  	[sflag:s22] =	ssyncadd.s32 s4;
	_ =	sdelay $0x1  }
0xa1: {  	s23 =	simm.s32 $0x1B8B  }
0xa2: {  	_ =	swait.ge [sflag:s23], $0x1  }
0xa3: {  	[sflag:s23] =	ssyncset.done $0x0  }
0xa4: {  	s25 =	simm.s32 $0x1B8E;
	s24 =	sld [smem:$0x3FFE];
	[sflag:s23] =	ssyncadd.s32 $0xFFFFFFFF  }
0xa5: {  	s26 =	simm.s32 $execute0_lowered;
	[smem:$0x3FD2] =	sst s25  }
0xa6: {  	s5 =	sshll.u32 s26, $0x1;
	_ =	strace $0x80000046;
	[dreg:$0x1] =	wrdreg $0xFFFFFFFF  }
0xa7: {  	s28 =	simm.s32 $_size_execute0_lowered;
	s3 =	sadd.s32 s3, s5;
	[dreg:$0x0] =	wrdreg $0x0  }
0xa8: {  	s5 =	sshll.u32 s28, $0x1;
	[dreg:$0x2] =	wrdreg s3  }
0xa9: {  	[dreg:$0x3] =	wrdreg s5  }
0xaa: {  	[dreg:$0x4] =	wrdreg $0xC0  }
0xab: {  	_ =	task [dreg:s7], $0x5FFFF  }
0xac: {  	[dreg:$0x1] =	wrdreg $0xFFFFFFFF  }
0xad: {  	[dreg:$0x0] =	wrdreg $0x60  }
0xae: {  	[dreg:$0x2] =	wrdreg s24  }
0xaf: {  	[dreg:$0x3] =	wrdreg s2  }
0xb0: {  	[dreg:$0x4] =	wrdreg $0x28800  }
0xb1: {  	[dreg:$0x5] =	wrdreg $0x9  }
0xb2: {  	_ =	task.clear_ibuf [dreg:s7], $0x6FFFF;
	_ =	strace $0x90000046  }
0xb3: {  	s29 =	simm.s32 $0x9;
	_ =	strace $0x80000048  }
0xb4: {  	_ =	swait.ge [sflag:s29], $0x1  }
0xb5: {  	[sflag:s29] =	ssyncadd.s32 $0xFFFFFFFF  }
0xb6: {  	_ =	strace $0x90000048  }
0xb7: {  	_ =	sfence  }
0xb8: {  	s30 =	sld [smem:$0x0];
	_ =	sdelay $0x2  }
0xb9: {  	s31 =	sshll.u32 s1, $0xD;
	s1 =	sshrl.u32 s1, $0x2  }
0xba: {  	s3 =	sand.u32 $0x4000, s31;
	s1 =	sadd.s32 s1, s30  }
0xbb: {  	s0 =	sor.u32 s3, s0;
	s1 =	sshll.u32 s1, $0x11  }
0xbc: {  	s0 =	sor.u32 s1, s0  }
0xbd: {  	s0 =	sadd.s32 $0x8F2B, s0  }
0xbe: {  	[sflag:s0] =	ssyncadd.remote.s32 $0x1  }
0xbf: {  	_ =	sfence.sel $0xFFFF  }
0xc0: {  	[dreg:$0x0] =	wrdreg $0xFFFFFFFF;
	(pc) =	sbr.abs _section_cstart, $3  }
0xc1: {  	[dreg:$0x1] =	wrdreg $0xFFFFFFFF  }
0xc2: {  	_ =	task.clear_ibuf [dreg:s7], $0x2FFFF;
	_ =	strace $0x9FFFFFFF  }
0xc3: {  	(tm) =	ssettm $0x7FFFFFFF  }
tec
execute0_lowered:
.L_overlay_start_1:
0x0: {  	(tag) =	ssettag $0x1  }
0x1: {  	s6 =	rddreg [dreg:$0x0]  }
0x2: {  	s2 =	rddreg [dreg:$0x1];
	s0 =	srdreg.scid  }
0x3: {  	s3 =	rddreg [dreg:$0x2];
	s1 =	stileid.u32  }
0x4: {  	s4 =	simm.s32 $0x0;
	s13 =	simm.s32 $0x80;
	s14 =	simm.s32 $0x1  }
0x5: {  	s15 =	simm.s32 $0x0;
	s5 =	sand.u32 $0x1, s0;
	s0 =	rddreg [dreg:$0x3]  }
0x6: {  	s8 =	smul.u32 $0x280, s1;
	[smem:$0x7FF] =	sst s4;
	s31 =	sshll.u32 s1, $0x6  }
0x7: {  	s7 =	sshll.u32 s5, $0x4;
	s9 =	smul.u32 $0x2800, s5;
	_ =	strace $0x80000047  }
0x8: {  	s10 =	ssub.s32 $0x2, s5;
	s5 =	sadd.s32 $0x17E00, s6;
	s7 =	sor.u32 s1, s7  }
0x9: {  	s11 =	sshrl.u32 s10, $0x1;
	s12 =	sadd.s32 s8, s3;
	s7 =	smul.u32 $0x500, s7  }
0xa: {  	s9 =	sadd.s32 s8, s9;
	s10 =	ssub.s32 s10, s11;
	s11 =	sor.u32 $0x1C02, s31  }
0xb: {  	s12 =	sshrl.u32 s12, $0x3;
	s9 =	sshrl.u32 s9, $0x3;
	s8 =	smax.u32 s10, $0x1  }
0xc: {  	s10 =	simm.s32 $0x2800;
	s7 =	sadd.s32 s7, s6;
	s9 =	sadd.s32 s9, s6  }
0xd: {  	s6 =	sadd.s32 $0xDE00, s7;
	s7 =	sadd.s32 $0x18000, s9;
	s9 =	simm.s32 $0x2  }
.LBB2_1:
0xe: {  	[tilespmem:s4], [sflag:$0x2] =	stream.linear.gather [hbm4b:s6+s4], $0x2800, $0x38;
	[tilespmem:$0x2B00] =	vst v63  }
0xf: {  	_ =	swait.ge [sflag:s9], $0x2800  }
0x10: {  	[sflag:s9] =	ssyncset.done $0x0  }
0x11: {  	[sflag:s9] =	ssyncadd.s32 $0xFFFFD800  }
0x12: {  	[tilespmem:s10], [sflag:$0x2] =	stream.linear.gather [hbm4b:s5+s4], $0x80, $0x38;
	[tilespmem:$0x2B00] =	vst v63  }
0x13: {  	_ =	swait.ge [sflag:s9], $0x80  }
0x14: {  	[sflag:s9] =	ssyncset.done $0x0  }
0x15: {  	[sflag:s9] =	ssyncadd.s32 $0xFFFFFF80  }
0x16: {  	[spmem:s12], [sflag:s11] =	dma.local [hbm:s2], $0x50  }
0x17: {  	_ =	swait.ge [sflag:s9], $0x50  }
0x18: {  	[sflag:s9] =	ssyncset.done $0x0  }
0x19: {  	[sflag:s9] =	ssyncadd.s32 $0xFFFFFFB0  }
0x1a: {  	s16 =	simm.s32 $0x0;
	[bflag:$0x0] =	sbarrier.arrive $0xFFFF  }
.LBB2_2:
0x1b: {  	p0 =	sne.s32 s16, $0x9E00  }
.Ltmp0:
0x1c: {  	_ = 	snop;
	(pc) =	sbr.rel @p0 .LBB2_2-.Ltmp0, $3  }
0x1d: {  	_ =	sdelay $0x1  }
0x1e: {  	s17 =	sshra.s32 s16, $0x2;
	s16 =	sadd.s32 $0x200, s16  }
0x1f: {  	[spmem:s3] =	stream.indirect.scatter.add.f32 [tilespmem:s10], [sflag:$0x1], $0x1, s17, s13, $0xb8;
	[tilespmem:$0x2B00] =	vst v63  }
0x20: {  	_ =	swait.ge [sflag:s14], $0x80  }
0x21: {  	s16 =	simm.s32 $0x4F;
	[sflag:s14] =	ssyncset.done $0x0  }
.LBB2_4:
0x22: {  	p0 =	sne.s32 s16, $0x1;
	s16 =	sadd.s32 $0xFFFFFFFF, s16;
	[sflag:s14] =	ssyncadd.s32 $0xFFFFFF80  }
.Ltmp1:
0x23: {  	(pc) =	sbr.rel @p0 .LBB2_4-.Ltmp1, $3  }
0x24: {  	_ =	sdelay $0x1  }
0x25: {  	_ =	swait.ge [sflag:s14], $0x80  }
0x26: {  	[sflag:s14] =	ssyncset.done $0x0  }
0x27: {  	s15 =	sadd.s32 $0x1, s15  }
0x28: {  	[sflag:s14] =	ssyncadd.s32 $0xFFFFFF80;
	p0 =	sne.s32 s15, s8  }
.Ltmp2:
0x29: {  	[bflag:$0x0] =	sbarrier.arrive $0xFFFF;
	(pc) =	sbr.rel @p0 .LBB2_1-.Ltmp2, $4  }
0x2a: {  	[hbm:s7], [sflag:s11] =	dma.local [spmem:s12], $0x50  }
0x2b: {  	_ =	swait.ge [sflag:s9], $0x50  }
0x2c: {  	[sflag:s9] =	ssyncset.done $0x0  }
0x2d: {  	[sflag:s9] =	ssyncadd.s32 $0xFFFFFFB0  }
0x2e: {  	_ =	sfence.sel $0x180000  }
0x2f: {  	[bflag:$0x0] =	sbarrier.arrive $0xFFFF  }
0x30: {  	p0 =	sne.s32 s1, $0x0;
	_ =	strace $0x90000047  }
0x31: {  	s0 =	sadd.s32 @!p0 $0x100000, s0;
	[bflag:$0x2] =	sbarrier.arrive $0xFFFF  }
0x32: {  	[sflag:s0] =	ssyncadd.tile.s32 @!p0 $0x1;
	_ =	shalt  }
.Lfunc_end2:
_tile_overlayer_lowered:
.L_overlay_start_2:
0x33: {  	(tag) =	ssettag $0x2  }
0x34: {  	s0 =	rddreg [dreg:$0x0];
	s2 =	stileid.u32  }
0x35: {  	s1 =	rddreg [dreg:$0x1];
	p0 =	sne.s32 s2, $0x0  }
0x36: {  	s3 =	rddreg [dreg:$0x2];
	[bflag:$0x3] =	sbarrier.arrive $0xFFFF;
	s2 =	simm.s32 @!p0 $0x1C02  }
0x37: {  	[timem:s3], [sflag:s2] =	dma.local @!p0 [hbm:s0], s1  }
0x38: {  	s0 =	simm.s32 @!p0 $0x2  }
0x39: {  	_ =	swait.ge @!p0 [sflag:s0], s1  }
0x3a: {  	s1 =	ssub.s32 @!p0 $0x0, s1;
	[sflag:s0] =	ssyncset.done @!p0 $0x0  }
0x3b: {  	[sflag:s0] =	ssyncadd.s32 @!p0 s1  }
0x3c: {  	[bflag:$0x3] =	sbarrier.arrive $0xFFFF  }
0x3d: {  	_ =	shalt  }

</sc_bundles>
